<compile_context>
chip_gen: v7x
topology: tpu7x:2x2x1
jax: 0.10.2.dev20260603
libtpu: 0.0.44.dev20260713+nightly
codegen_flags: <defaults>
</compile_context>

<pallas_src>
import dataclasses
import functools

import jax
import jax.numpy as jnp
from jax import lax
from jax.experimental import pallas as pl
from jax.experimental.pallas import tpu as pltpu
from jax.experimental.pallas import tpu_sc as plsc

NUM_LAYERS = 4
NUM_TOKENS = 16384
NUM_SLOTS = 32768
HEAD_DIM = 128
LANES = 16

NUM_WORKERS = 32
SHARDS_PER_LAYER = NUM_WORKERS // NUM_LAYERS
SLOTS_PER_SHARD = NUM_SLOTS // SHARDS_PER_LAYER
WK = 64
NWK = -(-SLOTS_PER_SHARD // WK)
DEPTH = 3
LOOKAHEAD = 2
WZ = 64
NWZ = -(-SLOTS_PER_SHARD // WZ)
SLOT_CHUNK = NUM_TOKENS // 2
LIST_GUARD = max(NWK * WK, NWZ * WZ) + LANES

V_PLANE_OFF = NUM_LAYERS * NUM_SLOTS


def _bcast0(x):
    dnums = lax.GatherDimensionNumbers(
        offset_dims=(), collapsed_slice_dims=(0,), start_index_map=(0,))
    idx = jnp.zeros((LANES, 1), jnp.int32)
    return lax.gather(x, idx, dnums, (1,),
                      mode=lax.GatherScatterMode.PROMISE_IN_BOUNDS)


def _sc_write(k_flat, v_flat, slots32):
    mesh = plsc.VectorSubcoreMesh(core_axis_name="core", subcore_axis_name="subcore")
    cp = pltpu.CompilerParams()
    if "needs_layout_passes" in pltpu.CompilerParams.__dataclass_fields__:
        cp = dataclasses.replace(cp, needs_layout_passes=False)

    @functools.partial(
        pl.kernel,
        compiler_params=cp,
        out_type=jax.ShapeDtypeStruct((2, NUM_LAYERS * NUM_SLOTS, HEAD_DIM),
                                      jnp.float32),
        mesh=mesh,
        scratch_types=[
            pltpu.VMEM((SLOT_CHUNK,), jnp.int32),
            pltpu.VMEM((SLOTS_PER_SHARD,), jnp.int32),
            pltpu.VMEM((LIST_GUARD,), jnp.int32),
            pltpu.VMEM((LIST_GUARD,), jnp.int32),
            pltpu.VMEM((LIST_GUARD,), jnp.int32),
            pltpu.VMEM((NWK, WK), jnp.int32),
            pltpu.VMEM((NWK, WK), jnp.int32),
            pltpu.VMEM((NWZ, WZ), jnp.int32),
            pltpu.VMEM((DEPTH, WK, HEAD_DIM), jnp.float32),
            pltpu.VMEM((DEPTH, WK, HEAD_DIM), jnp.float32),
            pltpu.VMEM((WZ, HEAD_DIM), jnp.float32),
            pltpu.SemaphoreType.DMA,
            pltpu.SemaphoreType.DMA,
            pltpu.SemaphoreType.DMA,
            pltpu.SemaphoreType.DMA,
            pltpu.SemaphoreType.DMA,
        ],
    )
    def body(k_hbm, v_hbm, slots_hbm, out_hbm,
             slots_v, winner, tokb, kdstb, zkb,
             tok2, kdst2, zk2, stk, stv, zbuf,
             sgk, sgv, ssk, ssv, sz):
        wid = lax.axis_index("subcore") * 2 + lax.axis_index("core")
        layer = wid // SHARDS_PER_LAYER
        base = (wid % SHARDS_PER_LAYER) * SLOTS_PER_SHARD

        lane = lax.iota(jnp.int32, LANES)
        zeros_i = jnp.zeros((LANES,), jnp.int32)
        zeros_f = jnp.zeros((LANES,), jnp.float32)

        @pl.loop(0, SLOTS_PER_SHARD, step=8 * LANES)
        def _(i):
            for u in range(8):
                winner[pl.ds(i + u * LANES, LANES)] = zeros_i

        @pl.loop(0, WZ, step=8)
        def _(r):
            for u in range(8):
                for c in range(0, HEAD_DIM, LANES):
                    zbuf[r + u, pl.ds(c, LANES)] = zeros_f

        for half in range(NUM_TOKENS // SLOT_CHUNK):
            pltpu.sync_copy(
                slots_hbm.at[layer, pl.ds(half * SLOT_CHUNK, SLOT_CHUNK)],
                slots_v)

            @pl.loop(0, SLOT_CHUNK, step=4 * LANES)
            def _(t, half=half):
                for u in range(4):
                    tt = t + u * LANES
                    s = slots_v[pl.ds(tt, LANES)]
                    inr = jnp.logical_and(s >= base, s < base + SLOTS_PER_SHARD)
                    plsc.store_scatter(winner, [s - base],
                                       lane + tt + half * SLOT_CHUNK + 1,
                                       mask=inr)

        def zcopy(w):
            for c in range(0, WZ, LANES):
                zk2[w, pl.ds(c, LANES)] = zkb[pl.ds(w * WZ + c, LANES)]

        def zlaunch(w):
            pltpu.async_copy(zbuf, out_hbm.at[0].at[zk2.at[w]], sz)
            pltpu.async_copy(zbuf, out_hbm.at[1].at[zk2.at[w]], sz)

        def compact_body(i, carry):
            cw, cl = carry
            w = winner[pl.ds(i * LANES, LANES)]
            mwin = jnp.not_equal(w, 0)
            mlose = jnp.logical_not(mwin)
            slot_g = base + i * LANES + lane
            tok = w - 1 + layer * NUM_TOKENS
            kdst = slot_g + layer * NUM_SLOTS
            plsc.store_compressed(tokb.at[pl.ds(cw, LANES)], tok, mask=mwin)
            plsc.store_compressed(kdstb.at[pl.ds(cw, LANES)], kdst, mask=mwin)
            plsc.store_compressed(zkb.at[pl.ds(cl, LANES)], kdst, mask=mlose)
            nwin = jnp.sum(mwin.astype(jnp.int32))
            cl_new = cl + (LANES - nwin)

            @pl.when(cl_new // WZ > cl // WZ)
            def _():
                zcopy(cl // WZ)
                zlaunch(cl // WZ)

            return (cw + nwin, cl_new)

        cw, cl = lax.fori_loop(0, SLOTS_PER_SHARD // LANES, compact_body, (0, 0))

        n_wk = (cw + WK - 1) // WK
        n_wz = (cl + WZ - 1) // WZ

        def pad(buf, count, limit):
            p0 = _bcast0(buf[pl.ds(0, LANES)])
            npad = (limit - count + LANES - 1) // LANES

            def pbody(j, _):
                buf[pl.ds(count + j * LANES, LANES)] = p0
                return 0

            lax.fori_loop(0, npad, pbody, 0)

        pad(tokb, cw, n_wk * WK)
        pad(kdstb, cw, n_wk * WK)

        @pl.when(n_wz * WZ > cl - cl % WZ)
        def _():
            @pl.when(cl % WZ > 0)
            def _():
                pad(zkb, cl, n_wz * WZ)
                zcopy(cl // WZ)
                zlaunch(cl // WZ)

        def to2d(buf, ref2, nwindows, w):
            def cbody(j, _):
                @pl.loop(0, w, step=LANES)
                def _(c):
                    ref2[j, pl.ds(c, LANES)] = buf[pl.ds(j * w + c, LANES)]
                return 0

            lax.fori_loop(0, nwindows, cbody, 0)

        to2d(tokb, tok2, n_wk, WK)
        to2d(kdstb, kdst2, n_wk, WK)

        def g_k(j, b):
            return pltpu.make_async_copy(k_hbm.at[tok2.at[j]], stk.at[b], sgk)

        def g_v(j, b):
            return pltpu.make_async_copy(v_hbm.at[tok2.at[j]], stv.at[b], sgv)

        def s_k(j, b):
            return pltpu.make_async_copy(stk.at[b], out_hbm.at[0].at[kdst2.at[j]],
                                         ssk)

        def s_v(j, b):
            return pltpu.make_async_copy(stv.at[b], out_hbm.at[1].at[kdst2.at[j]],
                                         ssv)

        SLACK = DEPTH - LOOKAHEAD

        @pl.when(jnp.logical_and(n_wk > 0, False))
        def _():
            for i in range(LOOKAHEAD):
                @pl.when(i < n_wk)
                def _(i=i):
                    g_k(i, i).start()
                    g_v(i, i).start()

            def win_body(j, _):
                b = j % DEPTH

                @pl.when(j + LOOKAHEAD < n_wk)
                def _():
                    nb = (j + LOOKAHEAD) % DEPTH

                    @pl.when(j >= SLACK)
                    def _():
                        s_k(j - SLACK, nb).wait()
                        s_v(j - SLACK, nb).wait()

                    g_k(j + LOOKAHEAD, nb).start()
                    g_v(j + LOOKAHEAD, nb).start()

                g_k(j, b).wait()
                s_k(j, b).start()
                g_v(j, b).wait()
                s_v(j, b).start()
                return 0

            lax.fori_loop(0, n_wk, win_body, 0)
            for i in range(DEPTH):
                @pl.when(n_wk - 1 - i >= 0)
                def _(i=i):
                    jj = n_wk - 1 - i
                    s_k(jj, jj % DEPTH).wait()
                    s_v(jj, jj % DEPTH).wait()

        def zdrain(j, _):
            pltpu.make_async_copy(zbuf, out_hbm.at[0].at[zk2.at[0]], sz).wait()
            pltpu.make_async_copy(zbuf, out_hbm.at[1].at[zk2.at[0]], sz).wait()
            return 0

        lax.fori_loop(0, n_wz, zdrain, 0)

    return body(k_flat, v_flat, slots32)


def kernel(kv_cache, k_new, v_new, slot_mapping):
    del kv_cache
    k_flat = k_new.reshape(NUM_LAYERS * NUM_TOKENS, HEAD_DIM)
    v_flat = v_new.reshape(NUM_LAYERS * NUM_TOKENS, HEAD_DIM)
    slots32 = slot_mapping.astype(jnp.int32)
    out_planes = _sc_write(k_flat, v_flat, slots32)
    return out_planes.reshape(2, NUM_LAYERS, NUM_SLOTS, HEAD_DIM)

# --- scband reference (transcript-rebuilt; emitter-appended) ---
"""Pipeline reference for scband-paged-kvcache-85925115723784 (READ-ONLY COPY).

The authoritative reference and input builder live on the scoring server;
editing this copy changes nothing except your own understanding.
"""

import jax, jax.numpy as jnp
import numpy as np

NUM_LAYERS = 4
NUM_PAGES = 2048
PAGE_SIZE = 16
HEAD_DIM = 128
NUM_SLOTS = NUM_PAGES * PAGE_SIZE  # 32768
NUM_NEW_TOKENS = 16384


def setup_inputs(seed: int = 0) -> dict:
    key = jax.random.key(seed)
    k1, k2, k3, k4 = jax.random.split(key, 4)
    # Global paged KV backing buffer: [2 (K/V), num_layers, num_pages*page_size, head_dim]
    kv_cache = jnp.zeros((2, NUM_LAYERS, NUM_SLOTS, HEAD_DIM), dtype=jnp.float32)
    # New K/V tokens to write, per layer
    k_new = jax.random.normal(k1, (NUM_LAYERS, NUM_NEW_TOKENS, HEAD_DIM), dtype=jnp.float32)
    v_new = jax.random.normal(k2, (NUM_LAYERS, NUM_NEW_TOKENS, HEAD_DIM), dtype=jnp.float32)
    # Physical slot for each new token (page_table-resolved flat index into the
    # token dimension of the global cache), per layer.
    slot_mapping = jax.random.randint(k3, (NUM_LAYERS, NUM_NEW_TOKENS), 0, NUM_SLOTS, dtype=jnp.int32).astype(jnp.int64)
    return {"kv_cache": kv_cache, "k_new": k_new, "v_new": v_new, "slot_mapping": slot_mapping}


def reference(kv_cache, k_new, v_new, slot_mapping):
    """Paged KV-cache write: scatter (overwrite) new K and V token vectors into
    the global backing buffer at the physical slots resolved by the page table
    (slot_mapping), independently per layer. Returns the updated cache with the
    same layout [2, num_layers, num_pages*page_size, head_dim]."""
    # [2, L, N, D] -> [L, 2, N, D] so we can vmap over layers
    cache_ld = jnp.transpose(kv_cache, (1, 0, 2, 3))

    def write_layer(cache_l, k_l, v_l, idx_l):
        k_cache = cache_l[0].at[idx_l].set(k_l)
        v_cache = cache_l[1].at[idx_l].set(v_l)
        return jnp.stack([k_cache, v_cache], axis=0)

    updated = jax.vmap(write_layer)(cache_ld, k_new, v_new, slot_mapping)
    return jnp.transpose(updated, (1, 0, 2, 3))

if __name__ == "__main__":
    import jax
    _d = setup_inputs()
    print(jax.jit(kernel)(*tuple(_d.values())))

</pallas_src>

<mosaic_0001>
#map = affine_map<(d0, d1) -> (0, 0)>
#map1 = affine_map<(d0, d1) -> (0, 0, 0)>
module attributes {stable_mosaic.version = 14 : i64} {
  func.func @body(%arg0: i32, %arg1: i32, %arg2: memref<65536x128xf32, #tpu.memory_space<hbm>>, %arg3: memref<65536x128xf32, #tpu.memory_space<hbm>>, %arg4: memref<4x16384xi32, #tpu.memory_space<hbm>>, %arg5: memref<2x131072x128xf32, #tpu.memory_space<hbm>>, %arg6: memref<8192xi32, #tpu.memory_space<vmem>>, %arg7: memref<4096xi32, #tpu.memory_space<vmem>>, %arg8: memref<4112xi32, #tpu.memory_space<vmem>>, %arg9: memref<4112xi32, #tpu.memory_space<vmem>>, %arg10: memref<4112xi32, #tpu.memory_space<vmem>>, %arg11: memref<64x64xi32, #tpu.memory_space<vmem>>, %arg12: memref<64x64xi32, #tpu.memory_space<vmem>>, %arg13: memref<64x64xi32, #tpu.memory_space<vmem>>, %arg14: memref<3x64x128xf32, #tpu.memory_space<vmem>>, %arg15: memref<3x64x128xf32, #tpu.memory_space<vmem>>, %arg16: memref<64x128xf32, #tpu.memory_space<vmem>>, %arg17: memref<!tpu.dma_semaphore, #tpu.memory_space<semaphore_mem>>, %arg18: memref<!tpu.dma_semaphore, #tpu.memory_space<semaphore_mem>>, %arg19: memref<!tpu.dma_semaphore, #tpu.memory_space<semaphore_mem>>, %arg20: memref<!tpu.dma_semaphore, #tpu.memory_space<semaphore_mem>>, %arg21: memref<!tpu.dma_semaphore, #tpu.memory_space<semaphore_mem>>) attributes {dimension_semantics = [#tpu.dimension_semantics<core_parallel>, #tpu.dimension_semantics<subcore_parallel>], iteration_bounds = array<i64: 2, 16>, scalar_prefetch = 0 : i64, scratch_operands = 16 : i64, tpu.core_type = #tpu.core_type<sc_vector_subcore>, window_params = [{transform_indices = #map}, {transform_indices = #map}, {transform_indices = #map}, {transform_indices = #map1}]} {
    %mul3A = arith.constant 2 : i32
    %mul3A_0 = arith.muli %arg1, %mul3A : i32
    %add3A = arith.addi %mul3A_0, %arg0 : i32
    %jit3A = arith.constant 8 : i32
    %div3A = arith.divsi %add3A, %jit3A : i32
    %sign3A = arith.constant 0 : i32
    %sign3A_1 = arith.cmpi sgt, %add3A, %sign3A : i32
    %sign3A_2 = arith.extui %sign3A_1 : i1 to i32
    %sign3A_3 = arith.constant 0 : i32
    %sign3A_4 = arith.cmpi slt, %add3A, %sign3A_3 : i32
    %sign3A_5 = arith.extui %sign3A_4 : i1 to i32
    %sign3A_6 = arith.subi %sign3A_2, %sign3A_5 : i32
    %sign3A_7 = arith.constant 0 : i32
    %sign3A_8 = arith.cmpi sgt, %jit3A, %sign3A_7 : i32
    %sign3A_9 = arith.extui %sign3A_8 : i1 to i32
    %sign3A_10 = arith.constant 0 : i32
    %sign3A_11 = arith.cmpi slt, %jit3A, %sign3A_10 : i32
    %sign3A_12 = arith.extui %sign3A_11 : i1 to i32
    %sign3A_13 = arith.subi %sign3A_9, %sign3A_12 : i32
    %ne3A = arith.cmpi ne, %sign3A_6, %sign3A_13 : i32
    %rem3A = arith.remsi %add3A, %jit3A : i32
    %ne3A_14 = arith.constant 0 : i32
    %ne3A_15 = arith.cmpi ne, %rem3A, %ne3A_14 : i32
    %and3A = arith.andi %ne3A, %ne3A_15 : i1
    %sub3A = arith.constant 1 : i32
    %sub3A_16 = arith.subi %div3A, %sub3A : i32
    %select_n3A = arith.select %and3A, %sub3A_16, %div3A : i32
    %jit3A_17 = arith.constant 8 : i32
    %eq3A = arith.constant 0 : i32
    %eq3A_18 = arith.cmpi eq, %jit3A_17, %eq3A : i32
    %jit3A_19 = arith.constant 1 : i32
    %select_n3A_20 = arith.select %eq3A_18, %jit3A_19, %jit3A_17 : i32
    %rem3A_21 = arith.remsi %add3A, %select_n3A_20 : i32
    %ne3A_22 = arith.constant 0 : i32
    %ne3A_23 = arith.cmpi ne, %rem3A_21, %ne3A_22 : i32
    %lt3A = arith.constant 0 : i32
    %lt3A_24 = arith.cmpi slt, %rem3A_21, %lt3A : i32
    %lt3A_25 = arith.constant 0 : i32
    %lt3A_26 = arith.cmpi slt, %select_n3A_20, %lt3A_25 : i32
    %ne3A_27 = arith.xori %lt3A_24, %lt3A_26 : i1
    %and3A_28 = arith.andi %ne3A_27, %ne3A_23 : i1
    %add3A_29 = arith.addi %rem3A_21, %select_n3A_20 : i32
    %select_n3A_30 = arith.select %and3A_28, %add3A_29, %rem3A_21 : i32
    %mul3A_31 = arith.constant 4096 : i32
    %mul3A_32 = arith.muli %select_n3A_30, %mul3A_31 : i32
    %iota3A = tpu.iota {dimensions = array<i32: 0>} : vector<16xi32>
    %broadcast_in_dim3A = arith.constant 0 : i32
    %broadcast_in_dim3A_33 = vector.broadcast %broadcast_in_dim3A : i32 to vector<16xi32>
    %broadcast_in_dim3A_34 = arith.constant 0.000000e+00 : f32
    %broadcast_in_dim3A_35 = vector.broadcast %broadcast_in_dim3A_34 : f32 to vector<16xf32>
    %scan3A = arith.constant 0 : i32
    %scan3A_36 = arith.constant 32 : i32
    %scan3A_37 = arith.addi %scan3A, %scan3A_36 : i32
    %scan3A_38 = arith.constant 1 : i32
    scf.for %scan3A_277 = %scan3A to %scan3A_37 step %scan3A_38  : i32 {
      %mul3A_278 = arith.constant 128 : i32
      %mul3A_279 = arith.muli %scan3A_277, %mul3A_278 : i32
      %add3A_280 = arith.constant 0 : i32
      %add3A_281 = arith.addi %add3A_280, %mul3A_279 : i32
      %add3A_282 = arith.constant 0 : i32
      %add3A_283 = arith.addi %add3A_281, %add3A_282 : i32
      %swap3A = arith.index_cast %add3A_283 : i32 to index
      %swap3A_284 = tpu.vector_load %arg7[%swap3A] {strides = array<i32>} : memref<4096xi32, #tpu.memory_space<vmem>>, vector<16xi32>,
      tpu.vector_store %arg7[%swap3A], %broadcast_in_dim3A_33 {strides = array<i32>} : memref<4096xi32, #tpu.memory_space<vmem>>, vector<16xi32>,
      %add3A_285 = arith.constant 16 : i32
      %add3A_286 = arith.addi %add3A_281, %add3A_285 : i32
      %swap3A_287 = arith.index_cast %add3A_286 : i32 to index
      %swap3A_288 = tpu.vector_load %arg7[%swap3A_287] {strides = array<i32>} : memref<4096xi32, #tpu.memory_space<vmem>>, vector<16xi32>,
      tpu.vector_store %arg7[%swap3A_287], %broadcast_in_dim3A_33 {strides = array<i32>} : memref<4096xi32, #tpu.memory_space<vmem>>, vector<16xi32>,
      %add3A_289 = arith.constant 32 : i32
      %add3A_290 = arith.addi %add3A_281, %add3A_289 : i32
      %swap3A_291 = arith.index_cast %add3A_290 : i32 to index
      %swap3A_292 = tpu.vector_load %arg7[%swap3A_291] {strides = array<i32>} : memref<4096xi32, #tpu.memory_space<vmem>>, vector<16xi32>,
      tpu.vector_store %arg7[%swap3A_291], %broadcast_in_dim3A_33 {strides = array<i32>} : memref<4096xi32, #tpu.memory_space<vmem>>, vector<16xi32>,
      %add3A_293 = arith.constant 48 : i32
      %add3A_294 = arith.addi %add3A_281, %add3A_293 : i32
      %swap3A_295 = arith.index_cast %add3A_294 : i32 to index
      %swap3A_296 = tpu.vector_load %arg7[%swap3A_295] {strides = array<i32>} : memref<4096xi32, #tpu.memory_space<vmem>>, vector<16xi32>,
      tpu.vector_store %arg7[%swap3A_295], %broadcast_in_dim3A_33 {strides = array<i32>} : memref<4096xi32, #tpu.memory_space<vmem>>, vector<16xi32>,
      %add3A_297 = arith.constant 64 : i32
      %add3A_298 = arith.addi %add3A_281, %add3A_297 : i32
      %swap3A_299 = arith.index_cast %add3A_298 : i32 to index
      %swap3A_300 = tpu.vector_load %arg7[%swap3A_299] {strides = array<i32>} : memref<4096xi32, #tpu.memory_space<vmem>>, vector<16xi32>,
      tpu.vector_store %arg7[%swap3A_299], %broadcast_in_dim3A_33 {strides = array<i32>} : memref<4096xi32, #tpu.memory_space<vmem>>, vector<16xi32>,
      %add3A_301 = arith.constant 80 : i32
      %add3A_302 = arith.addi %add3A_281, %add3A_301 : i32
      %swap3A_303 = arith.index_cast %add3A_302 : i32 to index
      %swap3A_304 = tpu.vector_load %arg7[%swap3A_303] {strides = array<i32>} : memref<4096xi32, #tpu.memory_space<vmem>>, vector<16xi32>,
      tpu.vector_store %arg7[%swap3A_303], %broadcast_in_dim3A_33 {strides = array<i32>} : memref<4096xi32, #tpu.memory_space<vmem>>, vector<16xi32>,
      %add3A_305 = arith.constant 96 : i32
      %add3A_306 = arith.addi %add3A_281, %add3A_305 : i32
      %swap3A_307 = arith.index_cast %add3A_306 : i32 to index
      %swap3A_308 = tpu.vector_load %arg7[%swap3A_307] {strides = array<i32>} : memref<4096xi32, #tpu.memory_space<vmem>>, vector<16xi32>,
      tpu.vector_store %arg7[%swap3A_307], %broadcast_in_dim3A_33 {strides = array<i32>} : memref<4096xi32, #tpu.memory_space<vmem>>, vector<16xi32>,
      %add3A_309 = arith.constant 112 : i32
      %add3A_310 = arith.addi %add3A_281, %add3A_309 : i32
      %swap3A_311 = arith.index_cast %add3A_310 : i32 to index
      %swap3A_312 = tpu.vector_load %arg7[%swap3A_311] {strides = array<i32>} : memref<4096xi32, #tpu.memory_space<vmem>>, vector<16xi32>,
      tpu.vector_store %arg7[%swap3A_311], %broadcast_in_dim3A_33 {strides = array<i32>} : memref<4096xi32, #tpu.memory_space<vmem>>, vector<16xi32>,
    }
    %scan3A_39 = arith.constant 32 : i32
    %scan3A_40 = arith.constant 0 : i32
    %scan3A_41 = arith.constant 8 : i32
    %scan3A_42 = arith.addi %scan3A_40, %scan3A_41 : i32
    %scan3A_43 = arith.constant 1 : i32
    scf.for %scan3A_277 = %scan3A_40 to %scan3A_42 step %scan3A_43  : i32 {
      %mul3A_278 = arith.constant 8 : i32
      %mul3A_279 = arith.muli %scan3A_277, %mul3A_278 : i32
      %add3A_280 = arith.constant 0 : i32
      %add3A_281 = arith.addi %add3A_280, %mul3A_279 : i32
      %add3A_282 = arith.constant 0 : i32
      %add3A_283 = arith.addi %add3A_281, %add3A_282 : i32
      %swap3A = arith.index_cast %add3A_283 : i32 to index
      %swap3A_284 = arith.constant 0 : index
      %swap3A_285 = tpu.vector_load %arg16[%swap3A, %swap3A_284] {strides = array<i32>} : memref<64x128xf32, #tpu.memory_space<vmem>>, vector<16xf32>,
      tpu.vector_store %arg16[%swap3A, %swap3A_284], %broadcast_in_dim3A_35 {strides = array<i32>} : memref<64x128xf32, #tpu.memory_space<vmem>>, vector<16xf32>,
      %add3A_286 = arith.constant 0 : i32
      %add3A_287 = arith.addi %add3A_281, %add3A_286 : i32
      %swap3A_288 = arith.index_cast %add3A_287 : i32 to index
      %swap3A_289 = arith.constant 16 : index
      %swap3A_290 = tpu.vector_load %arg16[%swap3A_288, %swap3A_289] {strides = array<i32>} : memref<64x128xf32, #tpu.memory_space<vmem>>, vector<16xf32>,
      tpu.vector_store %arg16[%swap3A_288, %swap3A_289], %broadcast_in_dim3A_35 {strides = array<i32>} : memref<64x128xf32, #tpu.memory_space<vmem>>, vector<16xf32>,
      %add3A_291 = arith.constant 0 : i32
      %add3A_292 = arith.addi %add3A_281, %add3A_291 : i32
      %swap3A_293 = arith.index_cast %add3A_292 : i32 to index
      %swap3A_294 = arith.constant 32 : index
      %swap3A_295 = tpu.vector_load %arg16[%swap3A_293, %swap3A_294] {strides = array<i32>} : memref<64x128xf32, #tpu.memory_space<vmem>>, vector<16xf32>,
      tpu.vector_store %arg16[%swap3A_293, %swap3A_294], %broadcast_in_dim3A_35 {strides = array<i32>} : memref<64x128xf32, #tpu.memory_space<vmem>>, vector<16xf32>,
      %add3A_296 = arith.constant 0 : i32
      %add3A_297 = arith.addi %add3A_281, %add3A_296 : i32
      %swap3A_298 = arith.index_cast %add3A_297 : i32 to index
      %swap3A_299 = arith.constant 48 : index
      %swap3A_300 = tpu.vector_load %arg16[%swap3A_298, %swap3A_299] {strides = array<i32>} : memref<64x128xf32, #tpu.memory_space<vmem>>, vector<16xf32>,
      tpu.vector_store %arg16[%swap3A_298, %swap3A_299], %broadcast_in_dim3A_35 {strides = array<i32>} : memref<64x128xf32, #tpu.memory_space<vmem>>, vector<16xf32>,
      %add3A_301 = arith.constant 0 : i32
      %add3A_302 = arith.addi %add3A_281, %add3A_301 : i32
      %swap3A_303 = arith.index_cast %add3A_302 : i32 to index
      %swap3A_304 = arith.constant 64 : index
      %swap3A_305 = tpu.vector_load %arg16[%swap3A_303, %swap3A_304] {strides = array<i32>} : memref<64x128xf32, #tpu.memory_space<vmem>>, vector<16xf32>,
      tpu.vector_store %arg16[%swap3A_303, %swap3A_304], %broadcast_in_dim3A_35 {strides = array<i32>} : memref<64x128xf32, #tpu.memory_space<vmem>>, vector<16xf32>,
      %add3A_306 = arith.constant 0 : i32
      %add3A_307 = arith.addi %add3A_281, %add3A_306 : i32
      %swap3A_308 = arith.index_cast %add3A_307 : i32 to index
      %swap3A_309 = arith.constant 80 : index
      %swap3A_310 = tpu.vector_load %arg16[%swap3A_308, %swap3A_309] {strides = array<i32>} : memref<64x128xf32, #tpu.memory_space<vmem>>, vector<16xf32>,
      tpu.vector_store %arg16[%swap3A_308, %swap3A_309], %broadcast_in_dim3A_35 {strides = array<i32>} : memref<64x128xf32, #tpu.memory_space<vmem>>, vector<16xf32>,
      %add3A_311 = arith.constant 0 : i32
      %add3A_312 = arith.addi %add3A_281, %add3A_311 : i32
      %swap3A_313 = arith.index_cast %add3A_312 : i32 to index
      %swap3A_314 = arith.constant 96 : index
      %swap3A_315 = tpu.vector_load %arg16[%swap3A_313, %swap3A_314] {strides = array<i32>} : memref<64x128xf32, #tpu.memory_space<vmem>>, vector<16xf32>,
      tpu.vector_store %arg16[%swap3A_313, %swap3A_314], %broadcast_in_dim3A_35 {strides = array<i32>} : memref<64x128xf32, #tpu.memory_space<vmem>>, vector<16xf32>,
      %add3A_316 = arith.constant 0 : i32
      %add3A_317 = arith.addi %add3A_281, %add3A_316 : i32
      %swap3A_318 = arith.index_cast %add3A_317 : i32 to index
      %swap3A_319 = arith.constant 112 : index
      %swap3A_320 = tpu.vector_load %arg16[%swap3A_318, %swap3A_319] {strides = array<i32>} : memref<64x128xf32, #tpu.memory_space<vmem>>, vector<16xf32>,
      tpu.vector_store %arg16[%swap3A_318, %swap3A_319], %broadcast_in_dim3A_35 {strides = array<i32>} : memref<64x128xf32, #tpu.memory_space<vmem>>, vector<16xf32>,
      %add3A_321 = arith.constant 1 : i32
      %add3A_322 = arith.addi %add3A_281, %add3A_321 : i32
      %swap3A_323 = arith.index_cast %add3A_322 : i32 to index
      %swap3A_324 = arith.constant 0 : index
      %swap3A_325 = tpu.vector_load %arg16[%swap3A_323, %swap3A_324] {strides = array<i32>} : memref<64x128xf32, #tpu.memory_space<vmem>>, vector<16xf32>,
      tpu.vector_store %arg16[%swap3A_323, %swap3A_324], %broadcast_in_dim3A_35 {strides = array<i32>} : memref<64x128xf32, #tpu.memory_space<vmem>>, vector<16xf32>,
      %add3A_326 = arith.constant 1 : i32
      %add3A_327 = arith.addi %add3A_281, %add3A_326 : i32
      %swap3A_328 = arith.index_cast %add3A_327 : i32 to index
      %swap3A_329 = arith.constant 16 : index
      %swap3A_330 = tpu.vector_load %arg16[%swap3A_328, %swap3A_329] {strides = array<i32>} : memref<64x128xf32, #tpu.memory_space<vmem>>, vector<16xf32>,
      tpu.vector_store %arg16[%swap3A_328, %swap3A_329], %broadcast_in_dim3A_35 {strides = array<i32>} : memref<64x128xf32, #tpu.memory_space<vmem>>, vector<16xf32>,
      %add3A_331 = arith.constant 1 : i32
      %add3A_332 = arith.addi %add3A_281, %add3A_331 : i32
      %swap3A_333 = arith.index_cast %add3A_332 : i32 to index
      %swap3A_334 = arith.constant 32 : index
      %swap3A_335 = tpu.vector_load %arg16[%swap3A_333, %swap3A_334] {strides = array<i32>} : memref<64x128xf32, #tpu.memory_space<vmem>>, vector<16xf32>,
      tpu.vector_store %arg16[%swap3A_333, %swap3A_334], %broadcast_in_dim3A_35 {strides = array<i32>} : memref<64x128xf32, #tpu.memory_space<vmem>>, vector<16xf32>,
      %add3A_336 = arith.constant 1 : i32
      %add3A_337 = arith.addi %add3A_281, %add3A_336 : i32
      %swap3A_338 = arith.index_cast %add3A_337 : i32 to index
      %swap3A_339 = arith.constant 48 : index
      %swap3A_340 = tpu.vector_load %arg16[%swap3A_338, %swap3A_339] {strides = array<i32>} : memref<64x128xf32, #tpu.memory_space<vmem>>, vector<16xf32>,
      tpu.vector_store %arg16[%swap3A_338, %swap3A_339], %broadcast_in_dim3A_35 {strides = array<i32>} : memref<64x128xf32, #tpu.memory_space<vmem>>, vector<16xf32>,
      %add3A_341 = arith.constant 1 : i32
      %add3A_342 = arith.addi %add3A_281, %add3A_341 : i32
      %swap3A_343 = arith.index_cast %add3A_342 : i32 to index
      %swap3A_344 = arith.constant 64 : index
      %swap3A_345 = tpu.vector_load %arg16[%swap3A_343, %swap3A_344] {strides = array<i32>} : memref<64x128xf32, #tpu.memory_space<vmem>>, vector<16xf32>,
      tpu.vector_store %arg16[%swap3A_343, %swap3A_344], %broadcast_in_dim3A_35 {strides = array<i32>} : memref<64x128xf32, #tpu.memory_space<vmem>>, vector<16xf32>,
      %add3A_346 = arith.constant 1 : i32
      %add3A_347 = arith.addi %add3A_281, %add3A_346 : i32
      %swap3A_348 = arith.index_cast %add3A_347 : i32 to index
      %swap3A_349 = arith.constant 80 : index
      %swap3A_350 = tpu.vector_load %arg16[%swap3A_348, %swap3A_349] {strides = array<i32>} : memref<64x128xf32, #tpu.memory_space<vmem>>, vector<16xf32>,
      tpu.vector_store %arg16[%swap3A_348, %swap3A_349], %broadcast_in_dim3A_35 {strides = array<i32>} : memref<64x128xf32, #tpu.memory_space<vmem>>, vector<16xf32>,
      %add3A_351 = arith.constant 1 : i32
      %add3A_352 = arith.addi %add3A_281, %add3A_351 : i32
      %swap3A_353 = arith.index_cast %add3A_352 : i32 to index
      %swap3A_354 = arith.constant 96 : index
      %swap3A_355 = tpu.vector_load %arg16[%swap3A_353, %swap3A_354] {strides = array<i32>} : memref<64x128xf32, #tpu.memory_space<vmem>>, vector<16xf32>,
      tpu.vector_store %arg16[%swap3A_353, %swap3A_354], %broadcast_in_dim3A_35 {strides = array<i32>} : memref<64x128xf32, #tpu.memory_space<vmem>>, vector<16xf32>,
      %add3A_356 = arith.constant 1 : i32
      %add3A_357 = arith.addi %add3A_281, %add3A_356 : i32
      %swap3A_358 = arith.index_cast %add3A_357 : i32 to index
      %swap3A_359 = arith.constant 112 : index
      %swap3A_360 = tpu.vector_load %arg16[%swap3A_358, %swap3A_359] {strides = array<i32>} : memref<64x128xf32, #tpu.memory_space<vmem>>, vector<16xf32>,
      tpu.vector_store %arg16[%swap3A_358, %swap3A_359], %broadcast_in_dim3A_35 {strides = array<i32>} : memref<64x128xf32, #tpu.memory_space<vmem>>, vector<16xf32>,
      %add3A_361 = arith.constant 2 : i32
      %add3A_362 = arith.addi %add3A_281, %add3A_361 : i32
      %swap3A_363 = arith.index_cast %add3A_362 : i32 to index
      %swap3A_364 = arith.constant 0 : index
      %swap3A_365 = tpu.vector_load %arg16[%swap3A_363, %swap3A_364] {strides = array<i32>} : memref<64x128xf32, #tpu.memory_space<vmem>>, vector<16xf32>,
      tpu.vector_store %arg16[%swap3A_363, %swap3A_364], %broadcast_in_dim3A_35 {strides = array<i32>} : memref<64x128xf32, #tpu.memory_space<vmem>>, vector<16xf32>,
      %add3A_366 = arith.constant 2 : i32
      %add3A_367 = arith.addi %add3A_281, %add3A_366 : i32
      %swap3A_368 = arith.index_cast %add3A_367 : i32 to index
      %swap3A_369 = arith.constant 16 : index
      %swap3A_370 = tpu.vector_load %arg16[%swap3A_368, %swap3A_369] {strides = array<i32>} : memref<64x128xf32, #tpu.memory_space<vmem>>, vector<16xf32>,
      tpu.vector_store %arg16[%swap3A_368, %swap3A_369], %broadcast_in_dim3A_35 {strides = array<i32>} : memref<64x128xf32, #tpu.memory_space<vmem>>, vector<16xf32>,
      %add3A_371 = arith.constant 2 : i32
      %add3A_372 = arith.addi %add3A_281, %add3A_371 : i32
      %swap3A_373 = arith.index_cast %add3A_372 : i32 to index
      %swap3A_374 = arith.constant 32 : index
      %swap3A_375 = tpu.vector_load %arg16[%swap3A_373, %swap3A_374] {strides = array<i32>} : memref<64x128xf32, #tpu.memory_space<vmem>>, vector<16xf32>,
      tpu.vector_store %arg16[%swap3A_373, %swap3A_374], %broadcast_in_dim3A_35 {strides = array<i32>} : memref<64x128xf32, #tpu.memory_space<vmem>>, vector<16xf32>,
      %add3A_376 = arith.constant 2 : i32
      %add3A_377 = arith.addi %add3A_281, %add3A_376 : i32
      %swap3A_378 = arith.index_cast %add3A_377 : i32 to index
      %swap3A_379 = arith.constant 48 : index
      %swap3A_380 = tpu.vector_load %arg16[%swap3A_378, %swap3A_379] {strides = array<i32>} : memref<64x128xf32, #tpu.memory_space<vmem>>, vector<16xf32>,
      tpu.vector_store %arg16[%swap3A_378, %swap3A_379], %broadcast_in_dim3A_35 {strides = array<i32>} : memref<64x128xf32, #tpu.memory_space<vmem>>, vector<16xf32>,
      %add3A_381 = arith.constant 2 : i32
      %add3A_382 = arith.addi %add3A_281, %add3A_381 : i32
      %swap3A_383 = arith.index_cast %add3A_382 : i32 to index
      %swap3A_384 = arith.constant 64 : index
      %swap3A_385 = tpu.vector_load %arg16[%swap3A_383, %swap3A_384] {strides = array<i32>} : memref<64x128xf32, #tpu.memory_space<vmem>>, vector<16xf32>,
      tpu.vector_store %arg16[%swap3A_383, %swap3A_384], %broadcast_in_dim3A_35 {strides = array<i32>} : memref<64x128xf32, #tpu.memory_space<vmem>>, vector<16xf32>,
      %add3A_386 = arith.constant 2 : i32
      %add3A_387 = arith.addi %add3A_281, %add3A_386 : i32
      %swap3A_388 = arith.index_cast %add3A_387 : i32 to index
      %swap3A_389 = arith.constant 80 : index
      %swap3A_390 = tpu.vector_load %arg16[%swap3A_388, %swap3A_389] {strides = array<i32>} : memref<64x128xf32, #tpu.memory_space<vmem>>, vector<16xf32>,
      tpu.vector_store %arg16[%swap3A_388, %swap3A_389], %broadcast_in_dim3A_35 {strides = array<i32>} : memref<64x128xf32, #tpu.memory_space<vmem>>, vector<16xf32>,
      %add3A_391 = arith.constant 2 : i32
      %add3A_392 = arith.addi %add3A_281, %add3A_391 : i32
      %swap3A_393 = arith.index_cast %add3A_392 : i32 to index
      %swap3A_394 = arith.constant 96 : index
      %swap3A_395 = tpu.vector_load %arg16[%swap3A_393, %swap3A_394] {strides = array<i32>} : memref<64x128xf32, #tpu.memory_space<vmem>>, vector<16xf32>,
      tpu.vector_store %arg16[%swap3A_393, %swap3A_394], %broadcast_in_dim3A_35 {strides = array<i32>} : memref<64x128xf32, #tpu.memory_space<vmem>>, vector<16xf32>,
      %add3A_396 = arith.constant 2 : i32
      %add3A_397 = arith.addi %add3A_281, %add3A_396 : i32
      %swap3A_398 = arith.index_cast %add3A_397 : i32 to index
      %swap3A_399 = arith.constant 112 : index
      %swap3A_400 = tpu.vector_load %arg16[%swap3A_398, %swap3A_399] {strides = array<i32>} : memref<64x128xf32, #tpu.memory_space<vmem>>, vector<16xf32>,
      tpu.vector_store %arg16[%swap3A_398, %swap3A_399], %broadcast_in_dim3A_35 {strides = array<i32>} : memref<64x128xf32, #tpu.memory_space<vmem>>, vector<16xf32>,
      %add3A_401 = arith.constant 3 : i32
      %add3A_402 = arith.addi %add3A_281, %add3A_401 : i32
      %swap3A_403 = arith.index_cast %add3A_402 : i32 to index
      %swap3A_404 = arith.constant 0 : index
      %swap3A_405 = tpu.vector_load %arg16[%swap3A_403, %swap3A_404] {strides = array<i32>} : memref<64x128xf32, #tpu.memory_space<vmem>>, vector<16xf32>,
      tpu.vector_store %arg16[%swap3A_403, %swap3A_404], %broadcast_in_dim3A_35 {strides = array<i32>} : memref<64x128xf32, #tpu.memory_space<vmem>>, vector<16xf32>,
      %add3A_406 = arith.constant 3 : i32
      %add3A_407 = arith.addi %add3A_281, %add3A_406 : i32
      %swap3A_408 = arith.index_cast %add3A_407 : i32 to index
      %swap3A_409 = arith.constant 16 : index
      %swap3A_410 = tpu.vector_load %arg16[%swap3A_408, %swap3A_409] {strides = array<i32>} : memref<64x128xf32, #tpu.memory_space<vmem>>, vector<16xf32>,
      tpu.vector_store %arg16[%swap3A_408, %swap3A_409], %broadcast_in_dim3A_35 {strides = array<i32>} : memref<64x128xf32, #tpu.memory_space<vmem>>, vector<16xf32>,
      %add3A_411 = arith.constant 3 : i32
      %add3A_412 = arith.addi %add3A_281, %add3A_411 : i32
      %swap3A_413 = arith.index_cast %add3A_412 : i32 to index
      %swap3A_414 = arith.constant 32 : index
      %swap3A_415 = tpu.vector_load %arg16[%swap3A_413, %swap3A_414] {strides = array<i32>} : memref<64x128xf32, #tpu.memory_space<vmem>>, vector<16xf32>,
      tpu.vector_store %arg16[%swap3A_413, %swap3A_414], %broadcast_in_dim3A_35 {strides = array<i32>} : memref<64x128xf32, #tpu.memory_space<vmem>>, vector<16xf32>,
      %add3A_416 = arith.constant 3 : i32
      %add3A_417 = arith.addi %add3A_281, %add3A_416 : i32
      %swap3A_418 = arith.index_cast %add3A_417 : i32 to index
      %swap3A_419 = arith.constant 48 : index
      %swap3A_420 = tpu.vector_load %arg16[%swap3A_418, %swap3A_419] {strides = array<i32>} : memref<64x128xf32, #tpu.memory_space<vmem>>, vector<16xf32>,
      tpu.vector_store %arg16[%swap3A_418, %swap3A_419], %broadcast_in_dim3A_35 {strides = array<i32>} : memref<64x128xf32, #tpu.memory_space<vmem>>, vector<16xf32>,
      %add3A_421 = arith.constant 3 : i32
      %add3A_422 = arith.addi %add3A_281, %add3A_421 : i32
      %swap3A_423 = arith.index_cast %add3A_422 : i32 to index
      %swap3A_424 = arith.constant 64 : index
      %swap3A_425 = tpu.vector_load %arg16[%swap3A_423, %swap3A_424] {strides = array<i32>} : memref<64x128xf32, #tpu.memory_space<vmem>>, vector<16xf32>,
      tpu.vector_store %arg16[%swap3A_423, %swap3A_424], %broadcast_in_dim3A_35 {strides = array<i32>} : memref<64x128xf32, #tpu.memory_space<vmem>>, vector<16xf32>,
      %add3A_426 = arith.constant 3 : i32
      %add3A_427 = arith.addi %add3A_281, %add3A_426 : i32
      %swap3A_428 = arith.index_cast %add3A_427 : i32 to index
      %swap3A_429 = arith.constant 80 : index
      %swap3A_430 = tpu.vector_load %arg16[%swap3A_428, %swap3A_429] {strides = array<i32>} : memref<64x128xf32, #tpu.memory_space<vmem>>, vector<16xf32>,
      tpu.vector_store %arg16[%swap3A_428, %swap3A_429], %broadcast_in_dim3A_35 {strides = array<i32>} : memref<64x128xf32, #tpu.memory_space<vmem>>, vector<16xf32>,
      %add3A_431 = arith.constant 3 : i32
      %add3A_432 = arith.addi %add3A_281, %add3A_431 : i32
      %swap3A_433 = arith.index_cast %add3A_432 : i32 to index
      %swap3A_434 = arith.constant 96 : index
      %swap3A_435 = tpu.vector_load %arg16[%swap3A_433, %swap3A_434] {strides = array<i32>} : memref<64x128xf32, #tpu.memory_space<vmem>>, vector<16xf32>,
      tpu.vector_store %arg16[%swap3A_433, %swap3A_434], %broadcast_in_dim3A_35 {strides = array<i32>} : memref<64x128xf32, #tpu.memory_space<vmem>>, vector<16xf32>,
      %add3A_436 = arith.constant 3 : i32
      %add3A_437 = arith.addi %add3A_281, %add3A_436 : i32
      %swap3A_438 = arith.index_cast %add3A_437 : i32 to index
      %swap3A_439 = arith.constant 112 : index
      %swap3A_440 = tpu.vector_load %arg16[%swap3A_438, %swap3A_439] {strides = array<i32>} : memref<64x128xf32, #tpu.memory_space<vmem>>, vector<16xf32>,
      tpu.vector_store %arg16[%swap3A_438, %swap3A_439], %broadcast_in_dim3A_35 {strides = array<i32>} : memref<64x128xf32, #tpu.memory_space<vmem>>, vector<16xf32>,
      %add3A_441 = arith.constant 4 : i32
      %add3A_442 = arith.addi %add3A_281, %add3A_441 : i32
      %swap3A_443 = arith.index_cast %add3A_442 : i32 to index
      %swap3A_444 = arith.constant 0 : index
      %swap3A_445 = tpu.vector_load %arg16[%swap3A_443, %swap3A_444] {strides = array<i32>} : memref<64x128xf32, #tpu.memory_space<vmem>>, vector<16xf32>,
      tpu.vector_store %arg16[%swap3A_443, %swap3A_444], %broadcast_in_dim3A_35 {strides = array<i32>} : memref<64x128xf32, #tpu.memory_space<vmem>>, vector<16xf32>,
      %add3A_446 = arith.constant 4 : i32
      %add3A_447 = arith.addi %add3A_281, %add3A_446 : i32
      %swap3A_448 = arith.index_cast %add3A_447 : i32 to index
      %swap3A_449 = arith.constant 16 : index
      %swap3A_450 = tpu.vector_load %arg16[%swap3A_448, %swap3A_449] {strides = array<i32>} : memref<64x128xf32, #tpu.memory_space<vmem>>, vector<16xf32>,
      tpu.vector_store %arg16[%swap3A_448, %swap3A_449], %broadcast_in_dim3A_35 {strides = array<i32>} : memref<64x128xf32, #tpu.memory_space<vmem>>, vector<16xf32>,
      %add3A_451 = arith.constant 4 : i32
      %add3A_452 = arith.addi %add3A_281, %add3A_451 : i32
      %swap3A_453 = arith.index_cast %add3A_452 : i32 to index
      %swap3A_454 = arith.constant 32 : index
      %swap3A_455 = tpu.vector_load %arg16[%swap3A_453, %swap3A_454] {strides = array<i32>} : memref<64x128xf32, #tpu.memory_space<vmem>>, vector<16xf32>,
      tpu.vector_store %arg16[%swap3A_453, %swap3A_454], %broadcast_in_dim3A_35 {strides = array<i32>} : memref<64x128xf32, #tpu.memory_space<vmem>>, vector<16xf32>,
      %add3A_456 = arith.constant 4 : i32
      %add3A_457 = arith.addi %add3A_281, %add3A_456 : i32
      %swap3A_458 = arith.index_cast %add3A_457 : i32 to index
      %swap3A_459 = arith.constant 48 : index
      %swap3A_460 = tpu.vector_load %arg16[%swap3A_458, %swap3A_459] {strides = array<i32>} : memref<64x128xf32, #tpu.memory_space<vmem>>, vector<16xf32>,
      tpu.vector_store %arg16[%swap3A_458, %swap3A_459], %broadcast_in_dim3A_35 {strides = array<i32>} : memref<64x128xf32, #tpu.memory_space<vmem>>, vector<16xf32>,
      %add3A_461 = arith.constant 4 : i32
      %add3A_462 = arith.addi %add3A_281, %add3A_461 : i32
      %swap3A_463 = arith.index_cast %add3A_462 : i32 to index
      %swap3A_464 = arith.constant 64 : index
      %swap3A_465 = tpu.vector_load %arg16[%swap3A_463, %swap3A_464] {strides = array<i32>} : memref<64x128xf32, #tpu.memory_space<vmem>>, vector<16xf32>,
      tpu.vector_store %arg16[%swap3A_463, %swap3A_464], %broadcast_in_dim3A_35 {strides = array<i32>} : memref<64x128xf32, #tpu.memory_space<vmem>>, vector<16xf32>,
      %add3A_466 = arith.constant 4 : i32
      %add3A_467 = arith.addi %add3A_281, %add3A_466 : i32
      %swap3A_468 = arith.index_cast %add3A_467 : i32 to index
      %swap3A_469 = arith.constant 80 : index
      %swap3A_470 = tpu.vector_load %arg16[%swap3A_468, %swap3A_469] {strides = array<i32>} : memref<64x128xf32, #tpu.memory_space<vmem>>, vector<16xf32>,
      tpu.vector_store %arg16[%swap3A_468, %swap3A_469], %broadcast_in_dim3A_35 {strides = array<i32>} : memref<64x128xf32, #tpu.memory_space<vmem>>, vector<16xf32>,
      %add3A_471 = arith.constant 4 : i32
      %add3A_472 = arith.addi %add3A_281, %add3A_471 : i32
      %swap3A_473 = arith.index_cast %add3A_472 : i32 to index
      %swap3A_474 = arith.constant 96 : index
      %swap3A_475 = tpu.vector_load %arg16[%swap3A_473, %swap3A_474] {strides = array<i32>} : memref<64x128xf32, #tpu.memory_space<vmem>>, vector<16xf32>,
      tpu.vector_store %arg16[%swap3A_473, %swap3A_474], %broadcast_in_dim3A_35 {strides = array<i32>} : memref<64x128xf32, #tpu.memory_space<vmem>>, vector<16xf32>,
      %add3A_476 = arith.constant 4 : i32
      %add3A_477 = arith.addi %add3A_281, %add3A_476 : i32
      %swap3A_478 = arith.index_cast %add3A_477 : i32 to index
      %swap3A_479 = arith.constant 112 : index
      %swap3A_480 = tpu.vector_load %arg16[%swap3A_478, %swap3A_479] {strides = array<i32>} : memref<64x128xf32, #tpu.memory_space<vmem>>, vector<16xf32>,
      tpu.vector_store %arg16[%swap3A_478, %swap3A_479], %broadcast_in_dim3A_35 {strides = array<i32>} : memref<64x128xf32, #tpu.memory_space<vmem>>, vector<16xf32>,
      %add3A_481 = arith.constant 5 : i32
      %add3A_482 = arith.addi %add3A_281, %add3A_481 : i32
      %swap3A_483 = arith.index_cast %add3A_482 : i32 to index
      %swap3A_484 = arith.constant 0 : index
      %swap3A_485 = tpu.vector_load %arg16[%swap3A_483, %swap3A_484] {strides = array<i32>} : memref<64x128xf32, #tpu.memory_space<vmem>>, vector<16xf32>,
      tpu.vector_store %arg16[%swap3A_483, %swap3A_484], %broadcast_in_dim3A_35 {strides = array<i32>} : memref<64x128xf32, #tpu.memory_space<vmem>>, vector<16xf32>,
      %add3A_486 = arith.constant 5 : i32
      %add3A_487 = arith.addi %add3A_281, %add3A_486 : i32
      %swap3A_488 = arith.index_cast %add3A_487 : i32 to index
      %swap3A_489 = arith.constant 16 : index
      %swap3A_490 = tpu.vector_load %arg16[%swap3A_488, %swap3A_489] {strides = array<i32>} : memref<64x128xf32, #tpu.memory_space<vmem>>, vector<16xf32>,
      tpu.vector_store %arg16[%swap3A_488, %swap3A_489], %broadcast_in_dim3A_35 {strides = array<i32>} : memref<64x128xf32, #tpu.memory_space<vmem>>, vector<16xf32>,
      %add3A_491 = arith.constant 5 : i32
      %add3A_492 = arith.addi %add3A_281, %add3A_491 : i32
      %swap3A_493 = arith.index_cast %add3A_492 : i32 to index
      %swap3A_494 = arith.constant 32 : index
      %swap3A_495 = tpu.vector_load %arg16[%swap3A_493, %swap3A_494] {strides = array<i32>} : memref<64x128xf32, #tpu.memory_space<vmem>>, vector<16xf32>,
      tpu.vector_store %arg16[%swap3A_493, %swap3A_494], %broadcast_in_dim3A_35 {strides = array<i32>} : memref<64x128xf32, #tpu.memory_space<vmem>>, vector<16xf32>,
      %add3A_496 = arith.constant 5 : i32
      %add3A_497 = arith.addi %add3A_281, %add3A_496 : i32
      %swap3A_498 = arith.index_cast %add3A_497 : i32 to index
      %swap3A_499 = arith.constant 48 : index
      %swap3A_500 = tpu.vector_load %arg16[%swap3A_498, %swap3A_499] {strides = array<i32>} : memref<64x128xf32, #tpu.memory_space<vmem>>, vector<16xf32>,
      tpu.vector_store %arg16[%swap3A_498, %swap3A_499], %broadcast_in_dim3A_35 {strides = array<i32>} : memref<64x128xf32, #tpu.memory_space<vmem>>, vector<16xf32>,
      %add3A_501 = arith.constant 5 : i32
      %add3A_502 = arith.addi %add3A_281, %add3A_501 : i32
      %swap3A_503 = arith.index_cast %add3A_502 : i32 to index
      %swap3A_504 = arith.constant 64 : index
      %swap3A_505 = tpu.vector_load %arg16[%swap3A_503, %swap3A_504] {strides = array<i32>} : memref<64x128xf32, #tpu.memory_space<vmem>>, vector<16xf32>,
      tpu.vector_store %arg16[%swap3A_503, %swap3A_504], %broadcast_in_dim3A_35 {strides = array<i32>} : memref<64x128xf32, #tpu.memory_space<vmem>>, vector<16xf32>,
      %add3A_506 = arith.constant 5 : i32
      %add3A_507 = arith.addi %add3A_281, %add3A_506 : i32
      %swap3A_508 = arith.index_cast %add3A_507 : i32 to index
      %swap3A_509 = arith.constant 80 : index
      %swap3A_510 = tpu.vector_load %arg16[%swap3A_508, %swap3A_509] {strides = array<i32>} : memref<64x128xf32, #tpu.memory_space<vmem>>, vector<16xf32>,
      tpu.vector_store %arg16[%swap3A_508, %swap3A_509], %broadcast_in_dim3A_35 {strides = array<i32>} : memref<64x128xf32, #tpu.memory_space<vmem>>, vector<16xf32>,
      %add3A_511 = arith.constant 5 : i32
      %add3A_512 = arith.addi %add3A_281, %add3A_511 : i32
      %swap3A_513 = arith.index_cast %add3A_512 : i32 to index
      %swap3A_514 = arith.constant 96 : index
      %swap3A_515 = tpu.vector_load %arg16[%swap3A_513, %swap3A_514] {strides = array<i32>} : memref<64x128xf32, #tpu.memory_space<vmem>>, vector<16xf32>,
      tpu.vector_store %arg16[%swap3A_513, %swap3A_514], %broadcast_in_dim3A_35 {strides = array<i32>} : memref<64x128xf32, #tpu.memory_space<vmem>>, vector<16xf32>,
      %add3A_516 = arith.constant 5 : i32
      %add3A_517 = arith.addi %add3A_281, %add3A_516 : i32
      %swap3A_518 = arith.index_cast %add3A_517 : i32 to index
      %swap3A_519 = arith.constant 112 : index
      %swap3A_520 = tpu.vector_load %arg16[%swap3A_518, %swap3A_519] {strides = array<i32>} : memref<64x128xf32, #tpu.memory_space<vmem>>, vector<16xf32>,
      tpu.vector_store %arg16[%swap3A_518, %swap3A_519], %broadcast_in_dim3A_35 {strides = array<i32>} : memref<64x128xf32, #tpu.memory_space<vmem>>, vector<16xf32>,
      %add3A_521 = arith.constant 6 : i32
      %add3A_522 = arith.addi %add3A_281, %add3A_521 : i32
      %swap3A_523 = arith.index_cast %add3A_522 : i32 to index
      %swap3A_524 = arith.constant 0 : index
      %swap3A_525 = tpu.vector_load %arg16[%swap3A_523, %swap3A_524] {strides = array<i32>} : memref<64x128xf32, #tpu.memory_space<vmem>>, vector<16xf32>,
      tpu.vector_store %arg16[%swap3A_523, %swap3A_524], %broadcast_in_dim3A_35 {strides = array<i32>} : memref<64x128xf32, #tpu.memory_space<vmem>>, vector<16xf32>,
      %add3A_526 = arith.constant 6 : i32
      %add3A_527 = arith.addi %add3A_281, %add3A_526 : i32
      %swap3A_528 = arith.index_cast %add3A_527 : i32 to index
      %swap3A_529 = arith.constant 16 : index
      %swap3A_530 = tpu.vector_load %arg16[%swap3A_528, %swap3A_529] {strides = array<i32>} : memref<64x128xf32, #tpu.memory_space<vmem>>, vector<16xf32>,
      tpu.vector_store %arg16[%swap3A_528, %swap3A_529], %broadcast_in_dim3A_35 {strides = array<i32>} : memref<64x128xf32, #tpu.memory_space<vmem>>, vector<16xf32>,
      %add3A_531 = arith.constant 6 : i32
      %add3A_532 = arith.addi %add3A_281, %add3A_531 : i32
      %swap3A_533 = arith.index_cast %add3A_532 : i32 to index
      %swap3A_534 = arith.constant 32 : index
      %swap3A_535 = tpu.vector_load %arg16[%swap3A_533, %swap3A_534] {strides = array<i32>} : memref<64x128xf32, #tpu.memory_space<vmem>>, vector<16xf32>,
      tpu.vector_store %arg16[%swap3A_533, %swap3A_534], %broadcast_in_dim3A_35 {strides = array<i32>} : memref<64x128xf32, #tpu.memory_space<vmem>>, vector<16xf32>,
      %add3A_536 = arith.constant 6 : i32
      %add3A_537 = arith.addi %add3A_281, %add3A_536 : i32
      %swap3A_538 = arith.index_cast %add3A_537 : i32 to index
      %swap3A_539 = arith.constant 48 : index
      %swap3A_540 = tpu.vector_load %arg16[%swap3A_538, %swap3A_539] {strides = array<i32>} : memref<64x128xf32, #tpu.memory_space<vmem>>, vector<16xf32>,
      tpu.vector_store %arg16[%swap3A_538, %swap3A_539], %broadcast_in_dim3A_35 {strides = array<i32>} : memref<64x128xf32, #tpu.memory_space<vmem>>, vector<16xf32>,
      %add3A_541 = arith.constant 6 : i32
      %add3A_542 = arith.addi %add3A_281, %add3A_541 : i32
      %swap3A_543 = arith.index_cast %add3A_542 : i32 to index
      %swap3A_544 = arith.constant 64 : index
      %swap3A_545 = tpu.vector_load %arg16[%swap3A_543, %swap3A_544] {strides = array<i32>} : memref<64x128xf32, #tpu.memory_space<vmem>>, vector<16xf32>,
      tpu.vector_store %arg16[%swap3A_543, %swap3A_544], %broadcast_in_dim3A_35 {strides = array<i32>} : memref<64x128xf32, #tpu.memory_space<vmem>>, vector<16xf32>,
      %add3A_546 = arith.constant 6 : i32
      %add3A_547 = arith.addi %add3A_281, %add3A_546 : i32
      %swap3A_548 = arith.index_cast %add3A_547 : i32 to index
      %swap3A_549 = arith.constant 80 : index
      %swap3A_550 = tpu.vector_load %arg16[%swap3A_548, %swap3A_549] {strides = array<i32>} : memref<64x128xf32, #tpu.memory_space<vmem>>, vector<16xf32>,
      tpu.vector_store %arg16[%swap3A_548, %swap3A_549], %broadcast_in_dim3A_35 {strides = array<i32>} : memref<64x128xf32, #tpu.memory_space<vmem>>, vector<16xf32>,
      %add3A_551 = arith.constant 6 : i32
      %add3A_552 = arith.addi %add3A_281, %add3A_551 : i32
      %swap3A_553 = arith.index_cast %add3A_552 : i32 to index
      %swap3A_554 = arith.constant 96 : index
      %swap3A_555 = tpu.vector_load %arg16[%swap3A_553, %swap3A_554] {strides = array<i32>} : memref<64x128xf32, #tpu.memory_space<vmem>>, vector<16xf32>,
      tpu.vector_store %arg16[%swap3A_553, %swap3A_554], %broadcast_in_dim3A_35 {strides = array<i32>} : memref<64x128xf32, #tpu.memory_space<vmem>>, vector<16xf32>,
      %add3A_556 = arith.constant 6 : i32
      %add3A_557 = arith.addi %add3A_281, %add3A_556 : i32
      %swap3A_558 = arith.index_cast %add3A_557 : i32 to index
      %swap3A_559 = arith.constant 112 : index
      %swap3A_560 = tpu.vector_load %arg16[%swap3A_558, %swap3A_559] {strides = array<i32>} : memref<64x128xf32, #tpu.memory_space<vmem>>, vector<16xf32>,
      tpu.vector_store %arg16[%swap3A_558, %swap3A_559], %broadcast_in_dim3A_35 {strides = array<i32>} : memref<64x128xf32, #tpu.memory_space<vmem>>, vector<16xf32>,
      %add3A_561 = arith.constant 7 : i32
      %add3A_562 = arith.addi %add3A_281, %add3A_561 : i32
      %swap3A_563 = arith.index_cast %add3A_562 : i32 to index
      %swap3A_564 = arith.constant 0 : index
      %swap3A_565 = tpu.vector_load %arg16[%swap3A_563, %swap3A_564] {strides = array<i32>} : memref<64x128xf32, #tpu.memory_space<vmem>>, vector<16xf32>,
      tpu.vector_store %arg16[%swap3A_563, %swap3A_564], %broadcast_in_dim3A_35 {strides = array<i32>} : memref<64x128xf32, #tpu.memory_space<vmem>>, vector<16xf32>,
      %add3A_566 = arith.constant 7 : i32
      %add3A_567 = arith.addi %add3A_281, %add3A_566 : i32
      %swap3A_568 = arith.index_cast %add3A_567 : i32 to index
      %swap3A_569 = arith.constant 16 : index
      %swap3A_570 = tpu.vector_load %arg16[%swap3A_568, %swap3A_569] {strides = array<i32>} : memref<64x128xf32, #tpu.memory_space<vmem>>, vector<16xf32>,
      tpu.vector_store %arg16[%swap3A_568, %swap3A_569], %broadcast_in_dim3A_35 {strides = array<i32>} : memref<64x128xf32, #tpu.memory_space<vmem>>, vector<16xf32>,
      %add3A_571 = arith.constant 7 : i32
      %add3A_572 = arith.addi %add3A_281, %add3A_571 : i32
      %swap3A_573 = arith.index_cast %add3A_572 : i32 to index
      %swap3A_574 = arith.constant 32 : index
      %swap3A_575 = tpu.vector_load %arg16[%swap3A_573, %swap3A_574] {strides = array<i32>} : memref<64x128xf32, #tpu.memory_space<vmem>>, vector<16xf32>,
      tpu.vector_store %arg16[%swap3A_573, %swap3A_574], %broadcast_in_dim3A_35 {strides = array<i32>} : memref<64x128xf32, #tpu.memory_space<vmem>>, vector<16xf32>,
      %add3A_576 = arith.constant 7 : i32
      %add3A_577 = arith.addi %add3A_281, %add3A_576 : i32
      %swap3A_578 = arith.index_cast %add3A_577 : i32 to index
      %swap3A_579 = arith.constant 48 : index
      %swap3A_580 = tpu.vector_load %arg16[%swap3A_578, %swap3A_579] {strides = array<i32>} : memref<64x128xf32, #tpu.memory_space<vmem>>, vector<16xf32>,
      tpu.vector_store %arg16[%swap3A_578, %swap3A_579], %broadcast_in_dim3A_35 {strides = array<i32>} : memref<64x128xf32, #tpu.memory_space<vmem>>, vector<16xf32>,
      %add3A_581 = arith.constant 7 : i32
      %add3A_582 = arith.addi %add3A_281, %add3A_581 : i32
      %swap3A_583 = arith.index_cast %add3A_582 : i32 to index
      %swap3A_584 = arith.constant 64 : index
      %swap3A_585 = tpu.vector_load %arg16[%swap3A_583, %swap3A_584] {strides = array<i32>} : memref<64x128xf32, #tpu.memory_space<vmem>>, vector<16xf32>,
      tpu.vector_store %arg16[%swap3A_583, %swap3A_584], %broadcast_in_dim3A_35 {strides = array<i32>} : memref<64x128xf32, #tpu.memory_space<vmem>>, vector<16xf32>,
      %add3A_586 = arith.constant 7 : i32
      %add3A_587 = arith.addi %add3A_281, %add3A_586 : i32
      %swap3A_588 = arith.index_cast %add3A_587 : i32 to index
      %swap3A_589 = arith.constant 80 : index
      %swap3A_590 = tpu.vector_load %arg16[%swap3A_588, %swap3A_589] {strides = array<i32>} : memref<64x128xf32, #tpu.memory_space<vmem>>, vector<16xf32>,
      tpu.vector_store %arg16[%swap3A_588, %swap3A_589], %broadcast_in_dim3A_35 {strides = array<i32>} : memref<64x128xf32, #tpu.memory_space<vmem>>, vector<16xf32>,
      %add3A_591 = arith.constant 7 : i32
      %add3A_592 = arith.addi %add3A_281, %add3A_591 : i32
      %swap3A_593 = arith.index_cast %add3A_592 : i32 to index
      %swap3A_594 = arith.constant 96 : index
      %swap3A_595 = tpu.vector_load %arg16[%swap3A_593, %swap3A_594] {strides = array<i32>} : memref<64x128xf32, #tpu.memory_space<vmem>>, vector<16xf32>,
      tpu.vector_store %arg16[%swap3A_593, %swap3A_594], %broadcast_in_dim3A_35 {strides = array<i32>} : memref<64x128xf32, #tpu.memory_space<vmem>>, vector<16xf32>,
      %add3A_596 = arith.constant 7 : i32
      %add3A_597 = arith.addi %add3A_281, %add3A_596 : i32
      %swap3A_598 = arith.index_cast %add3A_597 : i32 to index
      %swap3A_599 = arith.constant 112 : index
      %swap3A_600 = tpu.vector_load %arg16[%swap3A_598, %swap3A_599] {strides = array<i32>} : memref<64x128xf32, #tpu.memory_space<vmem>>, vector<16xf32>,
      tpu.vector_store %arg16[%swap3A_598, %swap3A_599], %broadcast_in_dim3A_35 {strides = array<i32>} : memref<64x128xf32, #tpu.memory_space<vmem>>, vector<16xf32>,
    }
    %scan3A_44 = arith.constant 8 : i32
    "tpu.region"() ({
      %run_scoped3A = tpu.sem_alloc : memref<!tpu.dma_semaphore, #tpu.memory_space<semaphore_mem>>
      %dma_start3A = arith.constant 0 : i32
      %dma_start3A_277 = tpu.memref_slice %arg4[%select_n3A, %dma_start3A] : memref<4x16384xi32, #tpu.memory_space<hbm>> -> memref<1x8192xi32, #tpu.memory_space<hbm>>
      %dma_start3A_278 = tpu.memref_squeeze %dma_start3A_277 : memref<1x8192xi32, #tpu.memory_space<hbm>> -> memref<8192xi32, #tpu.memory_space<hbm>>
      %dma_start3A_279 = arith.constant 0 : i32
      %dma_start3A_280 = tpu.memref_slice %arg4[%select_n3A, %dma_start3A_279] : memref<4x16384xi32, #tpu.memory_space<hbm>> -> memref<1x8192xi32, #tpu.memory_space<hbm>>
      %dma_start3A_281 = tpu.memref_squeeze %dma_start3A_280 : memref<1x8192xi32, #tpu.memory_space<hbm>> -> memref<8192xi32, #tpu.memory_space<hbm>>
      tpu.enqueue_dma source(%dma_start3A_281 : memref<8192xi32, #tpu.memory_space<hbm>>) target(%arg6 : memref<8192xi32, #tpu.memory_space<vmem>>) target_semaphore(%run_scoped3A : memref<!tpu.dma_semaphore, #tpu.memory_space<semaphore_mem>>)
      %dma_wait3A = arith.constant 0 : i32
      %dma_wait3A_282 = tpu.memref_slice %arg4[%select_n3A, %dma_wait3A] : memref<4x16384xi32, #tpu.memory_space<hbm>> -> memref<1x8192xi32, #tpu.memory_space<hbm>>
      %dma_wait3A_283 = tpu.memref_squeeze %dma_wait3A_282 : memref<1x8192xi32, #tpu.memory_space<hbm>> -> memref<8192xi32, #tpu.memory_space<hbm>>
      %dma_wait3A_284 = arith.constant 0 : i32
      %dma_wait3A_285 = tpu.memref_slice %arg4[%select_n3A, %dma_wait3A_284] : memref<4x16384xi32, #tpu.memory_space<hbm>> -> memref<1x8192xi32, #tpu.memory_space<hbm>>
      %dma_wait3A_286 = tpu.memref_squeeze %dma_wait3A_285 : memref<1x8192xi32, #tpu.memory_space<hbm>> -> memref<8192xi32, #tpu.memory_space<hbm>>
      tpu.wait_dma2 semaphore(%run_scoped3A : memref<!tpu.dma_semaphore, #tpu.memory_space<semaphore_mem>>) src(%dma_wait3A_286 : memref<8192xi32, #tpu.memory_space<hbm>>) dst(%arg6 : memref<8192xi32, #tpu.memory_space<vmem>>)
      tpu.yield
    }) : () -> ()
    %scan3A_45 = arith.constant 0 : i32
    %scan3A_46 = arith.constant 128 : i32
    %scan3A_47 = arith.addi %scan3A_45, %scan3A_46 : i32
    %scan3A_48 = arith.constant 1 : i32
    scf.for %scan3A_277 = %scan3A_45 to %scan3A_47 step %scan3A_48  : i32 {
      %mul3A_278 = arith.constant 64 : i32
      %mul3A_279 = arith.muli %scan3A_277, %mul3A_278 : i32
      %add3A_280 = arith.constant 0 : i32
      %add3A_281 = arith.addi %add3A_280, %mul3A_279 : i32
      %add3A_282 = arith.constant 0 : i32
      %add3A_283 = arith.addi %add3A_281, %add3A_282 : i32
      %get3A_284 = arith.index_cast %add3A_283 : i32 to index
      %get3A_285 = tpu.vector_load %arg6[%get3A_284] {strides = array<i32>} : memref<8192xi32, #tpu.memory_space<vmem>>, vector<16xi32>,
      %ge3A = vector.broadcast %mul3A_32 : i32 to vector<16xi32>
      %ge3A_286 = arith.cmpi sge, %get3A_285, %ge3A : vector<16xi32>
      %add3A_287 = arith.constant 4096 : i32
      %add3A_288 = arith.addi %mul3A_32, %add3A_287 : i32
      %lt3A_289 = vector.broadcast %add3A_288 : i32 to vector<16xi32>
      %lt3A_290 = arith.cmpi slt, %get3A_285, %lt3A_289 : vector<16xi32>
      %and3A_291 = arith.andi %ge3A_286, %lt3A_290 : vector<16xi1>
      %sub3A_292 = vector.broadcast %mul3A_32 : i32 to vector<16xi32>
      %sub3A_293 = arith.subi %get3A_285, %sub3A_292 : vector<16xi32>
      %add3A_294 = vector.broadcast %add3A_283 : i32 to vector<16xi32>
      %add3A_295 = arith.addi %iota3A, %add3A_294 : vector<16xi32>
      %add3A_296 = arith.constant 0 : i32
      %add3A_297 = vector.broadcast %add3A_296 : i32 to vector<16xi32>
      %add3A_298 = arith.addi %add3A_295, %add3A_297 : vector<16xi32>
      %add3A_299 = arith.constant 1 : i32
      %add3A_300 = vector.broadcast %add3A_299 : i32 to vector<16xi32>
      %add3A_301 = arith.addi %add3A_298, %add3A_300 : vector<16xi32>
      tpu.vector_store_idx %arg7[%sub3A_293], %add3A_301 masked %and3A_291 : memref<4096xi32, #tpu.memory_space<vmem>>[vector<16xi32>], vector<16xi32>, vector<16xi1>
      %add3A_302 = arith.constant 16 : i32
      %add3A_303 = arith.addi %add3A_281, %add3A_302 : i32
      %get3A_304 = arith.index_cast %add3A_303 : i32 to index
      %get3A_305 = tpu.vector_load %arg6[%get3A_304] {strides = array<i32>} : memref<8192xi32, #tpu.memory_space<vmem>>, vector<16xi32>,
      %ge3A_306 = vector.broadcast %mul3A_32 : i32 to vector<16xi32>
      %ge3A_307 = arith.cmpi sge, %get3A_305, %ge3A_306 : vector<16xi32>
      %add3A_308 = arith.constant 4096 : i32
      %add3A_309 = arith.addi %mul3A_32, %add3A_308 : i32
      %lt3A_310 = vector.broadcast %add3A_309 : i32 to vector<16xi32>
      %lt3A_311 = arith.cmpi slt, %get3A_305, %lt3A_310 : vector<16xi32>
      %and3A_312 = arith.andi %ge3A_307, %lt3A_311 : vector<16xi1>
      %sub3A_313 = vector.broadcast %mul3A_32 : i32 to vector<16xi32>
      %sub3A_314 = arith.subi %get3A_305, %sub3A_313 : vector<16xi32>
      %add3A_315 = vector.broadcast %add3A_303 : i32 to vector<16xi32>
      %add3A_316 = arith.addi %iota3A, %add3A_315 : vector<16xi32>
      %add3A_317 = arith.constant 0 : i32
      %add3A_318 = vector.broadcast %add3A_317 : i32 to vector<16xi32>
      %add3A_319 = arith.addi %add3A_316, %add3A_318 : vector<16xi32>
      %add3A_320 = arith.constant 1 : i32
      %add3A_321 = vector.broadcast %add3A_320 : i32 to vector<16xi32>
      %add3A_322 = arith.addi %add3A_319, %add3A_321 : vector<16xi32>
      tpu.vector_store_idx %arg7[%sub3A_314], %add3A_322 masked %and3A_312 : memref<4096xi32, #tpu.memory_space<vmem>>[vector<16xi32>], vector<16xi32>, vector<16xi1>
      %add3A_323 = arith.constant 32 : i32
      %add3A_324 = arith.addi %add3A_281, %add3A_323 : i32
      %get3A_325 = arith.index_cast %add3A_324 : i32 to index
      %get3A_326 = tpu.vector_load %arg6[%get3A_325] {strides = array<i32>} : memref<8192xi32, #tpu.memory_space<vmem>>, vector<16xi32>,
      %ge3A_327 = vector.broadcast %mul3A_32 : i32 to vector<16xi32>
      %ge3A_328 = arith.cmpi sge, %get3A_326, %ge3A_327 : vector<16xi32>
      %add3A_329 = arith.constant 4096 : i32
      %add3A_330 = arith.addi %mul3A_32, %add3A_329 : i32
      %lt3A_331 = vector.broadcast %add3A_330 : i32 to vector<16xi32>
      %lt3A_332 = arith.cmpi slt, %get3A_326, %lt3A_331 : vector<16xi32>
      %and3A_333 = arith.andi %ge3A_328, %lt3A_332 : vector<16xi1>
      %sub3A_334 = vector.broadcast %mul3A_32 : i32 to vector<16xi32>
      %sub3A_335 = arith.subi %get3A_326, %sub3A_334 : vector<16xi32>
      %add3A_336 = vector.broadcast %add3A_324 : i32 to vector<16xi32>
      %add3A_337 = arith.addi %iota3A, %add3A_336 : vector<16xi32>
      %add3A_338 = arith.constant 0 : i32
      %add3A_339 = vector.broadcast %add3A_338 : i32 to vector<16xi32>
      %add3A_340 = arith.addi %add3A_337, %add3A_339 : vector<16xi32>
      %add3A_341 = arith.constant 1 : i32
      %add3A_342 = vector.broadcast %add3A_341 : i32 to vector<16xi32>
      %add3A_343 = arith.addi %add3A_340, %add3A_342 : vector<16xi32>
      tpu.vector_store_idx %arg7[%sub3A_335], %add3A_343 masked %and3A_333 : memref<4096xi32, #tpu.memory_space<vmem>>[vector<16xi32>], vector<16xi32>, vector<16xi1>
      %add3A_344 = arith.constant 48 : i32
      %add3A_345 = arith.addi %add3A_281, %add3A_344 : i32
      %get3A_346 = arith.index_cast %add3A_345 : i32 to index
      %get3A_347 = tpu.vector_load %arg6[%get3A_346] {strides = array<i32>} : memref<8192xi32, #tpu.memory_space<vmem>>, vector<16xi32>,
      %ge3A_348 = vector.broadcast %mul3A_32 : i32 to vector<16xi32>
      %ge3A_349 = arith.cmpi sge, %get3A_347, %ge3A_348 : vector<16xi32>
      %add3A_350 = arith.constant 4096 : i32
      %add3A_351 = arith.addi %mul3A_32, %add3A_350 : i32
      %lt3A_352 = vector.broadcast %add3A_351 : i32 to vector<16xi32>
      %lt3A_353 = arith.cmpi slt, %get3A_347, %lt3A_352 : vector<16xi32>
      %and3A_354 = arith.andi %ge3A_349, %lt3A_353 : vector<16xi1>
      %sub3A_355 = vector.broadcast %mul3A_32 : i32 to vector<16xi32>
      %sub3A_356 = arith.subi %get3A_347, %sub3A_355 : vector<16xi32>
      %add3A_357 = vector.broadcast %add3A_345 : i32 to vector<16xi32>
      %add3A_358 = arith.addi %iota3A, %add3A_357 : vector<16xi32>
      %add3A_359 = arith.constant 0 : i32
      %add3A_360 = vector.broadcast %add3A_359 : i32 to vector<16xi32>
      %add3A_361 = arith.addi %add3A_358, %add3A_360 : vector<16xi32>
      %add3A_362 = arith.constant 1 : i32
      %add3A_363 = vector.broadcast %add3A_362 : i32 to vector<16xi32>
      %add3A_364 = arith.addi %add3A_361, %add3A_363 : vector<16xi32>
      tpu.vector_store_idx %arg7[%sub3A_356], %add3A_364 masked %and3A_354 : memref<4096xi32, #tpu.memory_space<vmem>>[vector<16xi32>], vector<16xi32>, vector<16xi1>
    }
    %scan3A_49 = arith.constant 128 : i32
    "tpu.region"() ({
      %run_scoped3A = tpu.sem_alloc : memref<!tpu.dma_semaphore, #tpu.memory_space<semaphore_mem>>
      %dma_start3A = arith.constant 8192 : i32
      %dma_start3A_277 = tpu.memref_slice %arg4[%select_n3A, %dma_start3A] : memref<4x16384xi32, #tpu.memory_space<hbm>> -> memref<1x8192xi32, #tpu.memory_space<hbm>>
      %dma_start3A_278 = tpu.memref_squeeze %dma_start3A_277 : memref<1x8192xi32, #tpu.memory_space<hbm>> -> memref<8192xi32, #tpu.memory_space<hbm>>
      %dma_start3A_279 = arith.constant 8192 : i32
      %dma_start3A_280 = tpu.memref_slice %arg4[%select_n3A, %dma_start3A_279] : memref<4x16384xi32, #tpu.memory_space<hbm>> -> memref<1x8192xi32, #tpu.memory_space<hbm>>
      %dma_start3A_281 = tpu.memref_squeeze %dma_start3A_280 : memref<1x8192xi32, #tpu.memory_space<hbm>> -> memref<8192xi32, #tpu.memory_space<hbm>>
      tpu.enqueue_dma source(%dma_start3A_281 : memref<8192xi32, #tpu.memory_space<hbm>>) target(%arg6 : memref<8192xi32, #tpu.memory_space<vmem>>) target_semaphore(%run_scoped3A : memref<!tpu.dma_semaphore, #tpu.memory_space<semaphore_mem>>)
      %dma_wait3A = arith.constant 8192 : i32
      %dma_wait3A_282 = tpu.memref_slice %arg4[%select_n3A, %dma_wait3A] : memref<4x16384xi32, #tpu.memory_space<hbm>> -> memref<1x8192xi32, #tpu.memory_space<hbm>>
      %dma_wait3A_283 = tpu.memref_squeeze %dma_wait3A_282 : memref<1x8192xi32, #tpu.memory_space<hbm>> -> memref<8192xi32, #tpu.memory_space<hbm>>
      %dma_wait3A_284 = arith.constant 8192 : i32
      %dma_wait3A_285 = tpu.memref_slice %arg4[%select_n3A, %dma_wait3A_284] : memref<4x16384xi32, #tpu.memory_space<hbm>> -> memref<1x8192xi32, #tpu.memory_space<hbm>>
      %dma_wait3A_286 = tpu.memref_squeeze %dma_wait3A_285 : memref<1x8192xi32, #tpu.memory_space<hbm>> -> memref<8192xi32, #tpu.memory_space<hbm>>
      tpu.wait_dma2 semaphore(%run_scoped3A : memref<!tpu.dma_semaphore, #tpu.memory_space<semaphore_mem>>) src(%dma_wait3A_286 : memref<8192xi32, #tpu.memory_space<hbm>>) dst(%arg6 : memref<8192xi32, #tpu.memory_space<vmem>>)
      tpu.yield
    }) : () -> ()
    %scan3A_50 = arith.constant 0 : i32
    %scan3A_51 = arith.constant 128 : i32
    %scan3A_52 = arith.addi %scan3A_50, %scan3A_51 : i32
    %scan3A_53 = arith.constant 1 : i32
    scf.for %scan3A_277 = %scan3A_50 to %scan3A_52 step %scan3A_53  : i32 {
      %mul3A_278 = arith.constant 64 : i32
      %mul3A_279 = arith.muli %scan3A_277, %mul3A_278 : i32
      %add3A_280 = arith.constant 0 : i32
      %add3A_281 = arith.addi %add3A_280, %mul3A_279 : i32
      %add3A_282 = arith.constant 0 : i32
      %add3A_283 = arith.addi %add3A_281, %add3A_282 : i32
      %get3A_284 = arith.index_cast %add3A_283 : i32 to index
      %get3A_285 = tpu.vector_load %arg6[%get3A_284] {strides = array<i32>} : memref<8192xi32, #tpu.memory_space<vmem>>, vector<16xi32>,
      %ge3A = vector.broadcast %mul3A_32 : i32 to vector<16xi32>
      %ge3A_286 = arith.cmpi sge, %get3A_285, %ge3A : vector<16xi32>
      %add3A_287 = arith.constant 4096 : i32
      %add3A_288 = arith.addi %mul3A_32, %add3A_287 : i32
      %lt3A_289 = vector.broadcast %add3A_288 : i32 to vector<16xi32>
      %lt3A_290 = arith.cmpi slt, %get3A_285, %lt3A_289 : vector<16xi32>
      %and3A_291 = arith.andi %ge3A_286, %lt3A_290 : vector<16xi1>
      %sub3A_292 = vector.broadcast %mul3A_32 : i32 to vector<16xi32>
      %sub3A_293 = arith.subi %get3A_285, %sub3A_292 : vector<16xi32>
      %add3A_294 = vector.broadcast %add3A_283 : i32 to vector<16xi32>
      %add3A_295 = arith.addi %iota3A, %add3A_294 : vector<16xi32>
      %add3A_296 = arith.constant 8192 : i32
      %add3A_297 = vector.broadcast %add3A_296 : i32 to vector<16xi32>
      %add3A_298 = arith.addi %add3A_295, %add3A_297 : vector<16xi32>
      %add3A_299 = arith.constant 1 : i32
      %add3A_300 = vector.broadcast %add3A_299 : i32 to vector<16xi32>
      %add3A_301 = arith.addi %add3A_298, %add3A_300 : vector<16xi32>
      tpu.vector_store_idx %arg7[%sub3A_293], %add3A_301 masked %and3A_291 : memref<4096xi32, #tpu.memory_space<vmem>>[vector<16xi32>], vector<16xi32>, vector<16xi1>
      %add3A_302 = arith.constant 16 : i32
      %add3A_303 = arith.addi %add3A_281, %add3A_302 : i32
      %get3A_304 = arith.index_cast %add3A_303 : i32 to index
      %get3A_305 = tpu.vector_load %arg6[%get3A_304] {strides = array<i32>} : memref<8192xi32, #tpu.memory_space<vmem>>, vector<16xi32>,
      %ge3A_306 = vector.broadcast %mul3A_32 : i32 to vector<16xi32>
      %ge3A_307 = arith.cmpi sge, %get3A_305, %ge3A_306 : vector<16xi32>
      %add3A_308 = arith.constant 4096 : i32
      %add3A_309 = arith.addi %mul3A_32, %add3A_308 : i32
      %lt3A_310 = vector.broadcast %add3A_309 : i32 to vector<16xi32>
      %lt3A_311 = arith.cmpi slt, %get3A_305, %lt3A_310 : vector<16xi32>
      %and3A_312 = arith.andi %ge3A_307, %lt3A_311 : vector<16xi1>
      %sub3A_313 = vector.broadcast %mul3A_32 : i32 to vector<16xi32>
      %sub3A_314 = arith.subi %get3A_305, %sub3A_313 : vector<16xi32>
      %add3A_315 = vector.broadcast %add3A_303 : i32 to vector<16xi32>
      %add3A_316 = arith.addi %iota3A, %add3A_315 : vector<16xi32>
      %add3A_317 = arith.constant 8192 : i32
      %add3A_318 = vector.broadcast %add3A_317 : i32 to vector<16xi32>
      %add3A_319 = arith.addi %add3A_316, %add3A_318 : vector<16xi32>
      %add3A_320 = arith.constant 1 : i32
      %add3A_321 = vector.broadcast %add3A_320 : i32 to vector<16xi32>
      %add3A_322 = arith.addi %add3A_319, %add3A_321 : vector<16xi32>
      tpu.vector_store_idx %arg7[%sub3A_314], %add3A_322 masked %and3A_312 : memref<4096xi32, #tpu.memory_space<vmem>>[vector<16xi32>], vector<16xi32>, vector<16xi1>
      %add3A_323 = arith.constant 32 : i32
      %add3A_324 = arith.addi %add3A_281, %add3A_323 : i32
      %get3A_325 = arith.index_cast %add3A_324 : i32 to index
      %get3A_326 = tpu.vector_load %arg6[%get3A_325] {strides = array<i32>} : memref<8192xi32, #tpu.memory_space<vmem>>, vector<16xi32>,
      %ge3A_327 = vector.broadcast %mul3A_32 : i32 to vector<16xi32>
      %ge3A_328 = arith.cmpi sge, %get3A_326, %ge3A_327 : vector<16xi32>
      %add3A_329 = arith.constant 4096 : i32
      %add3A_330 = arith.addi %mul3A_32, %add3A_329 : i32
      %lt3A_331 = vector.broadcast %add3A_330 : i32 to vector<16xi32>
      %lt3A_332 = arith.cmpi slt, %get3A_326, %lt3A_331 : vector<16xi32>
      %and3A_333 = arith.andi %ge3A_328, %lt3A_332 : vector<16xi1>
      %sub3A_334 = vector.broadcast %mul3A_32 : i32 to vector<16xi32>
      %sub3A_335 = arith.subi %get3A_326, %sub3A_334 : vector<16xi32>
      %add3A_336 = vector.broadcast %add3A_324 : i32 to vector<16xi32>
      %add3A_337 = arith.addi %iota3A, %add3A_336 : vector<16xi32>
      %add3A_338 = arith.constant 8192 : i32
      %add3A_339 = vector.broadcast %add3A_338 : i32 to vector<16xi32>
      %add3A_340 = arith.addi %add3A_337, %add3A_339 : vector<16xi32>
      %add3A_341 = arith.constant 1 : i32
      %add3A_342 = vector.broadcast %add3A_341 : i32 to vector<16xi32>
      %add3A_343 = arith.addi %add3A_340, %add3A_342 : vector<16xi32>
      tpu.vector_store_idx %arg7[%sub3A_335], %add3A_343 masked %and3A_333 : memref<4096xi32, #tpu.memory_space<vmem>>[vector<16xi32>], vector<16xi32>, vector<16xi1>
      %add3A_344 = arith.constant 48 : i32
      %add3A_345 = arith.addi %add3A_281, %add3A_344 : i32
      %get3A_346 = arith.index_cast %add3A_345 : i32 to index
      %get3A_347 = tpu.vector_load %arg6[%get3A_346] {strides = array<i32>} : memref<8192xi32, #tpu.memory_space<vmem>>, vector<16xi32>,
      %ge3A_348 = vector.broadcast %mul3A_32 : i32 to vector<16xi32>
      %ge3A_349 = arith.cmpi sge, %get3A_347, %ge3A_348 : vector<16xi32>
      %add3A_350 = arith.constant 4096 : i32
      %add3A_351 = arith.addi %mul3A_32, %add3A_350 : i32
      %lt3A_352 = vector.broadcast %add3A_351 : i32 to vector<16xi32>
      %lt3A_353 = arith.cmpi slt, %get3A_347, %lt3A_352 : vector<16xi32>
      %and3A_354 = arith.andi %ge3A_349, %lt3A_353 : vector<16xi1>
      %sub3A_355 = vector.broadcast %mul3A_32 : i32 to vector<16xi32>
      %sub3A_356 = arith.subi %get3A_347, %sub3A_355 : vector<16xi32>
      %add3A_357 = vector.broadcast %add3A_345 : i32 to vector<16xi32>
      %add3A_358 = arith.addi %iota3A, %add3A_357 : vector<16xi32>
      %add3A_359 = arith.constant 8192 : i32
      %add3A_360 = vector.broadcast %add3A_359 : i32 to vector<16xi32>
      %add3A_361 = arith.addi %add3A_358, %add3A_360 : vector<16xi32>
      %add3A_362 = arith.constant 1 : i32
      %add3A_363 = vector.broadcast %add3A_362 : i32 to vector<16xi32>
      %add3A_364 = arith.addi %add3A_361, %add3A_363 : vector<16xi32>
      tpu.vector_store_idx %arg7[%sub3A_356], %add3A_364 masked %and3A_354 : memref<4096xi32, #tpu.memory_space<vmem>>[vector<16xi32>], vector<16xi32>, vector<16xi1>
    }
    %scan3A_54 = arith.constant 128 : i32
    %scan3A_55 = arith.constant 0 : i32
    %scan3A_56 = arith.constant 0 : i32
    %scan3A_57 = arith.constant 0 : i32
    %scan3A_58 = arith.constant 256 : i32
    %scan3A_59 = arith.addi %scan3A_57, %scan3A_58 : i32
    %scan3A_60 = arith.constant 1 : i32
    %scan3A_61:2 = scf.for %scan3A_277 = %scan3A_57 to %scan3A_59 step %scan3A_60 iter_args(%scan3A_278 = %scan3A_55, %scan3A_279 = %scan3A_56) -> (i32, i32)  : i32 {
      %mul3A_280 = arith.constant 16 : i32
      %mul3A_281 = arith.muli %scan3A_277, %mul3A_280 : i32
      %get3A_282 = arith.index_cast %mul3A_281 : i32 to index
      %get3A_283 = tpu.vector_load %arg7[%get3A_282] {strides = array<i32>} : memref<4096xi32, #tpu.memory_space<vmem>>, vector<16xi32>,
      %ne3A_284 = arith.constant 0 : i32
      %ne3A_285 = vector.broadcast %ne3A_284 : i32 to vector<16xi32>
      %ne3A_286 = arith.cmpi ne, %get3A_283, %ne3A_285 : vector<16xi32>
      %not3A = arith.constant dense<true> : vector<16xi1>
      %not3A_287 = arith.xori %ne3A_286, %not3A : vector<16xi1>
      %mul3A_288 = arith.constant 16 : i32
      %mul3A_289 = arith.muli %scan3A_277, %mul3A_288 : i32
      %add3A_290 = arith.addi %mul3A_32, %mul3A_289 : i32
      %add3A_291 = vector.broadcast %add3A_290 : i32 to vector<16xi32>
      %add3A_292 = arith.addi %add3A_291, %iota3A : vector<16xi32>
      %sub3A_293 = arith.constant 1 : i32
      %sub3A_294 = vector.broadcast %sub3A_293 : i32 to vector<16xi32>
      %sub3A_295 = arith.subi %get3A_283, %sub3A_294 : vector<16xi32>
      %mul3A_296 = arith.constant 16384 : i32
      %mul3A_297 = arith.muli %select_n3A, %mul3A_296 : i32
      %add3A_298 = vector.broadcast %mul3A_297 : i32 to vector<16xi32>
      %add3A_299 = arith.addi %sub3A_295, %add3A_298 : vector<16xi32>
      %mul3A_300 = arith.constant 32768 : i32
      %mul3A_301 = arith.muli %select_n3A, %mul3A_300 : i32
      %add3A_302 = vector.broadcast %mul3A_301 : i32 to vector<16xi32>
      %add3A_303 = arith.addi %add3A_292, %add3A_302 : vector<16xi32>
      %swap3A = arith.index_cast %scan3A_278 : i32 to index
      %swap3A_304 = tpu.vector_load %arg8[%swap3A] masked %ne3A_286 {strides = array<i32>} : memref<4112xi32, #tpu.memory_space<vmem>>, vector<16xi32>, vector<16xi1>
      tpu.vector_store %arg8[%swap3A], %add3A_299 masked %ne3A_286 {strides = array<i32>} : memref<4112xi32, #tpu.memory_space<vmem>>, vector<16xi32>, vector<16xi1>
      %swap3A_305 = arith.index_cast %scan3A_278 : i32 to index
      %swap3A_306 = tpu.vector_load %arg9[%swap3A_305] masked %ne3A_286 {strides = array<i32>} : memref<4112xi32, #tpu.memory_space<vmem>>, vector<16xi32>, vector<16xi1>
      tpu.vector_store %arg9[%swap3A_305], %add3A_303 masked %ne3A_286 {strides = array<i32>} : memref<4112xi32, #tpu.memory_space<vmem>>, vector<16xi32>, vector<16xi1>
      %swap3A_307 = arith.index_cast %scan3A_279 : i32 to index
      %swap3A_308 = tpu.vector_load %arg10[%swap3A_307] masked %not3A_287 {strides = array<i32>} : memref<4112xi32, #tpu.memory_space<vmem>>, vector<16xi32>, vector<16xi1>
      tpu.vector_store %arg10[%swap3A_307], %add3A_303 masked %not3A_287 {strides = array<i32>} : memref<4112xi32, #tpu.memory_space<vmem>>, vector<16xi32>, vector<16xi1>
      %convert_element_type3A_309 = arith.extui %ne3A_286 : vector<16xi1> to vector<16xi32>
      %reduce_sum3A = arith.constant true
      %reduce_sum3A_310 = vector.broadcast %reduce_sum3A : i1 to vector<16xi1>
      %reduce_sum3A_311 = tpu.scan <sum>, %convert_element_type3A_309 masked %reduce_sum3A_310 : vector<16xi32>, vector<16xi1> -> vector<16xi32>
      %reduce_sum3A_312 = vector.extract %reduce_sum3A_311[15] : i32 from vector<16xi32>
      %sub3A_313 = arith.constant 16 : i32
      %sub3A_314 = arith.subi %sub3A_313, %reduce_sum3A_312 : i32
      %add3A_315 = arith.addi %scan3A_279, %sub3A_314 : i32
      %jit3A_316 = arith.constant 64 : i32
      %div3A_317 = arith.divsi %add3A_315, %jit3A_316 : i32
      %sign3A_318 = arith.constant 0 : i32
      %sign3A_319 = arith.cmpi sgt, %add3A_315, %sign3A_318 : i32
      %sign3A_320 = arith.extui %sign3A_319 : i1 to i32
      %sign3A_321 = arith.constant 0 : i32
      %sign3A_322 = arith.cmpi slt, %add3A_315, %sign3A_321 : i32
      %sign3A_323 = arith.extui %sign3A_322 : i1 to i32
      %sign3A_324 = arith.subi %sign3A_320, %sign3A_323 : i32
      %sign3A_325 = arith.constant 0 : i32
      %sign3A_326 = arith.cmpi sgt, %jit3A_316, %sign3A_325 : i32
      %sign3A_327 = arith.extui %sign3A_326 : i1 to i32
      %sign3A_328 = arith.constant 0 : i32
      %sign3A_329 = arith.cmpi slt, %jit3A_316, %sign3A_328 : i32
      %sign3A_330 = arith.extui %sign3A_329 : i1 to i32
      %sign3A_331 = arith.subi %sign3A_327, %sign3A_330 : i32
      %ne3A_332 = arith.cmpi ne, %sign3A_324, %sign3A_331 : i32
      %rem3A_333 = arith.remsi %add3A_315, %jit3A_316 : i32
      %ne3A_334 = arith.constant 0 : i32
      %ne3A_335 = arith.cmpi ne, %rem3A_333, %ne3A_334 : i32
      %and3A_336 = arith.andi %ne3A_332, %ne3A_335 : i1
      %sub3A_337 = arith.constant 1 : i32
      %sub3A_338 = arith.subi %div3A_317, %sub3A_337 : i32
      %select_n3A_339 = arith.select %and3A_336, %sub3A_338, %div3A_317 : i32
      %jit3A_340 = arith.constant 64 : i32
      %div3A_341 = arith.divsi %scan3A_279, %jit3A_340 : i32
      %sign3A_342 = arith.constant 0 : i32
      %sign3A_343 = arith.cmpi sgt, %scan3A_279, %sign3A_342 : i32
      %sign3A_344 = arith.extui %sign3A_343 : i1 to i32
      %sign3A_345 = arith.constant 0 : i32
      %sign3A_346 = arith.cmpi slt, %scan3A_279, %sign3A_345 : i32
      %sign3A_347 = arith.extui %sign3A_346 : i1 to i32
      %sign3A_348 = arith.subi %sign3A_344, %sign3A_347 : i32
      %sign3A_349 = arith.constant 0 : i32
      %sign3A_350 = arith.cmpi sgt, %jit3A_340, %sign3A_349 : i32
      %sign3A_351 = arith.extui %sign3A_350 : i1 to i32
      %sign3A_352 = arith.constant 0 : i32
      %sign3A_353 = arith.cmpi slt, %jit3A_340, %sign3A_352 : i32
      %sign3A_354 = arith.extui %sign3A_353 : i1 to i32
      %sign3A_355 = arith.subi %sign3A_351, %sign3A_354 : i32
      %ne3A_356 = arith.cmpi ne, %sign3A_348, %sign3A_355 : i32
      %rem3A_357 = arith.remsi %scan3A_279, %jit3A_340 : i32
      %ne3A_358 = arith.constant 0 : i32
      %ne3A_359 = arith.cmpi ne, %rem3A_357, %ne3A_358 : i32
      %and3A_360 = arith.andi %ne3A_356, %ne3A_359 : i1
      %sub3A_361 = arith.constant 1 : i32
      %sub3A_362 = arith.subi %div3A_341, %sub3A_361 : i32
      %select_n3A_363 = arith.select %and3A_360, %sub3A_362, %div3A_341 : i32
      %gt3A_364 = arith.cmpi sgt, %select_n3A_339, %select_n3A_363 : i32
      %convert_element_type3A_365 = arith.extui %gt3A_364 : i1 to i32
      %cond3A_366 = arith.constant 0 : i32
      %cond3A_367 = arith.cmpi ne, %convert_element_type3A_365, %cond3A_366 : i32
      scf.if %cond3A_367 {
        %jit3A_369 = arith.constant 64 : i32
        %div3A_370 = arith.divsi %scan3A_279, %jit3A_369 : i32
        %sign3A_371 = arith.constant 0 : i32
        %sign3A_372 = arith.cmpi sgt, %scan3A_279, %sign3A_371 : i32
        %sign3A_373 = arith.extui %sign3A_372 : i1 to i32
        %sign3A_374 = arith.constant 0 : i32
        %sign3A_375 = arith.cmpi slt, %scan3A_279, %sign3A_374 : i32
        %sign3A_376 = arith.extui %sign3A_375 : i1 to i32
        %sign3A_377 = arith.subi %sign3A_373, %sign3A_376 : i32
        %sign3A_378 = arith.constant 0 : i32
        %sign3A_379 = arith.cmpi sgt, %jit3A_369, %sign3A_378 : i32
        %sign3A_380 = arith.extui %sign3A_379 : i1 to i32
        %sign3A_381 = arith.constant 0 : i32
        %sign3A_382 = arith.cmpi slt, %jit3A_369, %sign3A_381 : i32
        %sign3A_383 = arith.extui %sign3A_382 : i1 to i32
        %sign3A_384 = arith.subi %sign3A_380, %sign3A_383 : i32
        %ne3A_385 = arith.cmpi ne, %sign3A_377, %sign3A_384 : i32
        %rem3A_386 = arith.remsi %scan3A_279, %jit3A_369 : i32
        %ne3A_387 = arith.constant 0 : i32
        %ne3A_388 = arith.cmpi ne, %rem3A_386, %ne3A_387 : i32
        %and3A_389 = arith.andi %ne3A_385, %ne3A_388 : i1
        %sub3A_390 = arith.constant 1 : i32
        %sub3A_391 = arith.subi %div3A_370, %sub3A_390 : i32
        %select_n3A_392 = arith.select %and3A_389, %sub3A_391, %div3A_370 : i32
        %mul3A_393 = arith.constant 64 : i32
        %mul3A_394 = arith.muli %select_n3A_392, %mul3A_393 : i32
        %add3A_395 = arith.constant 0 : i32
        %add3A_396 = arith.addi %mul3A_394, %add3A_395 : i32
        %get3A_397 = arith.index_cast %add3A_396 : i32 to index
        %get3A_398 = tpu.vector_load %arg10[%get3A_397] {strides = array<i32>} : memref<4112xi32, #tpu.memory_space<vmem>>, vector<16xi32>,
        %swap3A_399 = arith.index_cast %select_n3A_392 : i32 to index
        %swap3A_400 = arith.constant 0 : index
        %swap3A_401 = tpu.vector_load %arg13[%swap3A_399, %swap3A_400] {strides = array<i32>} : memref<64x64xi32, #tpu.memory_space<vmem>>, vector<16xi32>,
        tpu.vector_store %arg13[%swap3A_399, %swap3A_400], %get3A_398 {strides = array<i32>} : memref<64x64xi32, #tpu.memory_space<vmem>>, vector<16xi32>,
        %mul3A_402 = arith.constant 64 : i32
        %mul3A_403 = arith.muli %select_n3A_392, %mul3A_402 : i32
        %add3A_404 = arith.constant 16 : i32
        %add3A_405 = arith.addi %mul3A_403, %add3A_404 : i32
        %get3A_406 = arith.index_cast %add3A_405 : i32 to index
        %get3A_407 = tpu.vector_load %arg10[%get3A_406] {strides = array<i32>} : memref<4112xi32, #tpu.memory_space<vmem>>, vector<16xi32>,
        %swap3A_408 = arith.index_cast %select_n3A_392 : i32 to index
        %swap3A_409 = arith.constant 16 : index
        %swap3A_410 = tpu.vector_load %arg13[%swap3A_408, %swap3A_409] {strides = array<i32>} : memref<64x64xi32, #tpu.memory_space<vmem>>, vector<16xi32>,
        tpu.vector_store %arg13[%swap3A_408, %swap3A_409], %get3A_407 {strides = array<i32>} : memref<64x64xi32, #tpu.memory_space<vmem>>, vector<16xi32>,
        %mul3A_411 = arith.constant 64 : i32
        %mul3A_412 = arith.muli %select_n3A_392, %mul3A_411 : i32
        %add3A_413 = arith.constant 32 : i32
        %add3A_414 = arith.addi %mul3A_412, %add3A_413 : i32
        %get3A_415 = arith.index_cast %add3A_414 : i32 to index
        %get3A_416 = tpu.vector_load %arg10[%get3A_415] {strides = array<i32>} : memref<4112xi32, #tpu.memory_space<vmem>>, vector<16xi32>,
        %swap3A_417 = arith.index_cast %select_n3A_392 : i32 to index
        %swap3A_418 = arith.constant 32 : index
        %swap3A_419 = tpu.vector_load %arg13[%swap3A_417, %swap3A_418] {strides = array<i32>} : memref<64x64xi32, #tpu.memory_space<vmem>>, vector<16xi32>,
        tpu.vector_store %arg13[%swap3A_417, %swap3A_418], %get3A_416 {strides = array<i32>} : memref<64x64xi32, #tpu.memory_space<vmem>>, vector<16xi32>,
        %mul3A_420 = arith.constant 64 : i32
        %mul3A_421 = arith.muli %select_n3A_392, %mul3A_420 : i32
        %add3A_422 = arith.constant 48 : i32
        %add3A_423 = arith.addi %mul3A_421, %add3A_422 : i32
        %get3A_424 = arith.index_cast %add3A_423 : i32 to index
        %get3A_425 = tpu.vector_load %arg10[%get3A_424] {strides = array<i32>} : memref<4112xi32, #tpu.memory_space<vmem>>, vector<16xi32>,
        %swap3A_426 = arith.index_cast %select_n3A_392 : i32 to index
        %swap3A_427 = arith.constant 48 : index
        %swap3A_428 = tpu.vector_load %arg13[%swap3A_426, %swap3A_427] {strides = array<i32>} : memref<64x64xi32, #tpu.memory_space<vmem>>, vector<16xi32>,
        tpu.vector_store %arg13[%swap3A_426, %swap3A_427], %get3A_425 {strides = array<i32>} : memref<64x64xi32, #tpu.memory_space<vmem>>, vector<16xi32>,
        %jit3A_429 = arith.constant 64 : i32
        %div3A_430 = arith.divsi %scan3A_279, %jit3A_429 : i32
        %sign3A_431 = arith.constant 0 : i32
        %sign3A_432 = arith.cmpi sgt, %scan3A_279, %sign3A_431 : i32
        %sign3A_433 = arith.extui %sign3A_432 : i1 to i32
        %sign3A_434 = arith.constant 0 : i32
        %sign3A_435 = arith.cmpi slt, %scan3A_279, %sign3A_434 : i32
        %sign3A_436 = arith.extui %sign3A_435 : i1 to i32
        %sign3A_437 = arith.subi %sign3A_433, %sign3A_436 : i32
        %sign3A_438 = arith.constant 0 : i32
        %sign3A_439 = arith.cmpi sgt, %jit3A_429, %sign3A_438 : i32
        %sign3A_440 = arith.extui %sign3A_439 : i1 to i32
        %sign3A_441 = arith.constant 0 : i32
        %sign3A_442 = arith.cmpi slt, %jit3A_429, %sign3A_441 : i32
        %sign3A_443 = arith.extui %sign3A_442 : i1 to i32
        %sign3A_444 = arith.subi %sign3A_440, %sign3A_443 : i32
        %ne3A_445 = arith.cmpi ne, %sign3A_437, %sign3A_444 : i32
        %rem3A_446 = arith.remsi %scan3A_279, %jit3A_429 : i32
        %ne3A_447 = arith.constant 0 : i32
        %ne3A_448 = arith.cmpi ne, %rem3A_446, %ne3A_447 : i32
        %and3A_449 = arith.andi %ne3A_445, %ne3A_448 : i1
        %sub3A_450 = arith.constant 1 : i32
        %sub3A_451 = arith.subi %div3A_430, %sub3A_450 : i32
        %select_n3A_452 = arith.select %and3A_449, %sub3A_451, %div3A_430 : i32
        %dma_start3A = arith.constant 0 : i32
        %dma_start3A_453 = arith.constant 0 : i32
        %dma_start3A_454 = tpu.memref_slice %arg13[%select_n3A_452, %dma_start3A_453] : memref<64x64xi32, #tpu.memory_space<vmem>> -> memref<1x64xi32, #tpu.memory_space<vmem>>
        %dma_start3A_455 = tpu.memref_squeeze %dma_start3A_454 : memref<1x64xi32, #tpu.memory_space<vmem>> -> memref<64xi32, #tpu.memory_space<vmem>>
        %dma_start3A_456 = arith.constant 0 : i32
        %dma_start3A_457 = arith.constant 0 : i32
        %dma_start3A_458 = tpu.memref_slice %arg5[%dma_start3A, %dma_start3A_456, %dma_start3A_457] : memref<2x131072x128xf32, #tpu.memory_space<hbm>> -> memref<1x131072x128xf32, #tpu.memory_space<hbm>>
        %dma_start3A_459 = tpu.memref_squeeze %dma_start3A_458 : memref<1x131072x128xf32, #tpu.memory_space<hbm>> -> memref<131072x128xf32, #tpu.memory_space<hbm>>
        %dma_start3A_460 = arith.constant 0 : i32
        %dma_start3A_461 = arith.constant 0 : i32
        %dma_start3A_462 = tpu.memref_slice %dma_start3A_459[%dma_start3A_460, %dma_start3A_461] : memref<131072x128xf32, #tpu.memory_space<hbm>> -> memref<131072x128xf32, #tpu.memory_space<hbm>>
        tpu.enqueue_indirect_dma source(%arg16 : memref<64x128xf32, #tpu.memory_space<vmem>>) target(%dma_start3A_462 : memref<131072x128xf32, #tpu.memory_space<hbm>>) offsets(%dma_start3A_455 : memref<64xi32, #tpu.memory_space<vmem>>) semaphore(%arg21 : memref<!tpu.dma_semaphore, #tpu.memory_space<semaphore_mem>>)
        %dma_start3A_463 = arith.constant 1 : i32
        %dma_start3A_464 = arith.constant 0 : i32
        %dma_start3A_465 = tpu.memref_slice %arg13[%select_n3A_452, %dma_start3A_464] : memref<64x64xi32, #tpu.memory_space<vmem>> -> memref<1x64xi32, #tpu.memory_space<vmem>>
        %dma_start3A_466 = tpu.memref_squeeze %dma_start3A_465 : memref<1x64xi32, #tpu.memory_space<vmem>> -> memref<64xi32, #tpu.memory_space<vmem>>
        %dma_start3A_467 = arith.constant 0 : i32
        %dma_start3A_468 = arith.constant 0 : i32
        %dma_start3A_469 = tpu.memref_slice %arg5[%dma_start3A_463, %dma_start3A_467, %dma_start3A_468] : memref<2x131072x128xf32, #tpu.memory_space<hbm>> -> memref<1x131072x128xf32, #tpu.memory_space<hbm>>
        %dma_start3A_470 = tpu.memref_squeeze %dma_start3A_469 : memref<1x131072x128xf32, #tpu.memory_space<hbm>> -> memref<131072x128xf32, #tpu.memory_space<hbm>>
        %dma_start3A_471 = arith.constant 0 : i32
        %dma_start3A_472 = arith.constant 0 : i32
        %dma_start3A_473 = tpu.memref_slice %dma_start3A_470[%dma_start3A_471, %dma_start3A_472] : memref<131072x128xf32, #tpu.memory_space<hbm>> -> memref<131072x128xf32, #tpu.memory_space<hbm>>
        tpu.enqueue_indirect_dma source(%arg16 : memref<64x128xf32, #tpu.memory_space<vmem>>) target(%dma_start3A_473 : memref<131072x128xf32, #tpu.memory_space<hbm>>) offsets(%dma_start3A_466 : memref<64xi32, #tpu.memory_space<vmem>>) semaphore(%arg21 : memref<!tpu.dma_semaphore, #tpu.memory_space<semaphore_mem>>)
      } else {
      }
      %add3A_368 = arith.addi %scan3A_278, %reduce_sum3A_312 : i32
      scf.yield %add3A_368, %add3A_315 : i32, i32
    }
    %scan3A_62 = arith.constant 256 : i32
    %add3A_63 = arith.constant 64 : i32
    %add3A_64 = arith.addi %scan3A_61#0, %add3A_63 : i32
    %sub3A_65 = arith.constant 1 : i32
    %sub3A_66 = arith.subi %add3A_64, %sub3A_65 : i32
    %jit3A_67 = arith.constant 64 : i32
    %div3A_68 = arith.divsi %sub3A_66, %jit3A_67 : i32
    %sign3A_69 = arith.constant 0 : i32
    %sign3A_70 = arith.cmpi sgt, %sub3A_66, %sign3A_69 : i32
    %sign3A_71 = arith.extui %sign3A_70 : i1 to i32
    %sign3A_72 = arith.constant 0 : i32
    %sign3A_73 = arith.cmpi slt, %sub3A_66, %sign3A_72 : i32
    %sign3A_74 = arith.extui %sign3A_73 : i1 to i32
    %sign3A_75 = arith.subi %sign3A_71, %sign3A_74 : i32
    %sign3A_76 = arith.constant 0 : i32
    %sign3A_77 = arith.cmpi sgt, %jit3A_67, %sign3A_76 : i32
    %sign3A_78 = arith.extui %sign3A_77 : i1 to i32
    %sign3A_79 = arith.constant 0 : i32
    %sign3A_80 = arith.cmpi slt, %jit3A_67, %sign3A_79 : i32
    %sign3A_81 = arith.extui %sign3A_80 : i1 to i32
    %sign3A_82 = arith.subi %sign3A_78, %sign3A_81 : i32
    %ne3A_83 = arith.cmpi ne, %sign3A_75, %sign3A_82 : i32
    %rem3A_84 = arith.remsi %sub3A_66, %jit3A_67 : i32
    %ne3A_85 = arith.constant 0 : i32
    %ne3A_86 = arith.cmpi ne, %rem3A_84, %ne3A_85 : i32
    %and3A_87 = arith.andi %ne3A_83, %ne3A_86 : i1
    %sub3A_88 = arith.constant 1 : i32
    %sub3A_89 = arith.subi %div3A_68, %sub3A_88 : i32
    %select_n3A_90 = arith.select %and3A_87, %sub3A_89, %div3A_68 : i32
    %add3A_91 = arith.constant 64 : i32
    %add3A_92 = arith.addi %scan3A_61#1, %add3A_91 : i32
    %sub3A_93 = arith.constant 1 : i32
    %sub3A_94 = arith.subi %add3A_92, %sub3A_93 : i32
    %jit3A_95 = arith.constant 64 : i32
    %div3A_96 = arith.divsi %sub3A_94, %jit3A_95 : i32
    %sign3A_97 = arith.constant 0 : i32
    %sign3A_98 = arith.cmpi sgt, %sub3A_94, %sign3A_97 : i32
    %sign3A_99 = arith.extui %sign3A_98 : i1 to i32
    %sign3A_100 = arith.constant 0 : i32
    %sign3A_101 = arith.cmpi slt, %sub3A_94, %sign3A_100 : i32
    %sign3A_102 = arith.extui %sign3A_101 : i1 to i32
    %sign3A_103 = arith.subi %sign3A_99, %sign3A_102 : i32
    %sign3A_104 = arith.constant 0 : i32
    %sign3A_105 = arith.cmpi sgt, %jit3A_95, %sign3A_104 : i32
    %sign3A_106 = arith.extui %sign3A_105 : i1 to i32
    %sign3A_107 = arith.constant 0 : i32
    %sign3A_108 = arith.cmpi slt, %jit3A_95, %sign3A_107 : i32
    %sign3A_109 = arith.extui %sign3A_108 : i1 to i32
    %sign3A_110 = arith.subi %sign3A_106, %sign3A_109 : i32
    %ne3A_111 = arith.cmpi ne, %sign3A_103, %sign3A_110 : i32
    %rem3A_112 = arith.remsi %sub3A_94, %jit3A_95 : i32
    %ne3A_113 = arith.constant 0 : i32
    %ne3A_114 = arith.cmpi ne, %rem3A_112, %ne3A_113 : i32
    %and3A_115 = arith.andi %ne3A_111, %ne3A_114 : i1
    %sub3A_116 = arith.constant 1 : i32
    %sub3A_117 = arith.subi %div3A_96, %sub3A_116 : i32
    %select_n3A_118 = arith.select %and3A_115, %sub3A_117, %div3A_96 : i32
    %mul3A_119 = arith.constant 64 : i32
    %mul3A_120 = arith.muli %select_n3A_90, %mul3A_119 : i32
    %get3A = arith.constant 0 : index
    %get3A_121 = tpu.vector_load %arg8[%get3A] {strides = array<i32>} : memref<4112xi32, #tpu.memory_space<vmem>>, vector<16xi32>,
    %broadcast_in_dim3A_122 = arith.constant 0 : i32
    %broadcast_in_dim3A_123 = vector.broadcast %broadcast_in_dim3A_122 : i32 to vector<16x1xi32>
    %gather3A = vector.shape_cast %broadcast_in_dim3A_123 : vector<16x1xi32> to vector<16xi32>
    %gather3A_124 = tpu.dynamic_gather %get3A_121[%gather3A] in [0] : vector<16xi32>, vector<16xi32> -> vector<16xi32>
    %sub3A_125 = arith.subi %mul3A_120, %scan3A_61#0 : i32
    %add3A_126 = arith.constant 16 : i32
    %add3A_127 = arith.addi %sub3A_125, %add3A_126 : i32
    %sub3A_128 = arith.constant 1 : i32
    %sub3A_129 = arith.subi %add3A_127, %sub3A_128 : i32
    %jit3A_130 = arith.constant 16 : i32
    %div3A_131 = arith.divsi %sub3A_129, %jit3A_130 : i32
    %sign3A_132 = arith.constant 0 : i32
    %sign3A_133 = arith.cmpi sgt, %sub3A_129, %sign3A_132 : i32
    %sign3A_134 = arith.extui %sign3A_133 : i1 to i32
    %sign3A_135 = arith.constant 0 : i32
    %sign3A_136 = arith.cmpi slt, %sub3A_129, %sign3A_135 : i32
    %sign3A_137 = arith.extui %sign3A_136 : i1 to i32
    %sign3A_138 = arith.subi %sign3A_134, %sign3A_137 : i32
    %sign3A_139 = arith.constant 0 : i32
    %sign3A_140 = arith.cmpi sgt, %jit3A_130, %sign3A_139 : i32
    %sign3A_141 = arith.extui %sign3A_140 : i1 to i32
    %sign3A_142 = arith.constant 0 : i32
    %sign3A_143 = arith.cmpi slt, %jit3A_130, %sign3A_142 : i32
    %sign3A_144 = arith.extui %sign3A_143 : i1 to i32
    %sign3A_145 = arith.subi %sign3A_141, %sign3A_144 : i32
    %ne3A_146 = arith.cmpi ne, %sign3A_138, %sign3A_145 : i32
    %rem3A_147 = arith.remsi %sub3A_129, %jit3A_130 : i32
    %ne3A_148 = arith.constant 0 : i32
    %ne3A_149 = arith.cmpi ne, %rem3A_147, %ne3A_148 : i32
    %and3A_150 = arith.andi %ne3A_146, %ne3A_149 : i1
    %sub3A_151 = arith.constant 1 : i32
    %sub3A_152 = arith.subi %div3A_131, %sub3A_151 : i32
    %select_n3A_153 = arith.select %and3A_150, %sub3A_152, %div3A_131 : i32
    %while3A = arith.constant 0 : i32
    %while3A_154 = arith.constant 0 : i32
    %while3A_155 = arith.subi %select_n3A_153, %while3A : i32
    %while3A_156 = arith.addi %while3A, %while3A_155 : i32
    %while3A_157 = arith.constant 1 : i32
    %while3A_158 = arith.divsi %while3A_155, %while3A_157 : i32
    %while3A_159 = arith.muli %while3A_158, %while3A_157 : i32
    %while3A_160 = arith.addi %while3A, %while3A_159 : i32
    %while3A_161 = arith.constant 1 : i32
    %while3A_162 = scf.for %while3A_277 = %while3A to %while3A_160 step %while3A_161 iter_args(%while3A_278 = %while3A_154) -> (i32)  : i32 {
      %mul3A_279 = arith.constant 16 : i32
      %mul3A_280 = arith.muli %while3A_277, %mul3A_279 : i32
      %add3A_281 = arith.addi %scan3A_61#0, %mul3A_280 : i32
      %swap3A = arith.index_cast %add3A_281 : i32 to index
      %swap3A_282 = tpu.vector_load %arg8[%swap3A] {strides = array<i32>} : memref<4112xi32, #tpu.memory_space<vmem>>, vector<16xi32>,
      tpu.vector_store %arg8[%swap3A], %gather3A_124 {strides = array<i32>} : memref<4112xi32, #tpu.memory_space<vmem>>, vector<16xi32>,
      %while3A_283 = arith.constant 0 : i32
      scf.yield %while3A_283 : i32
    }
    %while3A_163 = arith.constant 1 : i32
    %while3A_164 = scf.for %while3A_277 = %while3A_160 to %while3A_156 step %while3A_163 iter_args(%while3A_278 = %while3A_162) -> (i32)  : i32 {
      %mul3A_279 = arith.constant 16 : i32
      %mul3A_280 = arith.muli %while3A_277, %mul3A_279 : i32
      %add3A_281 = arith.addi %scan3A_61#0, %mul3A_280 : i32
      %swap3A = arith.index_cast %add3A_281 : i32 to index
      %swap3A_282 = tpu.vector_load %arg8[%swap3A] {strides = array<i32>} : memref<4112xi32, #tpu.memory_space<vmem>>, vector<16xi32>,
      tpu.vector_store %arg8[%swap3A], %gather3A_124 {strides = array<i32>} : memref<4112xi32, #tpu.memory_space<vmem>>, vector<16xi32>,
      %while3A_283 = arith.constant 0 : i32
      scf.yield %while3A_283 : i32
    }
    %mul3A_165 = arith.constant 64 : i32
    %mul3A_166 = arith.muli %select_n3A_90, %mul3A_165 : i32
    %get3A_167 = arith.constant 0 : index
    %get3A_168 = tpu.vector_load %arg9[%get3A_167] {strides = array<i32>} : memref<4112xi32, #tpu.memory_space<vmem>>, vector<16xi32>,
    %broadcast_in_dim3A_169 = arith.constant 0 : i32
    %broadcast_in_dim3A_170 = vector.broadcast %broadcast_in_dim3A_169 : i32 to vector<16x1xi32>
    %gather3A_171 = vector.shape_cast %broadcast_in_dim3A_170 : vector<16x1xi32> to vector<16xi32>
    %gather3A_172 = tpu.dynamic_gather %get3A_168[%gather3A_171] in [0] : vector<16xi32>, vector<16xi32> -> vector<16xi32>
    %sub3A_173 = arith.subi %mul3A_166, %scan3A_61#0 : i32
    %add3A_174 = arith.constant 16 : i32
    %add3A_175 = arith.addi %sub3A_173, %add3A_174 : i32
    %sub3A_176 = arith.constant 1 : i32
    %sub3A_177 = arith.subi %add3A_175, %sub3A_176 : i32
    %jit3A_178 = arith.constant 16 : i32
    %div3A_179 = arith.divsi %sub3A_177, %jit3A_178 : i32
    %sign3A_180 = arith.constant 0 : i32
    %sign3A_181 = arith.cmpi sgt, %sub3A_177, %sign3A_180 : i32
    %sign3A_182 = arith.extui %sign3A_181 : i1 to i32
    %sign3A_183 = arith.constant 0 : i32
    %sign3A_184 = arith.cmpi slt, %sub3A_177, %sign3A_183 : i32
    %sign3A_185 = arith.extui %sign3A_184 : i1 to i32
    %sign3A_186 = arith.subi %sign3A_182, %sign3A_185 : i32
    %sign3A_187 = arith.constant 0 : i32
    %sign3A_188 = arith.cmpi sgt, %jit3A_178, %sign3A_187 : i32
    %sign3A_189 = arith.extui %sign3A_188 : i1 to i32
    %sign3A_190 = arith.constant 0 : i32
    %sign3A_191 = arith.cmpi slt, %jit3A_178, %sign3A_190 : i32
    %sign3A_192 = arith.extui %sign3A_191 : i1 to i32
    %sign3A_193 = arith.subi %sign3A_189, %sign3A_192 : i32
    %ne3A_194 = arith.cmpi ne, %sign3A_186, %sign3A_193 : i32
    %rem3A_195 = arith.remsi %sub3A_177, %jit3A_178 : i32
    %ne3A_196 = arith.constant 0 : i32
    %ne3A_197 = arith.cmpi ne, %rem3A_195, %ne3A_196 : i32
    %and3A_198 = arith.andi %ne3A_194, %ne3A_197 : i1
    %sub3A_199 = arith.constant 1 : i32
    %sub3A_200 = arith.subi %div3A_179, %sub3A_199 : i32
    %select_n3A_201 = arith.select %and3A_198, %sub3A_200, %div3A_179 : i32
    %while3A_202 = arith.constant 0 : i32
    %while3A_203 = arith.constant 0 : i32
    %while3A_204 = arith.subi %select_n3A_201, %while3A_202 : i32
    %while3A_205 = arith.addi %while3A_202, %while3A_204 : i32
    %while3A_206 = arith.constant 1 : i32
    %while3A_207 = arith.divsi %while3A_204, %while3A_206 : i32
    %while3A_208 = arith.muli %while3A_207, %while3A_206 : i32
    %while3A_209 = arith.addi %while3A_202, %while3A_208 : i32
    %while3A_210 = arith.constant 1 : i32
    %while3A_211 = scf.for %while3A_277 = %while3A_202 to %while3A_209 step %while3A_210 iter_args(%while3A_278 = %while3A_203) -> (i32)  : i32 {
      %mul3A_279 = arith.constant 16 : i32
      %mul3A_280 = arith.muli %while3A_277, %mul3A_279 : i32
      %add3A_281 = arith.addi %scan3A_61#0, %mul3A_280 : i32
      %swap3A = arith.index_cast %add3A_281 : i32 to index
      %swap3A_282 = tpu.vector_load %arg9[%swap3A] {strides = array<i32>} : memref<4112xi32, #tpu.memory_space<vmem>>, vector<16xi32>,
      tpu.vector_store %arg9[%swap3A], %gather3A_172 {strides = array<i32>} : memref<4112xi32, #tpu.memory_space<vmem>>, vector<16xi32>,
      %while3A_283 = arith.constant 0 : i32
      scf.yield %while3A_283 : i32
    }
    %while3A_212 = arith.constant 1 : i32
    %while3A_213 = scf.for %while3A_277 = %while3A_209 to %while3A_205 step %while3A_212 iter_args(%while3A_278 = %while3A_211) -> (i32)  : i32 {
      %mul3A_279 = arith.constant 16 : i32
      %mul3A_280 = arith.muli %while3A_277, %mul3A_279 : i32
      %add3A_281 = arith.addi %scan3A_61#0, %mul3A_280 : i32
      %swap3A = arith.index_cast %add3A_281 : i32 to index
      %swap3A_282 = tpu.vector_load %arg9[%swap3A] {strides = array<i32>} : memref<4112xi32, #tpu.memory_space<vmem>>, vector<16xi32>,
      tpu.vector_store %arg9[%swap3A], %gather3A_172 {strides = array<i32>} : memref<4112xi32, #tpu.memory_space<vmem>>, vector<16xi32>,
      %while3A_283 = arith.constant 0 : i32
      scf.yield %while3A_283 : i32
    }
    %mul3A_214 = arith.constant 64 : i32
    %mul3A_215 = arith.muli %select_n3A_118, %mul3A_214 : i32
    %jit3A_216 = arith.constant 64 : i32
    %eq3A_217 = arith.constant 0 : i32
    %eq3A_218 = arith.cmpi eq, %jit3A_216, %eq3A_217 : i32
    %jit3A_219 = arith.constant 1 : i32
    %select_n3A_220 = arith.select %eq3A_218, %jit3A_219, %jit3A_216 : i32
    %rem3A_221 = arith.remsi %scan3A_61#1, %select_n3A_220 : i32
    %ne3A_222 = arith.constant 0 : i32
    %ne3A_223 = arith.cmpi ne, %rem3A_221, %ne3A_222 : i32
    %lt3A_224 = arith.constant 0 : i32
    %lt3A_225 = arith.cmpi slt, %rem3A_221, %lt3A_224 : i32
    %lt3A_226 = arith.constant 0 : i32
    %lt3A_227 = arith.cmpi slt, %select_n3A_220, %lt3A_226 : i32
    %ne3A_228 = arith.xori %lt3A_225, %lt3A_227 : i1
    %and3A_229 = arith.andi %ne3A_228, %ne3A_223 : i1
    %add3A_230 = arith.addi %rem3A_221, %select_n3A_220 : i32
    %select_n3A_231 = arith.select %and3A_229, %add3A_230, %rem3A_221 : i32
    %sub3A_232 = arith.subi %scan3A_61#1, %select_n3A_231 : i32
    %gt3A = arith.cmpi sgt, %mul3A_215, %sub3A_232 : i32
    %convert_element_type3A = arith.extui %gt3A : i1 to i32
    %cond3A = arith.constant 0 : i32
    %cond3A_233 = arith.cmpi ne, %convert_element_type3A, %cond3A : i32
    scf.if %cond3A_233 {
      %jit3A_277 = arith.constant 64 : i32
      %eq3A_278 = arith.constant 0 : i32
      %eq3A_279 = arith.cmpi eq, %jit3A_277, %eq3A_278 : i32
      %jit3A_280 = arith.constant 1 : i32
      %select_n3A_281 = arith.select %eq3A_279, %jit3A_280, %jit3A_277 : i32
      %rem3A_282 = arith.remsi %scan3A_61#1, %select_n3A_281 : i32
      %ne3A_283 = arith.constant 0 : i32
      %ne3A_284 = arith.cmpi ne, %rem3A_282, %ne3A_283 : i32
      %lt3A_285 = arith.constant 0 : i32
      %lt3A_286 = arith.cmpi slt, %rem3A_282, %lt3A_285 : i32
      %lt3A_287 = arith.constant 0 : i32
      %lt3A_288 = arith.cmpi slt, %select_n3A_281, %lt3A_287 : i32
      %ne3A_289 = arith.xori %lt3A_286, %lt3A_288 : i1
      %and3A_290 = arith.andi %ne3A_289, %ne3A_284 : i1
      %add3A_291 = arith.addi %rem3A_282, %select_n3A_281 : i32
      %select_n3A_292 = arith.select %and3A_290, %add3A_291, %rem3A_282 : i32
      %gt3A_293 = arith.constant 0 : i32
      %gt3A_294 = arith.cmpi sgt, %select_n3A_292, %gt3A_293 : i32
      %convert_element_type3A_295 = arith.extui %gt3A_294 : i1 to i32
      %cond3A_296 = arith.constant 0 : i32
      %cond3A_297 = arith.cmpi ne, %convert_element_type3A_295, %cond3A_296 : i32
      scf.if %cond3A_297 {
        %mul3A_298 = arith.constant 64 : i32
        %mul3A_299 = arith.muli %select_n3A_118, %mul3A_298 : i32
        %get3A_300 = arith.constant 0 : index
        %get3A_301 = tpu.vector_load %arg10[%get3A_300] {strides = array<i32>} : memref<4112xi32, #tpu.memory_space<vmem>>, vector<16xi32>,
        %broadcast_in_dim3A_302 = arith.constant 0 : i32
        %broadcast_in_dim3A_303 = vector.broadcast %broadcast_in_dim3A_302 : i32 to vector<16x1xi32>
        %gather3A_304 = vector.shape_cast %broadcast_in_dim3A_303 : vector<16x1xi32> to vector<16xi32>
        %gather3A_305 = tpu.dynamic_gather %get3A_301[%gather3A_304] in [0] : vector<16xi32>, vector<16xi32> -> vector<16xi32>
        %sub3A_306 = arith.subi %mul3A_299, %scan3A_61#1 : i32
        %add3A_307 = arith.constant 16 : i32
        %add3A_308 = arith.addi %sub3A_306, %add3A_307 : i32
        %sub3A_309 = arith.constant 1 : i32
        %sub3A_310 = arith.subi %add3A_308, %sub3A_309 : i32
        %jit3A_311 = arith.constant 16 : i32
        %div3A_312 = arith.divsi %sub3A_310, %jit3A_311 : i32
        %sign3A_313 = arith.constant 0 : i32
        %sign3A_314 = arith.cmpi sgt, %sub3A_310, %sign3A_313 : i32
        %sign3A_315 = arith.extui %sign3A_314 : i1 to i32
        %sign3A_316 = arith.constant 0 : i32
        %sign3A_317 = arith.cmpi slt, %sub3A_310, %sign3A_316 : i32
        %sign3A_318 = arith.extui %sign3A_317 : i1 to i32
        %sign3A_319 = arith.subi %sign3A_315, %sign3A_318 : i32
        %sign3A_320 = arith.constant 0 : i32
        %sign3A_321 = arith.cmpi sgt, %jit3A_311, %sign3A_320 : i32
        %sign3A_322 = arith.extui %sign3A_321 : i1 to i32
        %sign3A_323 = arith.constant 0 : i32
        %sign3A_324 = arith.cmpi slt, %jit3A_311, %sign3A_323 : i32
        %sign3A_325 = arith.extui %sign3A_324 : i1 to i32
        %sign3A_326 = arith.subi %sign3A_322, %sign3A_325 : i32
        %ne3A_327 = arith.cmpi ne, %sign3A_319, %sign3A_326 : i32
        %rem3A_328 = arith.remsi %sub3A_310, %jit3A_311 : i32
        %ne3A_329 = arith.constant 0 : i32
        %ne3A_330 = arith.cmpi ne, %rem3A_328, %ne3A_329 : i32
        %and3A_331 = arith.andi %ne3A_327, %ne3A_330 : i1
        %sub3A_332 = arith.constant 1 : i32
        %sub3A_333 = arith.subi %div3A_312, %sub3A_332 : i32
        %select_n3A_334 = arith.select %and3A_331, %sub3A_333, %div3A_312 : i32
        %while3A_335 = arith.constant 0 : i32
        %while3A_336 = arith.constant 0 : i32
        %while3A_337 = arith.subi %select_n3A_334, %while3A_335 : i32
        %while3A_338 = arith.addi %while3A_335, %while3A_337 : i32
        %while3A_339 = arith.constant 1 : i32
        %while3A_340 = arith.divsi %while3A_337, %while3A_339 : i32
        %while3A_341 = arith.muli %while3A_340, %while3A_339 : i32
        %while3A_342 = arith.addi %while3A_335, %while3A_341 : i32
        %while3A_343 = arith.constant 1 : i32
        %while3A_344 = scf.for %while3A_451 = %while3A_335 to %while3A_342 step %while3A_343 iter_args(%while3A_452 = %while3A_336) -> (i32)  : i32 {
          %mul3A_453 = arith.constant 16 : i32
          %mul3A_454 = arith.muli %while3A_451, %mul3A_453 : i32
          %add3A_455 = arith.addi %scan3A_61#1, %mul3A_454 : i32
          %swap3A_456 = arith.index_cast %add3A_455 : i32 to index
          %swap3A_457 = tpu.vector_load %arg10[%swap3A_456] {strides = array<i32>} : memref<4112xi32, #tpu.memory_space<vmem>>, vector<16xi32>,
          tpu.vector_store %arg10[%swap3A_456], %gather3A_305 {strides = array<i32>} : memref<4112xi32, #tpu.memory_space<vmem>>, vector<16xi32>,
          %while3A_458 = arith.constant 0 : i32
          scf.yield %while3A_458 : i32
        }
        %while3A_345 = arith.constant 1 : i32
        %while3A_346 = scf.for %while3A_451 = %while3A_342 to %while3A_338 step %while3A_345 iter_args(%while3A_452 = %while3A_344) -> (i32)  : i32 {
          %mul3A_453 = arith.constant 16 : i32
          %mul3A_454 = arith.muli %while3A_451, %mul3A_453 : i32
          %add3A_455 = arith.addi %scan3A_61#1, %mul3A_454 : i32
          %swap3A_456 = arith.index_cast %add3A_455 : i32 to index
          %swap3A_457 = tpu.vector_load %arg10[%swap3A_456] {strides = array<i32>} : memref<4112xi32, #tpu.memory_space<vmem>>, vector<16xi32>,
          tpu.vector_store %arg10[%swap3A_456], %gather3A_305 {strides = array<i32>} : memref<4112xi32, #tpu.memory_space<vmem>>, vector<16xi32>,
          %while3A_458 = arith.constant 0 : i32
          scf.yield %while3A_458 : i32
        }
        %jit3A_347 = arith.constant 64 : i32
        %div3A_348 = arith.divsi %scan3A_61#1, %jit3A_347 : i32
        %sign3A_349 = arith.constant 0 : i32
        %sign3A_350 = arith.cmpi sgt, %scan3A_61#1, %sign3A_349 : i32
        %sign3A_351 = arith.extui %sign3A_350 : i1 to i32
        %sign3A_352 = arith.constant 0 : i32
        %sign3A_353 = arith.cmpi slt, %scan3A_61#1, %sign3A_352 : i32
        %sign3A_354 = arith.extui %sign3A_353 : i1 to i32
        %sign3A_355 = arith.subi %sign3A_351, %sign3A_354 : i32
        %sign3A_356 = arith.constant 0 : i32
        %sign3A_357 = arith.cmpi sgt, %jit3A_347, %sign3A_356 : i32
        %sign3A_358 = arith.extui %sign3A_357 : i1 to i32
        %sign3A_359 = arith.constant 0 : i32
        %sign3A_360 = arith.cmpi slt, %jit3A_347, %sign3A_359 : i32
        %sign3A_361 = arith.extui %sign3A_360 : i1 to i32
        %sign3A_362 = arith.subi %sign3A_358, %sign3A_361 : i32
        %ne3A_363 = arith.cmpi ne, %sign3A_355, %sign3A_362 : i32
        %rem3A_364 = arith.remsi %scan3A_61#1, %jit3A_347 : i32
        %ne3A_365 = arith.constant 0 : i32
        %ne3A_366 = arith.cmpi ne, %rem3A_364, %ne3A_365 : i32
        %and3A_367 = arith.andi %ne3A_363, %ne3A_366 : i1
        %sub3A_368 = arith.constant 1 : i32
        %sub3A_369 = arith.subi %div3A_348, %sub3A_368 : i32
        %select_n3A_370 = arith.select %and3A_367, %sub3A_369, %div3A_348 : i32
        %mul3A_371 = arith.constant 64 : i32
        %mul3A_372 = arith.muli %select_n3A_370, %mul3A_371 : i32
        %add3A_373 = arith.constant 0 : i32
        %add3A_374 = arith.addi %mul3A_372, %add3A_373 : i32
        %get3A_375 = arith.index_cast %add3A_374 : i32 to index
        %get3A_376 = tpu.vector_load %arg10[%get3A_375] {strides = array<i32>} : memref<4112xi32, #tpu.memory_space<vmem>>, vector<16xi32>,
        %swap3A = arith.index_cast %select_n3A_370 : i32 to index
        %swap3A_377 = arith.constant 0 : index
        %swap3A_378 = tpu.vector_load %arg13[%swap3A, %swap3A_377] {strides = array<i32>} : memref<64x64xi32, #tpu.memory_space<vmem>>, vector<16xi32>,
        tpu.vector_store %arg13[%swap3A, %swap3A_377], %get3A_376 {strides = array<i32>} : memref<64x64xi32, #tpu.memory_space<vmem>>, vector<16xi32>,
        %mul3A_379 = arith.constant 64 : i32
        %mul3A_380 = arith.muli %select_n3A_370, %mul3A_379 : i32
        %add3A_381 = arith.constant 16 : i32
        %add3A_382 = arith.addi %mul3A_380, %add3A_381 : i32
        %get3A_383 = arith.index_cast %add3A_382 : i32 to index
        %get3A_384 = tpu.vector_load %arg10[%get3A_383] {strides = array<i32>} : memref<4112xi32, #tpu.memory_space<vmem>>, vector<16xi32>,
        %swap3A_385 = arith.index_cast %select_n3A_370 : i32 to index
        %swap3A_386 = arith.constant 16 : index
        %swap3A_387 = tpu.vector_load %arg13[%swap3A_385, %swap3A_386] {strides = array<i32>} : memref<64x64xi32, #tpu.memory_space<vmem>>, vector<16xi32>,
        tpu.vector_store %arg13[%swap3A_385, %swap3A_386], %get3A_384 {strides = array<i32>} : memref<64x64xi32, #tpu.memory_space<vmem>>, vector<16xi32>,
        %mul3A_388 = arith.constant 64 : i32
        %mul3A_389 = arith.muli %select_n3A_370, %mul3A_388 : i32
        %add3A_390 = arith.constant 32 : i32
        %add3A_391 = arith.addi %mul3A_389, %add3A_390 : i32
        %get3A_392 = arith.index_cast %add3A_391 : i32 to index
        %get3A_393 = tpu.vector_load %arg10[%get3A_392] {strides = array<i32>} : memref<4112xi32, #tpu.memory_space<vmem>>, vector<16xi32>,
        %swap3A_394 = arith.index_cast %select_n3A_370 : i32 to index
        %swap3A_395 = arith.constant 32 : index
        %swap3A_396 = tpu.vector_load %arg13[%swap3A_394, %swap3A_395] {strides = array<i32>} : memref<64x64xi32, #tpu.memory_space<vmem>>, vector<16xi32>,
        tpu.vector_store %arg13[%swap3A_394, %swap3A_395], %get3A_393 {strides = array<i32>} : memref<64x64xi32, #tpu.memory_space<vmem>>, vector<16xi32>,
        %mul3A_397 = arith.constant 64 : i32
        %mul3A_398 = arith.muli %select_n3A_370, %mul3A_397 : i32
        %add3A_399 = arith.constant 48 : i32
        %add3A_400 = arith.addi %mul3A_398, %add3A_399 : i32
        %get3A_401 = arith.index_cast %add3A_400 : i32 to index
        %get3A_402 = tpu.vector_load %arg10[%get3A_401] {strides = array<i32>} : memref<4112xi32, #tpu.memory_space<vmem>>, vector<16xi32>,
        %swap3A_403 = arith.index_cast %select_n3A_370 : i32 to index
        %swap3A_404 = arith.constant 48 : index
        %swap3A_405 = tpu.vector_load %arg13[%swap3A_403, %swap3A_404] {strides = array<i32>} : memref<64x64xi32, #tpu.memory_space<vmem>>, vector<16xi32>,
        tpu.vector_store %arg13[%swap3A_403, %swap3A_404], %get3A_402 {strides = array<i32>} : memref<64x64xi32, #tpu.memory_space<vmem>>, vector<16xi32>,
        %jit3A_406 = arith.constant 64 : i32
        %div3A_407 = arith.divsi %scan3A_61#1, %jit3A_406 : i32
        %sign3A_408 = arith.constant 0 : i32
        %sign3A_409 = arith.cmpi sgt, %scan3A_61#1, %sign3A_408 : i32
        %sign3A_410 = arith.extui %sign3A_409 : i1 to i32
        %sign3A_411 = arith.constant 0 : i32
        %sign3A_412 = arith.cmpi slt, %scan3A_61#1, %sign3A_411 : i32
        %sign3A_413 = arith.extui %sign3A_412 : i1 to i32
        %sign3A_414 = arith.subi %sign3A_410, %sign3A_413 : i32
        %sign3A_415 = arith.constant 0 : i32
        %sign3A_416 = arith.cmpi sgt, %jit3A_406, %sign3A_415 : i32
        %sign3A_417 = arith.extui %sign3A_416 : i1 to i32
        %sign3A_418 = arith.constant 0 : i32
        %sign3A_419 = arith.cmpi slt, %jit3A_406, %sign3A_418 : i32
        %sign3A_420 = arith.extui %sign3A_419 : i1 to i32
        %sign3A_421 = arith.subi %sign3A_417, %sign3A_420 : i32
        %ne3A_422 = arith.cmpi ne, %sign3A_414, %sign3A_421 : i32
        %rem3A_423 = arith.remsi %scan3A_61#1, %jit3A_406 : i32
        %ne3A_424 = arith.constant 0 : i32
        %ne3A_425 = arith.cmpi ne, %rem3A_423, %ne3A_424 : i32
        %and3A_426 = arith.andi %ne3A_422, %ne3A_425 : i1
        %sub3A_427 = arith.constant 1 : i32
        %sub3A_428 = arith.subi %div3A_407, %sub3A_427 : i32
        %select_n3A_429 = arith.select %and3A_426, %sub3A_428, %div3A_407 : i32
        %dma_start3A = arith.constant 0 : i32
        %dma_start3A_430 = arith.constant 0 : i32
        %dma_start3A_431 = tpu.memref_slice %arg13[%select_n3A_429, %dma_start3A_430] : memref<64x64xi32, #tpu.memory_space<vmem>> -> memref<1x64xi32, #tpu.memory_space<vmem>>
        %dma_start3A_432 = tpu.memref_squeeze %dma_start3A_431 : memref<1x64xi32, #tpu.memory_space<vmem>> -> memref<64xi32, #tpu.memory_space<vmem>>
        %dma_start3A_433 = arith.constant 0 : i32
        %dma_start3A_434 = arith.constant 0 : i32
        %dma_start3A_435 = tpu.memref_slice %arg5[%dma_start3A, %dma_start3A_433, %dma_start3A_434] : memref<2x131072x128xf32, #tpu.memory_space<hbm>> -> memref<1x131072x128xf32, #tpu.memory_space<hbm>>
        %dma_start3A_436 = tpu.memref_squeeze %dma_start3A_435 : memref<1x131072x128xf32, #tpu.memory_space<hbm>> -> memref<131072x128xf32, #tpu.memory_space<hbm>>
        %dma_start3A_437 = arith.constant 0 : i32
        %dma_start3A_438 = arith.constant 0 : i32
        %dma_start3A_439 = tpu.memref_slice %dma_start3A_436[%dma_start3A_437, %dma_start3A_438] : memref<131072x128xf32, #tpu.memory_space<hbm>> -> memref<131072x128xf32, #tpu.memory_space<hbm>>
        tpu.enqueue_indirect_dma source(%arg16 : memref<64x128xf32, #tpu.memory_space<vmem>>) target(%dma_start3A_439 : memref<131072x128xf32, #tpu.memory_space<hbm>>) offsets(%dma_start3A_432 : memref<64xi32, #tpu.memory_space<vmem>>) semaphore(%arg21 : memref<!tpu.dma_semaphore, #tpu.memory_space<semaphore_mem>>)
        %dma_start3A_440 = arith.constant 1 : i32
        %dma_start3A_441 = arith.constant 0 : i32
        %dma_start3A_442 = tpu.memref_slice %arg13[%select_n3A_429, %dma_start3A_441] : memref<64x64xi32, #tpu.memory_space<vmem>> -> memref<1x64xi32, #tpu.memory_space<vmem>>
        %dma_start3A_443 = tpu.memref_squeeze %dma_start3A_442 : memref<1x64xi32, #tpu.memory_space<vmem>> -> memref<64xi32, #tpu.memory_space<vmem>>
        %dma_start3A_444 = arith.constant 0 : i32
        %dma_start3A_445 = arith.constant 0 : i32
        %dma_start3A_446 = tpu.memref_slice %arg5[%dma_start3A_440, %dma_start3A_444, %dma_start3A_445] : memref<2x131072x128xf32, #tpu.memory_space<hbm>> -> memref<1x131072x128xf32, #tpu.memory_space<hbm>>
        %dma_start3A_447 = tpu.memref_squeeze %dma_start3A_446 : memref<1x131072x128xf32, #tpu.memory_space<hbm>> -> memref<131072x128xf32, #tpu.memory_space<hbm>>
        %dma_start3A_448 = arith.constant 0 : i32
        %dma_start3A_449 = arith.constant 0 : i32
        %dma_start3A_450 = tpu.memref_slice %dma_start3A_447[%dma_start3A_448, %dma_start3A_449] : memref<131072x128xf32, #tpu.memory_space<hbm>> -> memref<131072x128xf32, #tpu.memory_space<hbm>>
        tpu.enqueue_indirect_dma source(%arg16 : memref<64x128xf32, #tpu.memory_space<vmem>>) target(%dma_start3A_450 : memref<131072x128xf32, #tpu.memory_space<hbm>>) offsets(%dma_start3A_443 : memref<64xi32, #tpu.memory_space<vmem>>) semaphore(%arg21 : memref<!tpu.dma_semaphore, #tpu.memory_space<semaphore_mem>>)
      } else {
      }
    } else {
    }
    %while3A_234 = arith.constant 0 : i32
    %while3A_235 = arith.constant 0 : i32
    %while3A_236 = arith.subi %select_n3A_90, %while3A_234 : i32
    %while3A_237 = arith.addi %while3A_234, %while3A_236 : i32
    %while3A_238 = arith.constant 1 : i32
    %while3A_239 = arith.divsi %while3A_236, %while3A_238 : i32
    %while3A_240 = arith.muli %while3A_239, %while3A_238 : i32
    %while3A_241 = arith.addi %while3A_234, %while3A_240 : i32
    %while3A_242 = arith.constant 1 : i32
    %while3A_243 = scf.for %while3A_277 = %while3A_234 to %while3A_241 step %while3A_242 iter_args(%while3A_278 = %while3A_235) -> (i32)  : i32 {
      %scan3A_279 = arith.constant 0 : i32
      %scan3A_280 = arith.constant 4 : i32
      %scan3A_281 = arith.addi %scan3A_279, %scan3A_280 : i32
      %scan3A_282 = arith.constant 1 : i32
      scf.for %scan3A_285 = %scan3A_279 to %scan3A_281 step %scan3A_282  : i32 {
        %mul3A_286 = arith.constant 16 : i32
        %mul3A_287 = arith.muli %scan3A_285, %mul3A_286 : i32
        %add3A_288 = arith.constant 0 : i32
        %add3A_289 = arith.addi %add3A_288, %mul3A_287 : i32
        %mul3A_290 = arith.constant 64 : i32
        %mul3A_291 = arith.muli %while3A_277, %mul3A_290 : i32
        %add3A_292 = arith.addi %mul3A_291, %add3A_289 : i32
        %get3A_293 = arith.index_cast %add3A_292 : i32 to index
        %get3A_294 = tpu.vector_load %arg8[%get3A_293] {strides = array<i32>} : memref<4112xi32, #tpu.memory_space<vmem>>, vector<16xi32>,
        %swap3A = arith.index_cast %while3A_277 : i32 to index
        %swap3A_295 = arith.index_cast %add3A_289 : i32 to index
        %swap3A_296 = tpu.vector_load %arg11[%swap3A, %swap3A_295] {strides = array<i32>} : memref<64x64xi32, #tpu.memory_space<vmem>>, vector<16xi32>,
        tpu.vector_store %arg11[%swap3A, %swap3A_295], %get3A_294 {strides = array<i32>} : memref<64x64xi32, #tpu.memory_space<vmem>>, vector<16xi32>,
      }
      %scan3A_283 = arith.constant 4 : i32
      %while3A_284 = arith.constant 0 : i32
      scf.yield %while3A_284 : i32
    }
    %while3A_244 = arith.constant 1 : i32
    %while3A_245 = scf.for %while3A_277 = %while3A_241 to %while3A_237 step %while3A_244 iter_args(%while3A_278 = %while3A_243) -> (i32)  : i32 {
      %scan3A_279 = arith.constant 0 : i32
      %scan3A_280 = arith.constant 4 : i32
      %scan3A_281 = arith.addi %scan3A_279, %scan3A_280 : i32
      %scan3A_282 = arith.constant 1 : i32
      scf.for %scan3A_285 = %scan3A_279 to %scan3A_281 step %scan3A_282  : i32 {
        %mul3A_286 = arith.constant 16 : i32
        %mul3A_287 = arith.muli %scan3A_285, %mul3A_286 : i32
        %add3A_288 = arith.constant 0 : i32
        %add3A_289 = arith.addi %add3A_288, %mul3A_287 : i32
        %mul3A_290 = arith.constant 64 : i32
        %mul3A_291 = arith.muli %while3A_277, %mul3A_290 : i32
        %add3A_292 = arith.addi %mul3A_291, %add3A_289 : i32
        %get3A_293 = arith.index_cast %add3A_292 : i32 to index
        %get3A_294 = tpu.vector_load %arg8[%get3A_293] {strides = array<i32>} : memref<4112xi32, #tpu.memory_space<vmem>>, vector<16xi32>,
        %swap3A = arith.index_cast %while3A_277 : i32 to index
        %swap3A_295 = arith.index_cast %add3A_289 : i32 to index
        %swap3A_296 = tpu.vector_load %arg11[%swap3A, %swap3A_295] {strides = array<i32>} : memref<64x64xi32, #tpu.memory_space<vmem>>, vector<16xi32>,
        tpu.vector_store %arg11[%swap3A, %swap3A_295], %get3A_294 {strides = array<i32>} : memref<64x64xi32, #tpu.memory_space<vmem>>, vector<16xi32>,
      }
      %scan3A_283 = arith.constant 4 : i32
      %while3A_284 = arith.constant 0 : i32
      scf.yield %while3A_284 : i32
    }
    %while3A_246 = arith.constant 0 : i32
    %while3A_247 = arith.constant 0 : i32
    %while3A_248 = arith.subi %select_n3A_90, %while3A_246 : i32
    %while3A_249 = arith.addi %while3A_246, %while3A_248 : i32
    %while3A_250 = arith.constant 1 : i32
    %while3A_251 = arith.divsi %while3A_248, %while3A_250 : i32
    %while3A_252 = arith.muli %while3A_251, %while3A_250 : i32
    %while3A_253 = arith.addi %while3A_246, %while3A_252 : i32
    %while3A_254 = arith.constant 1 : i32
    %while3A_255 = scf.for %while3A_277 = %while3A_246 to %while3A_253 step %while3A_254 iter_args(%while3A_278 = %while3A_247) -> (i32)  : i32 {
      %scan3A_279 = arith.constant 0 : i32
      %scan3A_280 = arith.constant 4 : i32
      %scan3A_281 = arith.addi %scan3A_279, %scan3A_280 : i32
      %scan3A_282 = arith.constant 1 : i32
      scf.for %scan3A_285 = %scan3A_279 to %scan3A_281 step %scan3A_282  : i32 {
        %mul3A_286 = arith.constant 16 : i32
        %mul3A_287 = arith.muli %scan3A_285, %mul3A_286 : i32
        %add3A_288 = arith.constant 0 : i32
        %add3A_289 = arith.addi %add3A_288, %mul3A_287 : i32
        %mul3A_290 = arith.constant 64 : i32
        %mul3A_291 = arith.muli %while3A_277, %mul3A_290 : i32
        %add3A_292 = arith.addi %mul3A_291, %add3A_289 : i32
        %get3A_293 = arith.index_cast %add3A_292 : i32 to index
        %get3A_294 = tpu.vector_load %arg9[%get3A_293] {strides = array<i32>} : memref<4112xi32, #tpu.memory_space<vmem>>, vector<16xi32>,
        %swap3A = arith.index_cast %while3A_277 : i32 to index
        %swap3A_295 = arith.index_cast %add3A_289 : i32 to index
        %swap3A_296 = tpu.vector_load %arg12[%swap3A, %swap3A_295] {strides = array<i32>} : memref<64x64xi32, #tpu.memory_space<vmem>>, vector<16xi32>,
        tpu.vector_store %arg12[%swap3A, %swap3A_295], %get3A_294 {strides = array<i32>} : memref<64x64xi32, #tpu.memory_space<vmem>>, vector<16xi32>,
      }
      %scan3A_283 = arith.constant 4 : i32
      %while3A_284 = arith.constant 0 : i32
      scf.yield %while3A_284 : i32
    }
    %while3A_256 = arith.constant 1 : i32
    %while3A_257 = scf.for %while3A_277 = %while3A_253 to %while3A_249 step %while3A_256 iter_args(%while3A_278 = %while3A_255) -> (i32)  : i32 {
      %scan3A_279 = arith.constant 0 : i32
      %scan3A_280 = arith.constant 4 : i32
      %scan3A_281 = arith.addi %scan3A_279, %scan3A_280 : i32
      %scan3A_282 = arith.constant 1 : i32
      scf.for %scan3A_285 = %scan3A_279 to %scan3A_281 step %scan3A_282  : i32 {
        %mul3A_286 = arith.constant 16 : i32
        %mul3A_287 = arith.muli %scan3A_285, %mul3A_286 : i32
        %add3A_288 = arith.constant 0 : i32
        %add3A_289 = arith.addi %add3A_288, %mul3A_287 : i32
        %mul3A_290 = arith.constant 64 : i32
        %mul3A_291 = arith.muli %while3A_277, %mul3A_290 : i32
        %add3A_292 = arith.addi %mul3A_291, %add3A_289 : i32
        %get3A_293 = arith.index_cast %add3A_292 : i32 to index
        %get3A_294 = tpu.vector_load %arg9[%get3A_293] {strides = array<i32>} : memref<4112xi32, #tpu.memory_space<vmem>>, vector<16xi32>,
        %swap3A = arith.index_cast %while3A_277 : i32 to index
        %swap3A_295 = arith.index_cast %add3A_289 : i32 to index
        %swap3A_296 = tpu.vector_load %arg12[%swap3A, %swap3A_295] {strides = array<i32>} : memref<64x64xi32, #tpu.memory_space<vmem>>, vector<16xi32>,
        tpu.vector_store %arg12[%swap3A, %swap3A_295], %get3A_294 {strides = array<i32>} : memref<64x64xi32, #tpu.memory_space<vmem>>, vector<16xi32>,
      }
      %scan3A_283 = arith.constant 4 : i32
      %while3A_284 = arith.constant 0 : i32
      scf.yield %while3A_284 : i32
    }
    %gt3A_258 = arith.constant 0 : i32
    %gt3A_259 = arith.cmpi sgt, %select_n3A_90, %gt3A_258 : i32
    %and3A_260 = arith.constant false
    %and3A_261 = arith.andi %gt3A_259, %and3A_260 : i1
    %convert_element_type3A_262 = arith.extui %and3A_261 : i1 to i32
    %cond3A_263 = arith.constant 0 : i32
    %cond3A_264 = arith.cmpi ne, %convert_element_type3A_262, %cond3A_263 : i32
    scf.if %cond3A_264 {
      %gt3A_277 = arith.constant 0 : i32
      %gt3A_278 = arith.cmpi sgt, %select_n3A_90, %gt3A_277 : i32
      %convert_element_type3A_279 = arith.extui %gt3A_278 : i1 to i32
      %cond3A_280 = arith.constant 0 : i32
      %cond3A_281 = arith.cmpi ne, %convert_element_type3A_279, %cond3A_280 : i32
      scf.if %cond3A_281 {
        %dma_start3A = arith.constant 0 : i32
        %dma_start3A_325 = arith.constant 0 : i32
        %dma_start3A_326 = arith.constant 0 : i32
        %dma_start3A_327 = arith.constant 0 : i32
        %dma_start3A_328 = tpu.memref_slice %arg14[%dma_start3A_325, %dma_start3A_326, %dma_start3A_327] : memref<3x64x128xf32, #tpu.memory_space<vmem>> -> memref<1x64x128xf32, #tpu.memory_space<vmem>>
        %dma_start3A_329 = tpu.memref_squeeze %dma_start3A_328 : memref<1x64x128xf32, #tpu.memory_space<vmem>> -> memref<64x128xf32, #tpu.memory_space<vmem>>
        %dma_start3A_330 = arith.constant 0 : i32
        %dma_start3A_331 = tpu.memref_slice %arg11[%dma_start3A, %dma_start3A_330] : memref<64x64xi32, #tpu.memory_space<vmem>> -> memref<1x64xi32, #tpu.memory_space<vmem>>
        %dma_start3A_332 = tpu.memref_squeeze %dma_start3A_331 : memref<1x64xi32, #tpu.memory_space<vmem>> -> memref<64xi32, #tpu.memory_space<vmem>>
        %dma_start3A_333 = arith.constant 0 : i32
        %dma_start3A_334 = arith.constant 0 : i32
        %dma_start3A_335 = tpu.memref_slice %arg2[%dma_start3A_333, %dma_start3A_334] : memref<65536x128xf32, #tpu.memory_space<hbm>> -> memref<65536x128xf32, #tpu.memory_space<hbm>>
        tpu.enqueue_indirect_dma source(%dma_start3A_335 : memref<65536x128xf32, #tpu.memory_space<hbm>>) target(%dma_start3A_329 : memref<64x128xf32, #tpu.memory_space<vmem>>) offsets(%dma_start3A_332 : memref<64xi32, #tpu.memory_space<vmem>>) semaphore(%arg17 : memref<!tpu.dma_semaphore, #tpu.memory_space<semaphore_mem>>)
        %dma_start3A_336 = arith.constant 0 : i32
        %dma_start3A_337 = arith.constant 0 : i32
        %dma_start3A_338 = arith.constant 0 : i32
        %dma_start3A_339 = arith.constant 0 : i32
        %dma_start3A_340 = tpu.memref_slice %arg15[%dma_start3A_337, %dma_start3A_338, %dma_start3A_339] : memref<3x64x128xf32, #tpu.memory_space<vmem>> -> memref<1x64x128xf32, #tpu.memory_space<vmem>>
        %dma_start3A_341 = tpu.memref_squeeze %dma_start3A_340 : memref<1x64x128xf32, #tpu.memory_space<vmem>> -> memref<64x128xf32, #tpu.memory_space<vmem>>
        %dma_start3A_342 = arith.constant 0 : i32
        %dma_start3A_343 = tpu.memref_slice %arg11[%dma_start3A_336, %dma_start3A_342] : memref<64x64xi32, #tpu.memory_space<vmem>> -> memref<1x64xi32, #tpu.memory_space<vmem>>
        %dma_start3A_344 = tpu.memref_squeeze %dma_start3A_343 : memref<1x64xi32, #tpu.memory_space<vmem>> -> memref<64xi32, #tpu.memory_space<vmem>>
        %dma_start3A_345 = arith.constant 0 : i32
        %dma_start3A_346 = arith.constant 0 : i32
        %dma_start3A_347 = tpu.memref_slice %arg3[%dma_start3A_345, %dma_start3A_346] : memref<65536x128xf32, #tpu.memory_space<hbm>> -> memref<65536x128xf32, #tpu.memory_space<hbm>>
        tpu.enqueue_indirect_dma source(%dma_start3A_347 : memref<65536x128xf32, #tpu.memory_space<hbm>>) target(%dma_start3A_341 : memref<64x128xf32, #tpu.memory_space<vmem>>) offsets(%dma_start3A_344 : memref<64xi32, #tpu.memory_space<vmem>>) semaphore(%arg18 : memref<!tpu.dma_semaphore, #tpu.memory_space<semaphore_mem>>)
      } else {
      }
      %gt3A_282 = arith.constant 1 : i32
      %gt3A_283 = arith.cmpi sgt, %select_n3A_90, %gt3A_282 : i32
      %convert_element_type3A_284 = arith.extui %gt3A_283 : i1 to i32
      %cond3A_285 = arith.constant 0 : i32
      %cond3A_286 = arith.cmpi ne, %convert_element_type3A_284, %cond3A_285 : i32
      scf.if %cond3A_286 {
        %dma_start3A = arith.constant 1 : i32
        %dma_start3A_325 = arith.constant 1 : i32
        %dma_start3A_326 = arith.constant 0 : i32
        %dma_start3A_327 = arith.constant 0 : i32
        %dma_start3A_328 = tpu.memref_slice %arg14[%dma_start3A_325, %dma_start3A_326, %dma_start3A_327] : memref<3x64x128xf32, #tpu.memory_space<vmem>> -> memref<1x64x128xf32, #tpu.memory_space<vmem>>
        %dma_start3A_329 = tpu.memref_squeeze %dma_start3A_328 : memref<1x64x128xf32, #tpu.memory_space<vmem>> -> memref<64x128xf32, #tpu.memory_space<vmem>>
        %dma_start3A_330 = arith.constant 0 : i32
        %dma_start3A_331 = tpu.memref_slice %arg11[%dma_start3A, %dma_start3A_330] : memref<64x64xi32, #tpu.memory_space<vmem>> -> memref<1x64xi32, #tpu.memory_space<vmem>>
        %dma_start3A_332 = tpu.memref_squeeze %dma_start3A_331 : memref<1x64xi32, #tpu.memory_space<vmem>> -> memref<64xi32, #tpu.memory_space<vmem>>
        %dma_start3A_333 = arith.constant 0 : i32
        %dma_start3A_334 = arith.constant 0 : i32
        %dma_start3A_335 = tpu.memref_slice %arg2[%dma_start3A_333, %dma_start3A_334] : memref<65536x128xf32, #tpu.memory_space<hbm>> -> memref<65536x128xf32, #tpu.memory_space<hbm>>
        tpu.enqueue_indirect_dma source(%dma_start3A_335 : memref<65536x128xf32, #tpu.memory_space<hbm>>) target(%dma_start3A_329 : memref<64x128xf32, #tpu.memory_space<vmem>>) offsets(%dma_start3A_332 : memref<64xi32, #tpu.memory_space<vmem>>) semaphore(%arg17 : memref<!tpu.dma_semaphore, #tpu.memory_space<semaphore_mem>>)
        %dma_start3A_336 = arith.constant 1 : i32
        %dma_start3A_337 = arith.constant 1 : i32
        %dma_start3A_338 = arith.constant 0 : i32
        %dma_start3A_339 = arith.constant 0 : i32
        %dma_start3A_340 = tpu.memref_slice %arg15[%dma_start3A_337, %dma_start3A_338, %dma_start3A_339] : memref<3x64x128xf32, #tpu.memory_space<vmem>> -> memref<1x64x128xf32, #tpu.memory_space<vmem>>
        %dma_start3A_341 = tpu.memref_squeeze %dma_start3A_340 : memref<1x64x128xf32, #tpu.memory_space<vmem>> -> memref<64x128xf32, #tpu.memory_space<vmem>>
        %dma_start3A_342 = arith.constant 0 : i32
        %dma_start3A_343 = tpu.memref_slice %arg11[%dma_start3A_336, %dma_start3A_342] : memref<64x64xi32, #tpu.memory_space<vmem>> -> memref<1x64xi32, #tpu.memory_space<vmem>>
        %dma_start3A_344 = tpu.memref_squeeze %dma_start3A_343 : memref<1x64xi32, #tpu.memory_space<vmem>> -> memref<64xi32, #tpu.memory_space<vmem>>
        %dma_start3A_345 = arith.constant 0 : i32
        %dma_start3A_346 = arith.constant 0 : i32
        %dma_start3A_347 = tpu.memref_slice %arg3[%dma_start3A_345, %dma_start3A_346] : memref<65536x128xf32, #tpu.memory_space<hbm>> -> memref<65536x128xf32, #tpu.memory_space<hbm>>
        tpu.enqueue_indirect_dma source(%dma_start3A_347 : memref<65536x128xf32, #tpu.memory_space<hbm>>) target(%dma_start3A_341 : memref<64x128xf32, #tpu.memory_space<vmem>>) offsets(%dma_start3A_344 : memref<64xi32, #tpu.memory_space<vmem>>) semaphore(%arg18 : memref<!tpu.dma_semaphore, #tpu.memory_space<semaphore_mem>>)
      } else {
      }
      %while3A_287 = arith.constant 0 : i32
      %while3A_288 = arith.constant 0 : i32
      %while3A_289 = arith.subi %select_n3A_90, %while3A_287 : i32
      %while3A_290 = arith.addi %while3A_287, %while3A_289 : i32
      %while3A_291 = arith.constant 1 : i32
      %while3A_292 = arith.divsi %while3A_289, %while3A_291 : i32
      %while3A_293 = arith.muli %while3A_292, %while3A_291 : i32
      %while3A_294 = arith.addi %while3A_287, %while3A_293 : i32
      %while3A_295 = arith.constant 1 : i32
      %while3A_296 = scf.for %while3A_325 = %while3A_287 to %while3A_294 step %while3A_295 iter_args(%while3A_326 = %while3A_288) -> (i32)  : i32 {
        %jit3A_327 = arith.constant 3 : i32
        %eq3A_328 = arith.constant 0 : i32
        %eq3A_329 = arith.cmpi eq, %jit3A_327, %eq3A_328 : i32
        %jit3A_330 = arith.constant 1 : i32
        %select_n3A_331 = arith.select %eq3A_329, %jit3A_330, %jit3A_327 : i32
        %rem3A_332 = arith.remsi %while3A_325, %select_n3A_331 : i32
        %ne3A_333 = arith.constant 0 : i32
        %ne3A_334 = arith.cmpi ne, %rem3A_332, %ne3A_333 : i32
        %lt3A_335 = arith.constant 0 : i32
        %lt3A_336 = arith.cmpi slt, %rem3A_332, %lt3A_335 : i32
        %lt3A_337 = arith.constant 0 : i32
        %lt3A_338 = arith.cmpi slt, %select_n3A_331, %lt3A_337 : i32
        %ne3A_339 = arith.xori %lt3A_336, %lt3A_338 : i1
        %and3A_340 = arith.andi %ne3A_339, %ne3A_334 : i1
        %add3A_341 = arith.addi %rem3A_332, %select_n3A_331 : i32
        %select_n3A_342 = arith.select %and3A_340, %add3A_341, %rem3A_332 : i32
        %add3A_343 = arith.constant 2 : i32
        %add3A_344 = arith.addi %while3A_325, %add3A_343 : i32
        %lt3A_345 = arith.cmpi slt, %add3A_344, %select_n3A_90 : i32
        %convert_element_type3A_346 = arith.extui %lt3A_345 : i1 to i32
        %cond3A_347 = arith.constant 0 : i32
        %cond3A_348 = arith.cmpi ne, %convert_element_type3A_346, %cond3A_347 : i32
        scf.if %cond3A_348 {
          %add3A_398 = arith.constant 2 : i32
          %add3A_399 = arith.addi %while3A_325, %add3A_398 : i32
          %jit3A_400 = arith.constant 3 : i32
          %eq3A_401 = arith.constant 0 : i32
          %eq3A_402 = arith.cmpi eq, %jit3A_400, %eq3A_401 : i32
          %jit3A_403 = arith.constant 1 : i32
          %select_n3A_404 = arith.select %eq3A_402, %jit3A_403, %jit3A_400 : i32
          %rem3A_405 = arith.remsi %add3A_399, %select_n3A_404 : i32
          %ne3A_406 = arith.constant 0 : i32
          %ne3A_407 = arith.cmpi ne, %rem3A_405, %ne3A_406 : i32
          %lt3A_408 = arith.constant 0 : i32
          %lt3A_409 = arith.cmpi slt, %rem3A_405, %lt3A_408 : i32
          %lt3A_410 = arith.constant 0 : i32
          %lt3A_411 = arith.cmpi slt, %select_n3A_404, %lt3A_410 : i32
          %ne3A_412 = arith.xori %lt3A_409, %lt3A_411 : i1
          %and3A_413 = arith.andi %ne3A_412, %ne3A_407 : i1
          %add3A_414 = arith.addi %rem3A_405, %select_n3A_404 : i32
          %select_n3A_415 = arith.select %and3A_413, %add3A_414, %rem3A_405 : i32
          %ge3A_416 = arith.constant 1 : i32
          %ge3A_417 = arith.cmpi sge, %while3A_325, %ge3A_416 : i32
          %convert_element_type3A_418 = arith.extui %ge3A_417 : i1 to i32
          %cond3A_419 = arith.constant 0 : i32
          %cond3A_420 = arith.cmpi ne, %convert_element_type3A_418, %cond3A_419 : i32
          scf.if %cond3A_420 {
            %sub3A_445 = arith.constant 1 : i32
            %sub3A_446 = arith.subi %while3A_325, %sub3A_445 : i32
            %dma_wait3A_447 = arith.constant 0 : i32
            %dma_wait3A_448 = arith.constant 0 : i32
            %dma_wait3A_449 = arith.constant 0 : i32
            %dma_wait3A_450 = tpu.memref_slice %arg14[%select_n3A_415, %dma_wait3A_448, %dma_wait3A_449] : memref<3x64x128xf32, #tpu.memory_space<vmem>> -> memref<1x64x128xf32, #tpu.memory_space<vmem>>
            %dma_wait3A_451 = tpu.memref_squeeze %dma_wait3A_450 : memref<1x64x128xf32, #tpu.memory_space<vmem>> -> memref<64x128xf32, #tpu.memory_space<vmem>>
            %dma_wait3A_452 = arith.constant 0 : i32
            %dma_wait3A_453 = tpu.memref_slice %arg12[%sub3A_446, %dma_wait3A_452] : memref<64x64xi32, #tpu.memory_space<vmem>> -> memref<1x64xi32, #tpu.memory_space<vmem>>
            %dma_wait3A_454 = tpu.memref_squeeze %dma_wait3A_453 : memref<1x64xi32, #tpu.memory_space<vmem>> -> memref<64xi32, #tpu.memory_space<vmem>>
            %dma_wait3A_455 = arith.constant 0 : i32
            %dma_wait3A_456 = arith.constant 0 : i32
            %dma_wait3A_457 = tpu.memref_slice %arg5[%dma_wait3A_447, %dma_wait3A_455, %dma_wait3A_456] : memref<2x131072x128xf32, #tpu.memory_space<hbm>> -> memref<1x131072x128xf32, #tpu.memory_space<hbm>>
            %dma_wait3A_458 = tpu.memref_squeeze %dma_wait3A_457 : memref<1x131072x128xf32, #tpu.memory_space<hbm>> -> memref<131072x128xf32, #tpu.memory_space<hbm>>
            %dma_wait3A_459 = arith.constant 0 : i32
            %dma_wait3A_460 = arith.constant 0 : i32
            %dma_wait3A_461 = tpu.memref_slice %dma_wait3A_458[%dma_wait3A_459, %dma_wait3A_460] : memref<131072x128xf32, #tpu.memory_space<hbm>> -> memref<131072x128xf32, #tpu.memory_space<hbm>>
            tpu.wait_indirect_dma semaphore(%arg19 : memref<!tpu.dma_semaphore, #tpu.memory_space<semaphore_mem>>) src(%dma_wait3A_451 : memref<64x128xf32, #tpu.memory_space<vmem>>) dst(%dma_wait3A_461 : memref<131072x128xf32, #tpu.memory_space<hbm>>)
            %sub3A_462 = arith.constant 1 : i32
            %sub3A_463 = arith.subi %while3A_325, %sub3A_462 : i32
            %dma_wait3A_464 = arith.constant 1 : i32
            %dma_wait3A_465 = arith.constant 0 : i32
            %dma_wait3A_466 = arith.constant 0 : i32
            %dma_wait3A_467 = tpu.memref_slice %arg15[%select_n3A_415, %dma_wait3A_465, %dma_wait3A_466] : memref<3x64x128xf32, #tpu.memory_space<vmem>> -> memref<1x64x128xf32, #tpu.memory_space<vmem>>
            %dma_wait3A_468 = tpu.memref_squeeze %dma_wait3A_467 : memref<1x64x128xf32, #tpu.memory_space<vmem>> -> memref<64x128xf32, #tpu.memory_space<vmem>>
            %dma_wait3A_469 = arith.constant 0 : i32
            %dma_wait3A_470 = tpu.memref_slice %arg12[%sub3A_463, %dma_wait3A_469] : memref<64x64xi32, #tpu.memory_space<vmem>> -> memref<1x64xi32, #tpu.memory_space<vmem>>
            %dma_wait3A_471 = tpu.memref_squeeze %dma_wait3A_470 : memref<1x64xi32, #tpu.memory_space<vmem>> -> memref<64xi32, #tpu.memory_space<vmem>>
            %dma_wait3A_472 = arith.constant 0 : i32
            %dma_wait3A_473 = arith.constant 0 : i32
            %dma_wait3A_474 = tpu.memref_slice %arg5[%dma_wait3A_464, %dma_wait3A_472, %dma_wait3A_473] : memref<2x131072x128xf32, #tpu.memory_space<hbm>> -> memref<1x131072x128xf32, #tpu.memory_space<hbm>>
            %dma_wait3A_475 = tpu.memref_squeeze %dma_wait3A_474 : memref<1x131072x128xf32, #tpu.memory_space<hbm>> -> memref<131072x128xf32, #tpu.memory_space<hbm>>
            %dma_wait3A_476 = arith.constant 0 : i32
            %dma_wait3A_477 = arith.constant 0 : i32
            %dma_wait3A_478 = tpu.memref_slice %dma_wait3A_475[%dma_wait3A_476, %dma_wait3A_477] : memref<131072x128xf32, #tpu.memory_space<hbm>> -> memref<131072x128xf32, #tpu.memory_space<hbm>>
            tpu.wait_indirect_dma semaphore(%arg20 : memref<!tpu.dma_semaphore, #tpu.memory_space<semaphore_mem>>) src(%dma_wait3A_468 : memref<64x128xf32, #tpu.memory_space<vmem>>) dst(%dma_wait3A_478 : memref<131072x128xf32, #tpu.memory_space<hbm>>)
          } else {
          }
          %add3A_421 = arith.constant 2 : i32
          %add3A_422 = arith.addi %while3A_325, %add3A_421 : i32
          %dma_start3A_423 = arith.constant 0 : i32
          %dma_start3A_424 = arith.constant 0 : i32
          %dma_start3A_425 = tpu.memref_slice %arg14[%select_n3A_415, %dma_start3A_423, %dma_start3A_424] : memref<3x64x128xf32, #tpu.memory_space<vmem>> -> memref<1x64x128xf32, #tpu.memory_space<vmem>>
          %dma_start3A_426 = tpu.memref_squeeze %dma_start3A_425 : memref<1x64x128xf32, #tpu.memory_space<vmem>> -> memref<64x128xf32, #tpu.memory_space<vmem>>
          %dma_start3A_427 = arith.constant 0 : i32
          %dma_start3A_428 = tpu.memref_slice %arg11[%add3A_422, %dma_start3A_427] : memref<64x64xi32, #tpu.memory_space<vmem>> -> memref<1x64xi32, #tpu.memory_space<vmem>>
          %dma_start3A_429 = tpu.memref_squeeze %dma_start3A_428 : memref<1x64xi32, #tpu.memory_space<vmem>> -> memref<64xi32, #tpu.memory_space<vmem>>
          %dma_start3A_430 = arith.constant 0 : i32
          %dma_start3A_431 = arith.constant 0 : i32
          %dma_start3A_432 = tpu.memref_slice %arg2[%dma_start3A_430, %dma_start3A_431] : memref<65536x128xf32, #tpu.memory_space<hbm>> -> memref<65536x128xf32, #tpu.memory_space<hbm>>
          tpu.enqueue_indirect_dma source(%dma_start3A_432 : memref<65536x128xf32, #tpu.memory_space<hbm>>) target(%dma_start3A_426 : memref<64x128xf32, #tpu.memory_space<vmem>>) offsets(%dma_start3A_429 : memref<64xi32, #tpu.memory_space<vmem>>) semaphore(%arg17 : memref<!tpu.dma_semaphore, #tpu.memory_space<semaphore_mem>>)
          %add3A_433 = arith.constant 2 : i32
          %add3A_434 = arith.addi %while3A_325, %add3A_433 : i32
          %dma_start3A_435 = arith.constant 0 : i32
          %dma_start3A_436 = arith.constant 0 : i32
          %dma_start3A_437 = tpu.memref_slice %arg15[%select_n3A_415, %dma_start3A_435, %dma_start3A_436] : memref<3x64x128xf32, #tpu.memory_space<vmem>> -> memref<1x64x128xf32, #tpu.memory_space<vmem>>
          %dma_start3A_438 = tpu.memref_squeeze %dma_start3A_437 : memref<1x64x128xf32, #tpu.memory_space<vmem>> -> memref<64x128xf32, #tpu.memory_space<vmem>>
          %dma_start3A_439 = arith.constant 0 : i32
          %dma_start3A_440 = tpu.memref_slice %arg11[%add3A_434, %dma_start3A_439] : memref<64x64xi32, #tpu.memory_space<vmem>> -> memref<1x64xi32, #tpu.memory_space<vmem>>
          %dma_start3A_441 = tpu.memref_squeeze %dma_start3A_440 : memref<1x64xi32, #tpu.memory_space<vmem>> -> memref<64xi32, #tpu.memory_space<vmem>>
          %dma_start3A_442 = arith.constant 0 : i32
          %dma_start3A_443 = arith.constant 0 : i32
          %dma_start3A_444 = tpu.memref_slice %arg3[%dma_start3A_442, %dma_start3A_443] : memref<65536x128xf32, #tpu.memory_space<hbm>> -> memref<65536x128xf32, #tpu.memory_space<hbm>>
          tpu.enqueue_indirect_dma source(%dma_start3A_444 : memref<65536x128xf32, #tpu.memory_space<hbm>>) target(%dma_start3A_438 : memref<64x128xf32, #tpu.memory_space<vmem>>) offsets(%dma_start3A_441 : memref<64xi32, #tpu.memory_space<vmem>>) semaphore(%arg18 : memref<!tpu.dma_semaphore, #tpu.memory_space<semaphore_mem>>)
        } else {
        }
        %dma_wait3A = arith.constant 0 : i32
        %dma_wait3A_349 = arith.constant 0 : i32
        %dma_wait3A_350 = tpu.memref_slice %arg14[%select_n3A_342, %dma_wait3A, %dma_wait3A_349] : memref<3x64x128xf32, #tpu.memory_space<vmem>> -> memref<1x64x128xf32, #tpu.memory_space<vmem>>
        %dma_wait3A_351 = tpu.memref_squeeze %dma_wait3A_350 : memref<1x64x128xf32, #tpu.memory_space<vmem>> -> memref<64x128xf32, #tpu.memory_space<vmem>>
        %dma_wait3A_352 = arith.constant 0 : i32
        %dma_wait3A_353 = tpu.memref_slice %arg11[%while3A_325, %dma_wait3A_352] : memref<64x64xi32, #tpu.memory_space<vmem>> -> memref<1x64xi32, #tpu.memory_space<vmem>>
        %dma_wait3A_354 = tpu.memref_squeeze %dma_wait3A_353 : memref<1x64xi32, #tpu.memory_space<vmem>> -> memref<64xi32, #tpu.memory_space<vmem>>
        %dma_wait3A_355 = arith.constant 0 : i32
        %dma_wait3A_356 = arith.constant 0 : i32
        %dma_wait3A_357 = tpu.memref_slice %arg2[%dma_wait3A_355, %dma_wait3A_356] : memref<65536x128xf32, #tpu.memory_space<hbm>> -> memref<65536x128xf32, #tpu.memory_space<hbm>>
        tpu.wait_indirect_dma semaphore(%arg17 : memref<!tpu.dma_semaphore, #tpu.memory_space<semaphore_mem>>) src(%dma_wait3A_357 : memref<65536x128xf32, #tpu.memory_space<hbm>>) dst(%dma_wait3A_351 : memref<64x128xf32, #tpu.memory_space<vmem>>)
        %dma_start3A = arith.constant 0 : i32
        %dma_start3A_358 = arith.constant 0 : i32
        %dma_start3A_359 = arith.constant 0 : i32
        %dma_start3A_360 = tpu.memref_slice %arg14[%select_n3A_342, %dma_start3A_358, %dma_start3A_359] : memref<3x64x128xf32, #tpu.memory_space<vmem>> -> memref<1x64x128xf32, #tpu.memory_space<vmem>>
        %dma_start3A_361 = tpu.memref_squeeze %dma_start3A_360 : memref<1x64x128xf32, #tpu.memory_space<vmem>> -> memref<64x128xf32, #tpu.memory_space<vmem>>
        %dma_start3A_362 = arith.constant 0 : i32
        %dma_start3A_363 = tpu.memref_slice %arg12[%while3A_325, %dma_start3A_362] : memref<64x64xi32, #tpu.memory_space<vmem>> -> memref<1x64xi32, #tpu.memory_space<vmem>>
        %dma_start3A_364 = tpu.memref_squeeze %dma_start3A_363 : memref<1x64xi32, #tpu.memory_space<vmem>> -> memref<64xi32, #tpu.memory_space<vmem>>
        %dma_start3A_365 = arith.constant 0 : i32
        %dma_start3A_366 = arith.constant 0 : i32
        %dma_start3A_367 = tpu.memref_slice %arg5[%dma_start3A, %dma_start3A_365, %dma_start3A_366] : memref<2x131072x128xf32, #tpu.memory_space<hbm>> -> memref<1x131072x128xf32, #tpu.memory_space<hbm>>
        %dma_start3A_368 = tpu.memref_squeeze %dma_start3A_367 : memref<1x131072x128xf32, #tpu.memory_space<hbm>> -> memref<131072x128xf32, #tpu.memory_space<hbm>>
        %dma_start3A_369 = arith.constant 0 : i32
        %dma_start3A_370 = arith.constant 0 : i32
        %dma_start3A_371 = tpu.memref_slice %dma_start3A_368[%dma_start3A_369, %dma_start3A_370] : memref<131072x128xf32, #tpu.memory_space<hbm>> -> memref<131072x128xf32, #tpu.memory_space<hbm>>
        tpu.enqueue_indirect_dma source(%dma_start3A_361 : memref<64x128xf32, #tpu.memory_space<vmem>>) target(%dma_start3A_371 : memref<131072x128xf32, #tpu.memory_space<hbm>>) offsets(%dma_start3A_364 : memref<64xi32, #tpu.memory_space<vmem>>) semaphore(%arg19 : memref<!tpu.dma_semaphore, #tpu.memory_space<semaphore_mem>>)
        %dma_wait3A_372 = arith.constant 0 : i32
        %dma_wait3A_373 = arith.constant 0 : i32
        %dma_wait3A_374 = tpu.memref_slice %arg15[%select_n3A_342, %dma_wait3A_372, %dma_wait3A_373] : memref<3x64x128xf32, #tpu.memory_space<vmem>> -> memref<1x64x128xf32, #tpu.memory_space<vmem>>
        %dma_wait3A_375 = tpu.memref_squeeze %dma_wait3A_374 : memref<1x64x128xf32, #tpu.memory_space<vmem>> -> memref<64x128xf32, #tpu.memory_space<vmem>>
        %dma_wait3A_376 = arith.constant 0 : i32
        %dma_wait3A_377 = tpu.memref_slice %arg11[%while3A_325, %dma_wait3A_376] : memref<64x64xi32, #tpu.memory_space<vmem>> -> memref<1x64xi32, #tpu.memory_space<vmem>>
        %dma_wait3A_378 = tpu.memref_squeeze %dma_wait3A_377 : memref<1x64xi32, #tpu.memory_space<vmem>> -> memref<64xi32, #tpu.memory_space<vmem>>
        %dma_wait3A_379 = arith.constant 0 : i32
        %dma_wait3A_380 = arith.constant 0 : i32
        %dma_wait3A_381 = tpu.memref_slice %arg3[%dma_wait3A_379, %dma_wait3A_380] : memref<65536x128xf32, #tpu.memory_space<hbm>> -> memref<65536x128xf32, #tpu.memory_space<hbm>>
        tpu.wait_indirect_dma semaphore(%arg18 : memref<!tpu.dma_semaphore, #tpu.memory_space<semaphore_mem>>) src(%dma_wait3A_381 : memref<65536x128xf32, #tpu.memory_space<hbm>>) dst(%dma_wait3A_375 : memref<64x128xf32, #tpu.memory_space<vmem>>)
        %dma_start3A_382 = arith.constant 1 : i32
        %dma_start3A_383 = arith.constant 0 : i32
        %dma_start3A_384 = arith.constant 0 : i32
        %dma_start3A_385 = tpu.memref_slice %arg15[%select_n3A_342, %dma_start3A_383, %dma_start3A_384] : memref<3x64x128xf32, #tpu.memory_space<vmem>> -> memref<1x64x128xf32, #tpu.memory_space<vmem>>
        %dma_start3A_386 = tpu.memref_squeeze %dma_start3A_385 : memref<1x64x128xf32, #tpu.memory_space<vmem>> -> memref<64x128xf32, #tpu.memory_space<vmem>>
        %dma_start3A_387 = arith.constant 0 : i32
        %dma_start3A_388 = tpu.memref_slice %arg12[%while3A_325, %dma_start3A_387] : memref<64x64xi32, #tpu.memory_space<vmem>> -> memref<1x64xi32, #tpu.memory_space<vmem>>
        %dma_start3A_389 = tpu.memref_squeeze %dma_start3A_388 : memref<1x64xi32, #tpu.memory_space<vmem>> -> memref<64xi32, #tpu.memory_space<vmem>>
        %dma_start3A_390 = arith.constant 0 : i32
        %dma_start3A_391 = arith.constant 0 : i32
        %dma_start3A_392 = tpu.memref_slice %arg5[%dma_start3A_382, %dma_start3A_390, %dma_start3A_391] : memref<2x131072x128xf32, #tpu.memory_space<hbm>> -> memref<1x131072x128xf32, #tpu.memory_space<hbm>>
        %dma_start3A_393 = tpu.memref_squeeze %dma_start3A_392 : memref<1x131072x128xf32, #tpu.memory_space<hbm>> -> memref<131072x128xf32, #tpu.memory_space<hbm>>
        %dma_start3A_394 = arith.constant 0 : i32
        %dma_start3A_395 = arith.constant 0 : i32
        %dma_start3A_396 = tpu.memref_slice %dma_start3A_393[%dma_start3A_394, %dma_start3A_395] : memref<131072x128xf32, #tpu.memory_space<hbm>> -> memref<131072x128xf32, #tpu.memory_space<hbm>>
        tpu.enqueue_indirect_dma source(%dma_start3A_386 : memref<64x128xf32, #tpu.memory_space<vmem>>) target(%dma_start3A_396 : memref<131072x128xf32, #tpu.memory_space<hbm>>) offsets(%dma_start3A_389 : memref<64xi32, #tpu.memory_space<vmem>>) semaphore(%arg20 : memref<!tpu.dma_semaphore, #tpu.memory_space<semaphore_mem>>)
        %while3A_397 = arith.constant 0 : i32
        scf.yield %while3A_397 : i32
      }
      %while3A_297 = arith.constant 1 : i32
      %while3A_298 = scf.for %while3A_325 = %while3A_294 to %while3A_290 step %while3A_297 iter_args(%while3A_326 = %while3A_296) -> (i32)  : i32 {
        %jit3A_327 = arith.constant 3 : i32
        %eq3A_328 = arith.constant 0 : i32
        %eq3A_329 = arith.cmpi eq, %jit3A_327, %eq3A_328 : i32
        %jit3A_330 = arith.constant 1 : i32
        %select_n3A_331 = arith.select %eq3A_329, %jit3A_330, %jit3A_327 : i32
        %rem3A_332 = arith.remsi %while3A_325, %select_n3A_331 : i32
        %ne3A_333 = arith.constant 0 : i32
        %ne3A_334 = arith.cmpi ne, %rem3A_332, %ne3A_333 : i32
        %lt3A_335 = arith.constant 0 : i32
        %lt3A_336 = arith.cmpi slt, %rem3A_332, %lt3A_335 : i32
        %lt3A_337 = arith.constant 0 : i32
        %lt3A_338 = arith.cmpi slt, %select_n3A_331, %lt3A_337 : i32
        %ne3A_339 = arith.xori %lt3A_336, %lt3A_338 : i1
        %and3A_340 = arith.andi %ne3A_339, %ne3A_334 : i1
        %add3A_341 = arith.addi %rem3A_332, %select_n3A_331 : i32
        %select_n3A_342 = arith.select %and3A_340, %add3A_341, %rem3A_332 : i32
        %add3A_343 = arith.constant 2 : i32
        %add3A_344 = arith.addi %while3A_325, %add3A_343 : i32
        %lt3A_345 = arith.cmpi slt, %add3A_344, %select_n3A_90 : i32
        %convert_element_type3A_346 = arith.extui %lt3A_345 : i1 to i32
        %cond3A_347 = arith.constant 0 : i32
        %cond3A_348 = arith.cmpi ne, %convert_element_type3A_346, %cond3A_347 : i32
        scf.if %cond3A_348 {
          %add3A_398 = arith.constant 2 : i32
          %add3A_399 = arith.addi %while3A_325, %add3A_398 : i32
          %jit3A_400 = arith.constant 3 : i32
          %eq3A_401 = arith.constant 0 : i32
          %eq3A_402 = arith.cmpi eq, %jit3A_400, %eq3A_401 : i32
          %jit3A_403 = arith.constant 1 : i32
          %select_n3A_404 = arith.select %eq3A_402, %jit3A_403, %jit3A_400 : i32
          %rem3A_405 = arith.remsi %add3A_399, %select_n3A_404 : i32
          %ne3A_406 = arith.constant 0 : i32
          %ne3A_407 = arith.cmpi ne, %rem3A_405, %ne3A_406 : i32
          %lt3A_408 = arith.constant 0 : i32
          %lt3A_409 = arith.cmpi slt, %rem3A_405, %lt3A_408 : i32
          %lt3A_410 = arith.constant 0 : i32
          %lt3A_411 = arith.cmpi slt, %select_n3A_404, %lt3A_410 : i32
          %ne3A_412 = arith.xori %lt3A_409, %lt3A_411 : i1
          %and3A_413 = arith.andi %ne3A_412, %ne3A_407 : i1
          %add3A_414 = arith.addi %rem3A_405, %select_n3A_404 : i32
          %select_n3A_415 = arith.select %and3A_413, %add3A_414, %rem3A_405 : i32
          %ge3A_416 = arith.constant 1 : i32
          %ge3A_417 = arith.cmpi sge, %while3A_325, %ge3A_416 : i32
          %convert_element_type3A_418 = arith.extui %ge3A_417 : i1 to i32
          %cond3A_419 = arith.constant 0 : i32
          %cond3A_420 = arith.cmpi ne, %convert_element_type3A_418, %cond3A_419 : i32
          scf.if %cond3A_420 {
            %sub3A_445 = arith.constant 1 : i32
            %sub3A_446 = arith.subi %while3A_325, %sub3A_445 : i32
            %dma_wait3A_447 = arith.constant 0 : i32
            %dma_wait3A_448 = arith.constant 0 : i32
            %dma_wait3A_449 = arith.constant 0 : i32
            %dma_wait3A_450 = tpu.memref_slice %arg14[%select_n3A_415, %dma_wait3A_448, %dma_wait3A_449] : memref<3x64x128xf32, #tpu.memory_space<vmem>> -> memref<1x64x128xf32, #tpu.memory_space<vmem>>
            %dma_wait3A_451 = tpu.memref_squeeze %dma_wait3A_450 : memref<1x64x128xf32, #tpu.memory_space<vmem>> -> memref<64x128xf32, #tpu.memory_space<vmem>>
            %dma_wait3A_452 = arith.constant 0 : i32
            %dma_wait3A_453 = tpu.memref_slice %arg12[%sub3A_446, %dma_wait3A_452] : memref<64x64xi32, #tpu.memory_space<vmem>> -> memref<1x64xi32, #tpu.memory_space<vmem>>
            %dma_wait3A_454 = tpu.memref_squeeze %dma_wait3A_453 : memref<1x64xi32, #tpu.memory_space<vmem>> -> memref<64xi32, #tpu.memory_space<vmem>>
            %dma_wait3A_455 = arith.constant 0 : i32
            %dma_wait3A_456 = arith.constant 0 : i32
            %dma_wait3A_457 = tpu.memref_slice %arg5[%dma_wait3A_447, %dma_wait3A_455, %dma_wait3A_456] : memref<2x131072x128xf32, #tpu.memory_space<hbm>> -> memref<1x131072x128xf32, #tpu.memory_space<hbm>>
            %dma_wait3A_458 = tpu.memref_squeeze %dma_wait3A_457 : memref<1x131072x128xf32, #tpu.memory_space<hbm>> -> memref<131072x128xf32, #tpu.memory_space<hbm>>
            %dma_wait3A_459 = arith.constant 0 : i32
            %dma_wait3A_460 = arith.constant 0 : i32
            %dma_wait3A_461 = tpu.memref_slice %dma_wait3A_458[%dma_wait3A_459, %dma_wait3A_460] : memref<131072x128xf32, #tpu.memory_space<hbm>> -> memref<131072x128xf32, #tpu.memory_space<hbm>>
            tpu.wait_indirect_dma semaphore(%arg19 : memref<!tpu.dma_semaphore, #tpu.memory_space<semaphore_mem>>) src(%dma_wait3A_451 : memref<64x128xf32, #tpu.memory_space<vmem>>) dst(%dma_wait3A_461 : memref<131072x128xf32, #tpu.memory_space<hbm>>)
            %sub3A_462 = arith.constant 1 : i32
            %sub3A_463 = arith.subi %while3A_325, %sub3A_462 : i32
            %dma_wait3A_464 = arith.constant 1 : i32
            %dma_wait3A_465 = arith.constant 0 : i32
            %dma_wait3A_466 = arith.constant 0 : i32
            %dma_wait3A_467 = tpu.memref_slice %arg15[%select_n3A_415, %dma_wait3A_465, %dma_wait3A_466] : memref<3x64x128xf32, #tpu.memory_space<vmem>> -> memref<1x64x128xf32, #tpu.memory_space<vmem>>
            %dma_wait3A_468 = tpu.memref_squeeze %dma_wait3A_467 : memref<1x64x128xf32, #tpu.memory_space<vmem>> -> memref<64x128xf32, #tpu.memory_space<vmem>>
            %dma_wait3A_469 = arith.constant 0 : i32
            %dma_wait3A_470 = tpu.memref_slice %arg12[%sub3A_463, %dma_wait3A_469] : memref<64x64xi32, #tpu.memory_space<vmem>> -> memref<1x64xi32, #tpu.memory_space<vmem>>
            %dma_wait3A_471 = tpu.memref_squeeze %dma_wait3A_470 : memref<1x64xi32, #tpu.memory_space<vmem>> -> memref<64xi32, #tpu.memory_space<vmem>>
            %dma_wait3A_472 = arith.constant 0 : i32
            %dma_wait3A_473 = arith.constant 0 : i32
            %dma_wait3A_474 = tpu.memref_slice %arg5[%dma_wait3A_464, %dma_wait3A_472, %dma_wait3A_473] : memref<2x131072x128xf32, #tpu.memory_space<hbm>> -> memref<1x131072x128xf32, #tpu.memory_space<hbm>>
            %dma_wait3A_475 = tpu.memref_squeeze %dma_wait3A_474 : memref<1x131072x128xf32, #tpu.memory_space<hbm>> -> memref<131072x128xf32, #tpu.memory_space<hbm>>
            %dma_wait3A_476 = arith.constant 0 : i32
            %dma_wait3A_477 = arith.constant 0 : i32
            %dma_wait3A_478 = tpu.memref_slice %dma_wait3A_475[%dma_wait3A_476, %dma_wait3A_477] : memref<131072x128xf32, #tpu.memory_space<hbm>> -> memref<131072x128xf32, #tpu.memory_space<hbm>>
            tpu.wait_indirect_dma semaphore(%arg20 : memref<!tpu.dma_semaphore, #tpu.memory_space<semaphore_mem>>) src(%dma_wait3A_468 : memref<64x128xf32, #tpu.memory_space<vmem>>) dst(%dma_wait3A_478 : memref<131072x128xf32, #tpu.memory_space<hbm>>)
          } else {
          }
          %add3A_421 = arith.constant 2 : i32
          %add3A_422 = arith.addi %while3A_325, %add3A_421 : i32
          %dma_start3A_423 = arith.constant 0 : i32
          %dma_start3A_424 = arith.constant 0 : i32
          %dma_start3A_425 = tpu.memref_slice %arg14[%select_n3A_415, %dma_start3A_423, %dma_start3A_424] : memref<3x64x128xf32, #tpu.memory_space<vmem>> -> memref<1x64x128xf32, #tpu.memory_space<vmem>>
          %dma_start3A_426 = tpu.memref_squeeze %dma_start3A_425 : memref<1x64x128xf32, #tpu.memory_space<vmem>> -> memref<64x128xf32, #tpu.memory_space<vmem>>
          %dma_start3A_427 = arith.constant 0 : i32
          %dma_start3A_428 = tpu.memref_slice %arg11[%add3A_422, %dma_start3A_427] : memref<64x64xi32, #tpu.memory_space<vmem>> -> memref<1x64xi32, #tpu.memory_space<vmem>>
          %dma_start3A_429 = tpu.memref_squeeze %dma_start3A_428 : memref<1x64xi32, #tpu.memory_space<vmem>> -> memref<64xi32, #tpu.memory_space<vmem>>
          %dma_start3A_430 = arith.constant 0 : i32
          %dma_start3A_431 = arith.constant 0 : i32
          %dma_start3A_432 = tpu.memref_slice %arg2[%dma_start3A_430, %dma_start3A_431] : memref<65536x128xf32, #tpu.memory_space<hbm>> -> memref<65536x128xf32, #tpu.memory_space<hbm>>
          tpu.enqueue_indirect_dma source(%dma_start3A_432 : memref<65536x128xf32, #tpu.memory_space<hbm>>) target(%dma_start3A_426 : memref<64x128xf32, #tpu.memory_space<vmem>>) offsets(%dma_start3A_429 : memref<64xi32, #tpu.memory_space<vmem>>) semaphore(%arg17 : memref<!tpu.dma_semaphore, #tpu.memory_space<semaphore_mem>>)
          %add3A_433 = arith.constant 2 : i32
          %add3A_434 = arith.addi %while3A_325, %add3A_433 : i32
          %dma_start3A_435 = arith.constant 0 : i32
          %dma_start3A_436 = arith.constant 0 : i32
          %dma_start3A_437 = tpu.memref_slice %arg15[%select_n3A_415, %dma_start3A_435, %dma_start3A_436] : memref<3x64x128xf32, #tpu.memory_space<vmem>> -> memref<1x64x128xf32, #tpu.memory_space<vmem>>
          %dma_start3A_438 = tpu.memref_squeeze %dma_start3A_437 : memref<1x64x128xf32, #tpu.memory_space<vmem>> -> memref<64x128xf32, #tpu.memory_space<vmem>>
          %dma_start3A_439 = arith.constant 0 : i32
          %dma_start3A_440 = tpu.memref_slice %arg11[%add3A_434, %dma_start3A_439] : memref<64x64xi32, #tpu.memory_space<vmem>> -> memref<1x64xi32, #tpu.memory_space<vmem>>
          %dma_start3A_441 = tpu.memref_squeeze %dma_start3A_440 : memref<1x64xi32, #tpu.memory_space<vmem>> -> memref<64xi32, #tpu.memory_space<vmem>>
          %dma_start3A_442 = arith.constant 0 : i32
          %dma_start3A_443 = arith.constant 0 : i32
          %dma_start3A_444 = tpu.memref_slice %arg3[%dma_start3A_442, %dma_start3A_443] : memref<65536x128xf32, #tpu.memory_space<hbm>> -> memref<65536x128xf32, #tpu.memory_space<hbm>>
          tpu.enqueue_indirect_dma source(%dma_start3A_444 : memref<65536x128xf32, #tpu.memory_space<hbm>>) target(%dma_start3A_438 : memref<64x128xf32, #tpu.memory_space<vmem>>) offsets(%dma_start3A_441 : memref<64xi32, #tpu.memory_space<vmem>>) semaphore(%arg18 : memref<!tpu.dma_semaphore, #tpu.memory_space<semaphore_mem>>)
        } else {
        }
        %dma_wait3A = arith.constant 0 : i32
        %dma_wait3A_349 = arith.constant 0 : i32
        %dma_wait3A_350 = tpu.memref_slice %arg14[%select_n3A_342, %dma_wait3A, %dma_wait3A_349] : memref<3x64x128xf32, #tpu.memory_space<vmem>> -> memref<1x64x128xf32, #tpu.memory_space<vmem>>
        %dma_wait3A_351 = tpu.memref_squeeze %dma_wait3A_350 : memref<1x64x128xf32, #tpu.memory_space<vmem>> -> memref<64x128xf32, #tpu.memory_space<vmem>>
        %dma_wait3A_352 = arith.constant 0 : i32
        %dma_wait3A_353 = tpu.memref_slice %arg11[%while3A_325, %dma_wait3A_352] : memref<64x64xi32, #tpu.memory_space<vmem>> -> memref<1x64xi32, #tpu.memory_space<vmem>>
        %dma_wait3A_354 = tpu.memref_squeeze %dma_wait3A_353 : memref<1x64xi32, #tpu.memory_space<vmem>> -> memref<64xi32, #tpu.memory_space<vmem>>
        %dma_wait3A_355 = arith.constant 0 : i32
        %dma_wait3A_356 = arith.constant 0 : i32
        %dma_wait3A_357 = tpu.memref_slice %arg2[%dma_wait3A_355, %dma_wait3A_356] : memref<65536x128xf32, #tpu.memory_space<hbm>> -> memref<65536x128xf32, #tpu.memory_space<hbm>>
        tpu.wait_indirect_dma semaphore(%arg17 : memref<!tpu.dma_semaphore, #tpu.memory_space<semaphore_mem>>) src(%dma_wait3A_357 : memref<65536x128xf32, #tpu.memory_space<hbm>>) dst(%dma_wait3A_351 : memref<64x128xf32, #tpu.memory_space<vmem>>)
        %dma_start3A = arith.constant 0 : i32
        %dma_start3A_358 = arith.constant 0 : i32
        %dma_start3A_359 = arith.constant 0 : i32
        %dma_start3A_360 = tpu.memref_slice %arg14[%select_n3A_342, %dma_start3A_358, %dma_start3A_359] : memref<3x64x128xf32, #tpu.memory_space<vmem>> -> memref<1x64x128xf32, #tpu.memory_space<vmem>>
        %dma_start3A_361 = tpu.memref_squeeze %dma_start3A_360 : memref<1x64x128xf32, #tpu.memory_space<vmem>> -> memref<64x128xf32, #tpu.memory_space<vmem>>
        %dma_start3A_362 = arith.constant 0 : i32
        %dma_start3A_363 = tpu.memref_slice %arg12[%while3A_325, %dma_start3A_362] : memref<64x64xi32, #tpu.memory_space<vmem>> -> memref<1x64xi32, #tpu.memory_space<vmem>>
        %dma_start3A_364 = tpu.memref_squeeze %dma_start3A_363 : memref<1x64xi32, #tpu.memory_space<vmem>> -> memref<64xi32, #tpu.memory_space<vmem>>
        %dma_start3A_365 = arith.constant 0 : i32
        %dma_start3A_366 = arith.constant 0 : i32
        %dma_start3A_367 = tpu.memref_slice %arg5[%dma_start3A, %dma_start3A_365, %dma_start3A_366] : memref<2x131072x128xf32, #tpu.memory_space<hbm>> -> memref<1x131072x128xf32, #tpu.memory_space<hbm>>
        %dma_start3A_368 = tpu.memref_squeeze %dma_start3A_367 : memref<1x131072x128xf32, #tpu.memory_space<hbm>> -> memref<131072x128xf32, #tpu.memory_space<hbm>>
        %dma_start3A_369 = arith.constant 0 : i32
        %dma_start3A_370 = arith.constant 0 : i32
        %dma_start3A_371 = tpu.memref_slice %dma_start3A_368[%dma_start3A_369, %dma_start3A_370] : memref<131072x128xf32, #tpu.memory_space<hbm>> -> memref<131072x128xf32, #tpu.memory_space<hbm>>
        tpu.enqueue_indirect_dma source(%dma_start3A_361 : memref<64x128xf32, #tpu.memory_space<vmem>>) target(%dma_start3A_371 : memref<131072x128xf32, #tpu.memory_space<hbm>>) offsets(%dma_start3A_364 : memref<64xi32, #tpu.memory_space<vmem>>) semaphore(%arg19 : memref<!tpu.dma_semaphore, #tpu.memory_space<semaphore_mem>>)
        %dma_wait3A_372 = arith.constant 0 : i32
        %dma_wait3A_373 = arith.constant 0 : i32
        %dma_wait3A_374 = tpu.memref_slice %arg15[%select_n3A_342, %dma_wait3A_372, %dma_wait3A_373] : memref<3x64x128xf32, #tpu.memory_space<vmem>> -> memref<1x64x128xf32, #tpu.memory_space<vmem>>
        %dma_wait3A_375 = tpu.memref_squeeze %dma_wait3A_374 : memref<1x64x128xf32, #tpu.memory_space<vmem>> -> memref<64x128xf32, #tpu.memory_space<vmem>>
        %dma_wait3A_376 = arith.constant 0 : i32
        %dma_wait3A_377 = tpu.memref_slice %arg11[%while3A_325, %dma_wait3A_376] : memref<64x64xi32, #tpu.memory_space<vmem>> -> memref<1x64xi32, #tpu.memory_space<vmem>>
        %dma_wait3A_378 = tpu.memref_squeeze %dma_wait3A_377 : memref<1x64xi32, #tpu.memory_space<vmem>> -> memref<64xi32, #tpu.memory_space<vmem>>
        %dma_wait3A_379 = arith.constant 0 : i32
        %dma_wait3A_380 = arith.constant 0 : i32
        %dma_wait3A_381 = tpu.memref_slice %arg3[%dma_wait3A_379, %dma_wait3A_380] : memref<65536x128xf32, #tpu.memory_space<hbm>> -> memref<65536x128xf32, #tpu.memory_space<hbm>>
        tpu.wait_indirect_dma semaphore(%arg18 : memref<!tpu.dma_semaphore, #tpu.memory_space<semaphore_mem>>) src(%dma_wait3A_381 : memref<65536x128xf32, #tpu.memory_space<hbm>>) dst(%dma_wait3A_375 : memref<64x128xf32, #tpu.memory_space<vmem>>)
        %dma_start3A_382 = arith.constant 1 : i32
        %dma_start3A_383 = arith.constant 0 : i32
        %dma_start3A_384 = arith.constant 0 : i32
        %dma_start3A_385 = tpu.memref_slice %arg15[%select_n3A_342, %dma_start3A_383, %dma_start3A_384] : memref<3x64x128xf32, #tpu.memory_space<vmem>> -> memref<1x64x128xf32, #tpu.memory_space<vmem>>
        %dma_start3A_386 = tpu.memref_squeeze %dma_start3A_385 : memref<1x64x128xf32, #tpu.memory_space<vmem>> -> memref<64x128xf32, #tpu.memory_space<vmem>>
        %dma_start3A_387 = arith.constant 0 : i32
        %dma_start3A_388 = tpu.memref_slice %arg12[%while3A_325, %dma_start3A_387] : memref<64x64xi32, #tpu.memory_space<vmem>> -> memref<1x64xi32, #tpu.memory_space<vmem>>
        %dma_start3A_389 = tpu.memref_squeeze %dma_start3A_388 : memref<1x64xi32, #tpu.memory_space<vmem>> -> memref<64xi32, #tpu.memory_space<vmem>>
        %dma_start3A_390 = arith.constant 0 : i32
        %dma_start3A_391 = arith.constant 0 : i32
        %dma_start3A_392 = tpu.memref_slice %arg5[%dma_start3A_382, %dma_start3A_390, %dma_start3A_391] : memref<2x131072x128xf32, #tpu.memory_space<hbm>> -> memref<1x131072x128xf32, #tpu.memory_space<hbm>>
        %dma_start3A_393 = tpu.memref_squeeze %dma_start3A_392 : memref<1x131072x128xf32, #tpu.memory_space<hbm>> -> memref<131072x128xf32, #tpu.memory_space<hbm>>
        %dma_start3A_394 = arith.constant 0 : i32
        %dma_start3A_395 = arith.constant 0 : i32
        %dma_start3A_396 = tpu.memref_slice %dma_start3A_393[%dma_start3A_394, %dma_start3A_395] : memref<131072x128xf32, #tpu.memory_space<hbm>> -> memref<131072x128xf32, #tpu.memory_space<hbm>>
        tpu.enqueue_indirect_dma source(%dma_start3A_386 : memref<64x128xf32, #tpu.memory_space<vmem>>) target(%dma_start3A_396 : memref<131072x128xf32, #tpu.memory_space<hbm>>) offsets(%dma_start3A_389 : memref<64xi32, #tpu.memory_space<vmem>>) semaphore(%arg20 : memref<!tpu.dma_semaphore, #tpu.memory_space<semaphore_mem>>)
        %while3A_397 = arith.constant 0 : i32
        scf.yield %while3A_397 : i32
      }
      %sub3A_299 = arith.constant 1 : i32
      %sub3A_300 = arith.subi %select_n3A_90, %sub3A_299 : i32
      %sub3A_301 = arith.constant 0 : i32
      %sub3A_302 = arith.subi %sub3A_300, %sub3A_301 : i32
      %ge3A = arith.constant 0 : i32
      %ge3A_303 = arith.cmpi sge, %sub3A_302, %ge3A : i32
      %convert_element_type3A_304 = arith.extui %ge3A_303 : i1 to i32
      %cond3A_305 = arith.constant 0 : i32
      %cond3A_306 = arith.cmpi ne, %convert_element_type3A_304, %cond3A_305 : i32
      scf.if %cond3A_306 {
        %sub3A_325 = arith.constant 1 : i32
        %sub3A_326 = arith.subi %select_n3A_90, %sub3A_325 : i32
        %sub3A_327 = arith.constant 0 : i32
        %sub3A_328 = arith.subi %sub3A_326, %sub3A_327 : i32
        %jit3A_329 = arith.constant 3 : i32
        %eq3A_330 = arith.constant 0 : i32
        %eq3A_331 = arith.cmpi eq, %jit3A_329, %eq3A_330 : i32
        %jit3A_332 = arith.constant 1 : i32
        %select_n3A_333 = arith.select %eq3A_331, %jit3A_332, %jit3A_329 : i32
        %rem3A_334 = arith.remsi %sub3A_328, %select_n3A_333 : i32
        %ne3A_335 = arith.constant 0 : i32
        %ne3A_336 = arith.cmpi ne, %rem3A_334, %ne3A_335 : i32
        %lt3A_337 = arith.constant 0 : i32
        %lt3A_338 = arith.cmpi slt, %rem3A_334, %lt3A_337 : i32
        %lt3A_339 = arith.constant 0 : i32
        %lt3A_340 = arith.cmpi slt, %select_n3A_333, %lt3A_339 : i32
        %ne3A_341 = arith.xori %lt3A_338, %lt3A_340 : i1
        %and3A_342 = arith.andi %ne3A_341, %ne3A_336 : i1
        %add3A_343 = arith.addi %rem3A_334, %select_n3A_333 : i32
        %select_n3A_344 = arith.select %and3A_342, %add3A_343, %rem3A_334 : i32
        %dma_wait3A = arith.constant 0 : i32
        %dma_wait3A_345 = arith.constant 0 : i32
        %dma_wait3A_346 = arith.constant 0 : i32
        %dma_wait3A_347 = tpu.memref_slice %arg14[%select_n3A_344, %dma_wait3A_345, %dma_wait3A_346] : memref<3x64x128xf32, #tpu.memory_space<vmem>> -> memref<1x64x128xf32, #tpu.memory_space<vmem>>
        %dma_wait3A_348 = tpu.memref_squeeze %dma_wait3A_347 : memref<1x64x128xf32, #tpu.memory_space<vmem>> -> memref<64x128xf32, #tpu.memory_space<vmem>>
        %dma_wait3A_349 = arith.constant 0 : i32
        %dma_wait3A_350 = tpu.memref_slice %arg12[%sub3A_328, %dma_wait3A_349] : memref<64x64xi32, #tpu.memory_space<vmem>> -> memref<1x64xi32, #tpu.memory_space<vmem>>
        %dma_wait3A_351 = tpu.memref_squeeze %dma_wait3A_350 : memref<1x64xi32, #tpu.memory_space<vmem>> -> memref<64xi32, #tpu.memory_space<vmem>>
        %dma_wait3A_352 = arith.constant 0 : i32
        %dma_wait3A_353 = arith.constant 0 : i32
        %dma_wait3A_354 = tpu.memref_slice %arg5[%dma_wait3A, %dma_wait3A_352, %dma_wait3A_353] : memref<2x131072x128xf32, #tpu.memory_space<hbm>> -> memref<1x131072x128xf32, #tpu.memory_space<hbm>>
        %dma_wait3A_355 = tpu.memref_squeeze %dma_wait3A_354 : memref<1x131072x128xf32, #tpu.memory_space<hbm>> -> memref<131072x128xf32, #tpu.memory_space<hbm>>
        %dma_wait3A_356 = arith.constant 0 : i32
        %dma_wait3A_357 = arith.constant 0 : i32
        %dma_wait3A_358 = tpu.memref_slice %dma_wait3A_355[%dma_wait3A_356, %dma_wait3A_357] : memref<131072x128xf32, #tpu.memory_space<hbm>> -> memref<131072x128xf32, #tpu.memory_space<hbm>>
        tpu.wait_indirect_dma semaphore(%arg19 : memref<!tpu.dma_semaphore, #tpu.memory_space<semaphore_mem>>) src(%dma_wait3A_348 : memref<64x128xf32, #tpu.memory_space<vmem>>) dst(%dma_wait3A_358 : memref<131072x128xf32, #tpu.memory_space<hbm>>)
        %jit3A_359 = arith.constant 3 : i32
        %eq3A_360 = arith.constant 0 : i32
        %eq3A_361 = arith.cmpi eq, %jit3A_359, %eq3A_360 : i32
        %jit3A_362 = arith.constant 1 : i32
        %select_n3A_363 = arith.select %eq3A_361, %jit3A_362, %jit3A_359 : i32
        %rem3A_364 = arith.remsi %sub3A_328, %select_n3A_363 : i32
        %ne3A_365 = arith.constant 0 : i32
        %ne3A_366 = arith.cmpi ne, %rem3A_364, %ne3A_365 : i32
        %lt3A_367 = arith.constant 0 : i32
        %lt3A_368 = arith.cmpi slt, %rem3A_364, %lt3A_367 : i32
        %lt3A_369 = arith.constant 0 : i32
        %lt3A_370 = arith.cmpi slt, %select_n3A_363, %lt3A_369 : i32
        %ne3A_371 = arith.xori %lt3A_368, %lt3A_370 : i1
        %and3A_372 = arith.andi %ne3A_371, %ne3A_366 : i1
        %add3A_373 = arith.addi %rem3A_364, %select_n3A_363 : i32
        %select_n3A_374 = arith.select %and3A_372, %add3A_373, %rem3A_364 : i32
        %dma_wait3A_375 = arith.constant 1 : i32
        %dma_wait3A_376 = arith.constant 0 : i32
        %dma_wait3A_377 = arith.constant 0 : i32
        %dma_wait3A_378 = tpu.memref_slice %arg15[%select_n3A_374, %dma_wait3A_376, %dma_wait3A_377] : memref<3x64x128xf32, #tpu.memory_space<vmem>> -> memref<1x64x128xf32, #tpu.memory_space<vmem>>
        %dma_wait3A_379 = tpu.memref_squeeze %dma_wait3A_378 : memref<1x64x128xf32, #tpu.memory_space<vmem>> -> memref<64x128xf32, #tpu.memory_space<vmem>>
        %dma_wait3A_380 = arith.constant 0 : i32
        %dma_wait3A_381 = tpu.memref_slice %arg12[%sub3A_328, %dma_wait3A_380] : memref<64x64xi32, #tpu.memory_space<vmem>> -> memref<1x64xi32, #tpu.memory_space<vmem>>
        %dma_wait3A_382 = tpu.memref_squeeze %dma_wait3A_381 : memref<1x64xi32, #tpu.memory_space<vmem>> -> memref<64xi32, #tpu.memory_space<vmem>>
        %dma_wait3A_383 = arith.constant 0 : i32
        %dma_wait3A_384 = arith.constant 0 : i32
        %dma_wait3A_385 = tpu.memref_slice %arg5[%dma_wait3A_375, %dma_wait3A_383, %dma_wait3A_384] : memref<2x131072x128xf32, #tpu.memory_space<hbm>> -> memref<1x131072x128xf32, #tpu.memory_space<hbm>>
        %dma_wait3A_386 = tpu.memref_squeeze %dma_wait3A_385 : memref<1x131072x128xf32, #tpu.memory_space<hbm>> -> memref<131072x128xf32, #tpu.memory_space<hbm>>
        %dma_wait3A_387 = arith.constant 0 : i32
        %dma_wait3A_388 = arith.constant 0 : i32
        %dma_wait3A_389 = tpu.memref_slice %dma_wait3A_386[%dma_wait3A_387, %dma_wait3A_388] : memref<131072x128xf32, #tpu.memory_space<hbm>> -> memref<131072x128xf32, #tpu.memory_space<hbm>>
        tpu.wait_indirect_dma semaphore(%arg20 : memref<!tpu.dma_semaphore, #tpu.memory_space<semaphore_mem>>) src(%dma_wait3A_379 : memref<64x128xf32, #tpu.memory_space<vmem>>) dst(%dma_wait3A_389 : memref<131072x128xf32, #tpu.memory_space<hbm>>)
      } else {
      }
      %sub3A_307 = arith.constant 1 : i32
      %sub3A_308 = arith.subi %select_n3A_90, %sub3A_307 : i32
      %sub3A_309 = arith.constant 1 : i32
      %sub3A_310 = arith.subi %sub3A_308, %sub3A_309 : i32
      %ge3A_311 = arith.constant 0 : i32
      %ge3A_312 = arith.cmpi sge, %sub3A_310, %ge3A_311 : i32
      %convert_element_type3A_313 = arith.extui %ge3A_312 : i1 to i32
      %cond3A_314 = arith.constant 0 : i32
      %cond3A_315 = arith.cmpi ne, %convert_element_type3A_313, %cond3A_314 : i32
      scf.if %cond3A_315 {
        %sub3A_325 = arith.constant 1 : i32
        %sub3A_326 = arith.subi %select_n3A_90, %sub3A_325 : i32
        %sub3A_327 = arith.constant 1 : i32
        %sub3A_328 = arith.subi %sub3A_326, %sub3A_327 : i32
        %jit3A_329 = arith.constant 3 : i32
        %eq3A_330 = arith.constant 0 : i32
        %eq3A_331 = arith.cmpi eq, %jit3A_329, %eq3A_330 : i32
        %jit3A_332 = arith.constant 1 : i32
        %select_n3A_333 = arith.select %eq3A_331, %jit3A_332, %jit3A_329 : i32
        %rem3A_334 = arith.remsi %sub3A_328, %select_n3A_333 : i32
        %ne3A_335 = arith.constant 0 : i32
        %ne3A_336 = arith.cmpi ne, %rem3A_334, %ne3A_335 : i32
        %lt3A_337 = arith.constant 0 : i32
        %lt3A_338 = arith.cmpi slt, %rem3A_334, %lt3A_337 : i32
        %lt3A_339 = arith.constant 0 : i32
        %lt3A_340 = arith.cmpi slt, %select_n3A_333, %lt3A_339 : i32
        %ne3A_341 = arith.xori %lt3A_338, %lt3A_340 : i1
        %and3A_342 = arith.andi %ne3A_341, %ne3A_336 : i1
        %add3A_343 = arith.addi %rem3A_334, %select_n3A_333 : i32
        %select_n3A_344 = arith.select %and3A_342, %add3A_343, %rem3A_334 : i32
        %dma_wait3A = arith.constant 0 : i32
        %dma_wait3A_345 = arith.constant 0 : i32
        %dma_wait3A_346 = arith.constant 0 : i32
        %dma_wait3A_347 = tpu.memref_slice %arg14[%select_n3A_344, %dma_wait3A_345, %dma_wait3A_346] : memref<3x64x128xf32, #tpu.memory_space<vmem>> -> memref<1x64x128xf32, #tpu.memory_space<vmem>>
        %dma_wait3A_348 = tpu.memref_squeeze %dma_wait3A_347 : memref<1x64x128xf32, #tpu.memory_space<vmem>> -> memref<64x128xf32, #tpu.memory_space<vmem>>
        %dma_wait3A_349 = arith.constant 0 : i32
        %dma_wait3A_350 = tpu.memref_slice %arg12[%sub3A_328, %dma_wait3A_349] : memref<64x64xi32, #tpu.memory_space<vmem>> -> memref<1x64xi32, #tpu.memory_space<vmem>>
        %dma_wait3A_351 = tpu.memref_squeeze %dma_wait3A_350 : memref<1x64xi32, #tpu.memory_space<vmem>> -> memref<64xi32, #tpu.memory_space<vmem>>
        %dma_wait3A_352 = arith.constant 0 : i32
        %dma_wait3A_353 = arith.constant 0 : i32
        %dma_wait3A_354 = tpu.memref_slice %arg5[%dma_wait3A, %dma_wait3A_352, %dma_wait3A_353] : memref<2x131072x128xf32, #tpu.memory_space<hbm>> -> memref<1x131072x128xf32, #tpu.memory_space<hbm>>
        %dma_wait3A_355 = tpu.memref_squeeze %dma_wait3A_354 : memref<1x131072x128xf32, #tpu.memory_space<hbm>> -> memref<131072x128xf32, #tpu.memory_space<hbm>>
        %dma_wait3A_356 = arith.constant 0 : i32
        %dma_wait3A_357 = arith.constant 0 : i32
        %dma_wait3A_358 = tpu.memref_slice %dma_wait3A_355[%dma_wait3A_356, %dma_wait3A_357] : memref<131072x128xf32, #tpu.memory_space<hbm>> -> memref<131072x128xf32, #tpu.memory_space<hbm>>
        tpu.wait_indirect_dma semaphore(%arg19 : memref<!tpu.dma_semaphore, #tpu.memory_space<semaphore_mem>>) src(%dma_wait3A_348 : memref<64x128xf32, #tpu.memory_space<vmem>>) dst(%dma_wait3A_358 : memref<131072x128xf32, #tpu.memory_space<hbm>>)
        %jit3A_359 = arith.constant 3 : i32
        %eq3A_360 = arith.constant 0 : i32
        %eq3A_361 = arith.cmpi eq, %jit3A_359, %eq3A_360 : i32
        %jit3A_362 = arith.constant 1 : i32
        %select_n3A_363 = arith.select %eq3A_361, %jit3A_362, %jit3A_359 : i32
        %rem3A_364 = arith.remsi %sub3A_328, %select_n3A_363 : i32
        %ne3A_365 = arith.constant 0 : i32
        %ne3A_366 = arith.cmpi ne, %rem3A_364, %ne3A_365 : i32
        %lt3A_367 = arith.constant 0 : i32
        %lt3A_368 = arith.cmpi slt, %rem3A_364, %lt3A_367 : i32
        %lt3A_369 = arith.constant 0 : i32
        %lt3A_370 = arith.cmpi slt, %select_n3A_363, %lt3A_369 : i32
        %ne3A_371 = arith.xori %lt3A_368, %lt3A_370 : i1
        %and3A_372 = arith.andi %ne3A_371, %ne3A_366 : i1
        %add3A_373 = arith.addi %rem3A_364, %select_n3A_363 : i32
        %select_n3A_374 = arith.select %and3A_372, %add3A_373, %rem3A_364 : i32
        %dma_wait3A_375 = arith.constant 1 : i32
        %dma_wait3A_376 = arith.constant 0 : i32
        %dma_wait3A_377 = arith.constant 0 : i32
        %dma_wait3A_378 = tpu.memref_slice %arg15[%select_n3A_374, %dma_wait3A_376, %dma_wait3A_377] : memref<3x64x128xf32, #tpu.memory_space<vmem>> -> memref<1x64x128xf32, #tpu.memory_space<vmem>>
        %dma_wait3A_379 = tpu.memref_squeeze %dma_wait3A_378 : memref<1x64x128xf32, #tpu.memory_space<vmem>> -> memref<64x128xf32, #tpu.memory_space<vmem>>
        %dma_wait3A_380 = arith.constant 0 : i32
        %dma_wait3A_381 = tpu.memref_slice %arg12[%sub3A_328, %dma_wait3A_380] : memref<64x64xi32, #tpu.memory_space<vmem>> -> memref<1x64xi32, #tpu.memory_space<vmem>>
        %dma_wait3A_382 = tpu.memref_squeeze %dma_wait3A_381 : memref<1x64xi32, #tpu.memory_space<vmem>> -> memref<64xi32, #tpu.memory_space<vmem>>
        %dma_wait3A_383 = arith.constant 0 : i32
        %dma_wait3A_384 = arith.constant 0 : i32
        %dma_wait3A_385 = tpu.memref_slice %arg5[%dma_wait3A_375, %dma_wait3A_383, %dma_wait3A_384] : memref<2x131072x128xf32, #tpu.memory_space<hbm>> -> memref<1x131072x128xf32, #tpu.memory_space<hbm>>
        %dma_wait3A_386 = tpu.memref_squeeze %dma_wait3A_385 : memref<1x131072x128xf32, #tpu.memory_space<hbm>> -> memref<131072x128xf32, #tpu.memory_space<hbm>>
        %dma_wait3A_387 = arith.constant 0 : i32
        %dma_wait3A_388 = arith.constant 0 : i32
        %dma_wait3A_389 = tpu.memref_slice %dma_wait3A_386[%dma_wait3A_387, %dma_wait3A_388] : memref<131072x128xf32, #tpu.memory_space<hbm>> -> memref<131072x128xf32, #tpu.memory_space<hbm>>
        tpu.wait_indirect_dma semaphore(%arg20 : memref<!tpu.dma_semaphore, #tpu.memory_space<semaphore_mem>>) src(%dma_wait3A_379 : memref<64x128xf32, #tpu.memory_space<vmem>>) dst(%dma_wait3A_389 : memref<131072x128xf32, #tpu.memory_space<hbm>>)
      } else {
      }
      %sub3A_316 = arith.constant 1 : i32
      %sub3A_317 = arith.subi %select_n3A_90, %sub3A_316 : i32
      %sub3A_318 = arith.constant 2 : i32
      %sub3A_319 = arith.subi %sub3A_317, %sub3A_318 : i32
      %ge3A_320 = arith.constant 0 : i32
      %ge3A_321 = arith.cmpi sge, %sub3A_319, %ge3A_320 : i32
      %convert_element_type3A_322 = arith.extui %ge3A_321 : i1 to i32
      %cond3A_323 = arith.constant 0 : i32
      %cond3A_324 = arith.cmpi ne, %convert_element_type3A_322, %cond3A_323 : i32
      scf.if %cond3A_324 {
        %sub3A_325 = arith.constant 1 : i32
        %sub3A_326 = arith.subi %select_n3A_90, %sub3A_325 : i32
        %sub3A_327 = arith.constant 2 : i32
        %sub3A_328 = arith.subi %sub3A_326, %sub3A_327 : i32
        %jit3A_329 = arith.constant 3 : i32
        %eq3A_330 = arith.constant 0 : i32
        %eq3A_331 = arith.cmpi eq, %jit3A_329, %eq3A_330 : i32
        %jit3A_332 = arith.constant 1 : i32
        %select_n3A_333 = arith.select %eq3A_331, %jit3A_332, %jit3A_329 : i32
        %rem3A_334 = arith.remsi %sub3A_328, %select_n3A_333 : i32
        %ne3A_335 = arith.constant 0 : i32
        %ne3A_336 = arith.cmpi ne, %rem3A_334, %ne3A_335 : i32
        %lt3A_337 = arith.constant 0 : i32
        %lt3A_338 = arith.cmpi slt, %rem3A_334, %lt3A_337 : i32
        %lt3A_339 = arith.constant 0 : i32
        %lt3A_340 = arith.cmpi slt, %select_n3A_333, %lt3A_339 : i32
        %ne3A_341 = arith.xori %lt3A_338, %lt3A_340 : i1
        %and3A_342 = arith.andi %ne3A_341, %ne3A_336 : i1
        %add3A_343 = arith.addi %rem3A_334, %select_n3A_333 : i32
        %select_n3A_344 = arith.select %and3A_342, %add3A_343, %rem3A_334 : i32
        %dma_wait3A = arith.constant 0 : i32
        %dma_wait3A_345 = arith.constant 0 : i32
        %dma_wait3A_346 = arith.constant 0 : i32
        %dma_wait3A_347 = tpu.memref_slice %arg14[%select_n3A_344, %dma_wait3A_345, %dma_wait3A_346] : memref<3x64x128xf32, #tpu.memory_space<vmem>> -> memref<1x64x128xf32, #tpu.memory_space<vmem>>
        %dma_wait3A_348 = tpu.memref_squeeze %dma_wait3A_347 : memref<1x64x128xf32, #tpu.memory_space<vmem>> -> memref<64x128xf32, #tpu.memory_space<vmem>>
        %dma_wait3A_349 = arith.constant 0 : i32
        %dma_wait3A_350 = tpu.memref_slice %arg12[%sub3A_328, %dma_wait3A_349] : memref<64x64xi32, #tpu.memory_space<vmem>> -> memref<1x64xi32, #tpu.memory_space<vmem>>
        %dma_wait3A_351 = tpu.memref_squeeze %dma_wait3A_350 : memref<1x64xi32, #tpu.memory_space<vmem>> -> memref<64xi32, #tpu.memory_space<vmem>>
        %dma_wait3A_352 = arith.constant 0 : i32
        %dma_wait3A_353 = arith.constant 0 : i32
        %dma_wait3A_354 = tpu.memref_slice %arg5[%dma_wait3A, %dma_wait3A_352, %dma_wait3A_353] : memref<2x131072x128xf32, #tpu.memory_space<hbm>> -> memref<1x131072x128xf32, #tpu.memory_space<hbm>>
        %dma_wait3A_355 = tpu.memref_squeeze %dma_wait3A_354 : memref<1x131072x128xf32, #tpu.memory_space<hbm>> -> memref<131072x128xf32, #tpu.memory_space<hbm>>
        %dma_wait3A_356 = arith.constant 0 : i32
        %dma_wait3A_357 = arith.constant 0 : i32
        %dma_wait3A_358 = tpu.memref_slice %dma_wait3A_355[%dma_wait3A_356, %dma_wait3A_357] : memref<131072x128xf32, #tpu.memory_space<hbm>> -> memref<131072x128xf32, #tpu.memory_space<hbm>>
        tpu.wait_indirect_dma semaphore(%arg19 : memref<!tpu.dma_semaphore, #tpu.memory_space<semaphore_mem>>) src(%dma_wait3A_348 : memref<64x128xf32, #tpu.memory_space<vmem>>) dst(%dma_wait3A_358 : memref<131072x128xf32, #tpu.memory_space<hbm>>)
        %jit3A_359 = arith.constant 3 : i32
        %eq3A_360 = arith.constant 0 : i32
        %eq3A_361 = arith.cmpi eq, %jit3A_359, %eq3A_360 : i32
        %jit3A_362 = arith.constant 1 : i32
        %select_n3A_363 = arith.select %eq3A_361, %jit3A_362, %jit3A_359 : i32
        %rem3A_364 = arith.remsi %sub3A_328, %select_n3A_363 : i32
        %ne3A_365 = arith.constant 0 : i32
        %ne3A_366 = arith.cmpi ne, %rem3A_364, %ne3A_365 : i32
        %lt3A_367 = arith.constant 0 : i32
        %lt3A_368 = arith.cmpi slt, %rem3A_364, %lt3A_367 : i32
        %lt3A_369 = arith.constant 0 : i32
        %lt3A_370 = arith.cmpi slt, %select_n3A_363, %lt3A_369 : i32
        %ne3A_371 = arith.xori %lt3A_368, %lt3A_370 : i1
        %and3A_372 = arith.andi %ne3A_371, %ne3A_366 : i1
        %add3A_373 = arith.addi %rem3A_364, %select_n3A_363 : i32
        %select_n3A_374 = arith.select %and3A_372, %add3A_373, %rem3A_364 : i32
        %dma_wait3A_375 = arith.constant 1 : i32
        %dma_wait3A_376 = arith.constant 0 : i32
        %dma_wait3A_377 = arith.constant 0 : i32
        %dma_wait3A_378 = tpu.memref_slice %arg15[%select_n3A_374, %dma_wait3A_376, %dma_wait3A_377] : memref<3x64x128xf32, #tpu.memory_space<vmem>> -> memref<1x64x128xf32, #tpu.memory_space<vmem>>
        %dma_wait3A_379 = tpu.memref_squeeze %dma_wait3A_378 : memref<1x64x128xf32, #tpu.memory_space<vmem>> -> memref<64x128xf32, #tpu.memory_space<vmem>>
        %dma_wait3A_380 = arith.constant 0 : i32
        %dma_wait3A_381 = tpu.memref_slice %arg12[%sub3A_328, %dma_wait3A_380] : memref<64x64xi32, #tpu.memory_space<vmem>> -> memref<1x64xi32, #tpu.memory_space<vmem>>
        %dma_wait3A_382 = tpu.memref_squeeze %dma_wait3A_381 : memref<1x64xi32, #tpu.memory_space<vmem>> -> memref<64xi32, #tpu.memory_space<vmem>>
        %dma_wait3A_383 = arith.constant 0 : i32
        %dma_wait3A_384 = arith.constant 0 : i32
        %dma_wait3A_385 = tpu.memref_slice %arg5[%dma_wait3A_375, %dma_wait3A_383, %dma_wait3A_384] : memref<2x131072x128xf32, #tpu.memory_space<hbm>> -> memref<1x131072x128xf32, #tpu.memory_space<hbm>>
        %dma_wait3A_386 = tpu.memref_squeeze %dma_wait3A_385 : memref<1x131072x128xf32, #tpu.memory_space<hbm>> -> memref<131072x128xf32, #tpu.memory_space<hbm>>
        %dma_wait3A_387 = arith.constant 0 : i32
        %dma_wait3A_388 = arith.constant 0 : i32
        %dma_wait3A_389 = tpu.memref_slice %dma_wait3A_386[%dma_wait3A_387, %dma_wait3A_388] : memref<131072x128xf32, #tpu.memory_space<hbm>> -> memref<131072x128xf32, #tpu.memory_space<hbm>>
        tpu.wait_indirect_dma semaphore(%arg20 : memref<!tpu.dma_semaphore, #tpu.memory_space<semaphore_mem>>) src(%dma_wait3A_379 : memref<64x128xf32, #tpu.memory_space<vmem>>) dst(%dma_wait3A_389 : memref<131072x128xf32, #tpu.memory_space<hbm>>)
      } else {
      }
    } else {
    }
    %while3A_265 = arith.constant 0 : i32
    %while3A_266 = arith.constant 0 : i32
    %while3A_267 = arith.subi %select_n3A_118, %while3A_265 : i32
    %while3A_268 = arith.addi %while3A_265, %while3A_267 : i32
    %while3A_269 = arith.constant 1 : i32
    %while3A_270 = arith.divsi %while3A_267, %while3A_269 : i32
    %while3A_271 = arith.muli %while3A_270, %while3A_269 : i32
    %while3A_272 = arith.addi %while3A_265, %while3A_271 : i32
    %while3A_273 = arith.constant 1 : i32
    %while3A_274 = scf.for %while3A_277 = %while3A_265 to %while3A_272 step %while3A_273 iter_args(%while3A_278 = %while3A_266) -> (i32)  : i32 {
      %dma_wait3A = arith.constant 0 : i32
      %dma_wait3A_279 = arith.constant 0 : i32
      %dma_wait3A_280 = arith.constant 0 : i32
      %dma_wait3A_281 = tpu.memref_slice %arg13[%dma_wait3A_279, %dma_wait3A_280] : memref<64x64xi32, #tpu.memory_space<vmem>> -> memref<1x64xi32, #tpu.memory_space<vmem>>
      %dma_wait3A_282 = tpu.memref_squeeze %dma_wait3A_281 : memref<1x64xi32, #tpu.memory_space<vmem>> -> memref<64xi32, #tpu.memory_space<vmem>>
      %dma_wait3A_283 = arith.constant 0 : i32
      %dma_wait3A_284 = arith.constant 0 : i32
      %dma_wait3A_285 = tpu.memref_slice %arg5[%dma_wait3A, %dma_wait3A_283, %dma_wait3A_284] : memref<2x131072x128xf32, #tpu.memory_space<hbm>> -> memref<1x131072x128xf32, #tpu.memory_space<hbm>>
      %dma_wait3A_286 = tpu.memref_squeeze %dma_wait3A_285 : memref<1x131072x128xf32, #tpu.memory_space<hbm>> -> memref<131072x128xf32, #tpu.memory_space<hbm>>
      %dma_wait3A_287 = arith.constant 0 : i32
      %dma_wait3A_288 = arith.constant 0 : i32
      %dma_wait3A_289 = tpu.memref_slice %dma_wait3A_286[%dma_wait3A_287, %dma_wait3A_288] : memref<131072x128xf32, #tpu.memory_space<hbm>> -> memref<131072x128xf32, #tpu.memory_space<hbm>>
      tpu.wait_indirect_dma semaphore(%arg21 : memref<!tpu.dma_semaphore, #tpu.memory_space<semaphore_mem>>) src(%arg16 : memref<64x128xf32, #tpu.memory_space<vmem>>) dst(%dma_wait3A_289 : memref<131072x128xf32, #tpu.memory_space<hbm>>)
      %dma_wait3A_290 = arith.constant 1 : i32
      %dma_wait3A_291 = arith.constant 0 : i32
      %dma_wait3A_292 = arith.constant 0 : i32
      %dma_wait3A_293 = tpu.memref_slice %arg13[%dma_wait3A_291, %dma_wait3A_292] : memref<64x64xi32, #tpu.memory_space<vmem>> -> memref<1x64xi32, #tpu.memory_space<vmem>>
      %dma_wait3A_294 = tpu.memref_squeeze %dma_wait3A_293 : memref<1x64xi32, #tpu.memory_space<vmem>> -> memref<64xi32, #tpu.memory_space<vmem>>
      %dma_wait3A_295 = arith.constant 0 : i32
      %dma_wait3A_296 = arith.constant 0 : i32
      %dma_wait3A_297 = tpu.memref_slice %arg5[%dma_wait3A_290, %dma_wait3A_295, %dma_wait3A_296] : memref<2x131072x128xf32, #tpu.memory_space<hbm>> -> memref<1x131072x128xf32, #tpu.memory_space<hbm>>
      %dma_wait3A_298 = tpu.memref_squeeze %dma_wait3A_297 : memref<1x131072x128xf32, #tpu.memory_space<hbm>> -> memref<131072x128xf32, #tpu.memory_space<hbm>>
      %dma_wait3A_299 = arith.constant 0 : i32
      %dma_wait3A_300 = arith.constant 0 : i32
      %dma_wait3A_301 = tpu.memref_slice %dma_wait3A_298[%dma_wait3A_299, %dma_wait3A_300] : memref<131072x128xf32, #tpu.memory_space<hbm>> -> memref<131072x128xf32, #tpu.memory_space<hbm>>
      tpu.wait_indirect_dma semaphore(%arg21 : memref<!tpu.dma_semaphore, #tpu.memory_space<semaphore_mem>>) src(%arg16 : memref<64x128xf32, #tpu.memory_space<vmem>>) dst(%dma_wait3A_301 : memref<131072x128xf32, #tpu.memory_space<hbm>>)
      %while3A_302 = arith.constant 0 : i32
      scf.yield %while3A_302 : i32
    }
    %while3A_275 = arith.constant 1 : i32
    %while3A_276 = scf.for %while3A_277 = %while3A_272 to %while3A_268 step %while3A_275 iter_args(%while3A_278 = %while3A_274) -> (i32)  : i32 {
      %dma_wait3A = arith.constant 0 : i32
      %dma_wait3A_279 = arith.constant 0 : i32
      %dma_wait3A_280 = arith.constant 0 : i32
      %dma_wait3A_281 = tpu.memref_slice %arg13[%dma_wait3A_279, %dma_wait3A_280] : memref<64x64xi32, #tpu.memory_space<vmem>> -> memref<1x64xi32, #tpu.memory_space<vmem>>
      %dma_wait3A_282 = tpu.memref_squeeze %dma_wait3A_281 : memref<1x64xi32, #tpu.memory_space<vmem>> -> memref<64xi32, #tpu.memory_space<vmem>>
      %dma_wait3A_283 = arith.constant 0 : i32
      %dma_wait3A_284 = arith.constant 0 : i32
      %dma_wait3A_285 = tpu.memref_slice %arg5[%dma_wait3A, %dma_wait3A_283, %dma_wait3A_284] : memref<2x131072x128xf32, #tpu.memory_space<hbm>> -> memref<1x131072x128xf32, #tpu.memory_space<hbm>>
      %dma_wait3A_286 = tpu.memref_squeeze %dma_wait3A_285 : memref<1x131072x128xf32, #tpu.memory_space<hbm>> -> memref<131072x128xf32, #tpu.memory_space<hbm>>
      %dma_wait3A_287 = arith.constant 0 : i32
      %dma_wait3A_288 = arith.constant 0 : i32
      %dma_wait3A_289 = tpu.memref_slice %dma_wait3A_286[%dma_wait3A_287, %dma_wait3A_288] : memref<131072x128xf32, #tpu.memory_space<hbm>> -> memref<131072x128xf32, #tpu.memory_space<hbm>>
      tpu.wait_indirect_dma semaphore(%arg21 : memref<!tpu.dma_semaphore, #tpu.memory_space<semaphore_mem>>) src(%arg16 : memref<64x128xf32, #tpu.memory_space<vmem>>) dst(%dma_wait3A_289 : memref<131072x128xf32, #tpu.memory_space<hbm>>)
      %dma_wait3A_290 = arith.constant 1 : i32
      %dma_wait3A_291 = arith.constant 0 : i32
      %dma_wait3A_292 = arith.constant 0 : i32
      %dma_wait3A_293 = tpu.memref_slice %arg13[%dma_wait3A_291, %dma_wait3A_292] : memref<64x64xi32, #tpu.memory_space<vmem>> -> memref<1x64xi32, #tpu.memory_space<vmem>>
      %dma_wait3A_294 = tpu.memref_squeeze %dma_wait3A_293 : memref<1x64xi32, #tpu.memory_space<vmem>> -> memref<64xi32, #tpu.memory_space<vmem>>
      %dma_wait3A_295 = arith.constant 0 : i32
      %dma_wait3A_296 = arith.constant 0 : i32
      %dma_wait3A_297 = tpu.memref_slice %arg5[%dma_wait3A_290, %dma_wait3A_295, %dma_wait3A_296] : memref<2x131072x128xf32, #tpu.memory_space<hbm>> -> memref<1x131072x128xf32, #tpu.memory_space<hbm>>
      %dma_wait3A_298 = tpu.memref_squeeze %dma_wait3A_297 : memref<1x131072x128xf32, #tpu.memory_space<hbm>> -> memref<131072x128xf32, #tpu.memory_space<hbm>>
      %dma_wait3A_299 = arith.constant 0 : i32
      %dma_wait3A_300 = arith.constant 0 : i32
      %dma_wait3A_301 = tpu.memref_slice %dma_wait3A_298[%dma_wait3A_299, %dma_wait3A_300] : memref<131072x128xf32, #tpu.memory_space<hbm>> -> memref<131072x128xf32, #tpu.memory_space<hbm>>
      tpu.wait_indirect_dma semaphore(%arg21 : memref<!tpu.dma_semaphore, #tpu.memory_space<semaphore_mem>>) src(%arg16 : memref<64x128xf32, #tpu.memory_space<vmem>>) dst(%dma_wait3A_301 : memref<131072x128xf32, #tpu.memory_space<hbm>>)
      %while3A_302 = arith.constant 0 : i32
      scf.yield %while3A_302 : i32
    }
    return
  }
}

</mosaic_0001>

<sc_bundles>
// kernel: kernel.3.cloned.1.call-start
scs
__scs_entry_jumppad:
0x0: {  	(pc) =	sbr.rel $0x88, $3  }
0x1: {  	(tag) =	ssettag $0x0;
	lr =	simm.s32 $0x1  }
0x2: {  	[smem:$0x3F9E] =	sst lr;
	_ =	strace $0xD0000000  }
0x3: {  	_ = 	snop  }
0x4: {  	_ = 	snop  }
0x5: {  	_ = 	snop  }
0x6: {  	_ = 	snop  }
0x7: {  	_ = 	snop  }
__scs_overlays_trampoline_lowered:
0x8: {  	[smem:$0x3FAD] =	sst s0  }
0x9: {  	[smem:$0x3FAE] =	sst s1  }
0xa: {  	[smem:$0x3FAF] =	sst s2  }
0xb: {  	[smem:$0x3FB0] =	sst s3  }
0xc: {  	[smem:$0x3FB1] =	sst s4  }
0xd: {  	[smem:$0x3FB2] =	sst s5  }
0xe: {  	[smem:$0x3FB3] =	sst s6  }
0xf: {  	[smem:$0x3FB4] =	sst s7  }
0x10: {  	[smem:$0x3FB5] =	sst s8  }
0x11: {  	[smem:$0x3FB6] =	sst s9;
	s0 =	simm.s32 @!p0 $0x0  }
0x12: {  	s1 =	sld [smem:$0x3F9C];
	s0 =	simm.s32 @p0 $0x1  }
0x13: {  	[smem:$0x3FB7] =	sst s0;
	s0 =	simm.s32 @!p1 $0x0  }
0x14: {  	s2 =	sld [smem:$0x3F9B];
	s0 =	simm.s32 @p1 $0x1  }
0x15: {  	[smem:$0x3FB8] =	sst s0;
	s0 =	simm.s32 @!p2 $0x0  }
0x16: {  	s3 =	sld [smem:$0x3FDB];
	s0 =	simm.s32 @p2 $0x1  }
0x17: {  	s4 =	simm.s32 $0x1BF5;
	[smem:$0x3FBA] =	sst s0  }
0x18: {  	s0 =	sld [smem:$0x3F9D];
	_ =	swait.ge [sflag:s4], $0x0  }
0x19: {  	s7 =	sld [smem:$0x3F9E]  }
0x1a: {  	s8 =	sadd.s32 $0xFFFFE003, lr  }
0x1b: {  	s9 =	sadd.s32 $0xFFFFFEF7, lr;
	s5 =	simm.s32 $0xFFFFFFFF;
	p2 =	slt.u32 s8, $0xFFFFF086  }
0x1c: {  	p1 =	slt.u32 s9, $0xF7A;
	s5 =	simm.s32 @!p2 $0x0  }
0x1d: {  	s5 =	simm.s32 @p1 $0x1;
	p0 =	seq.s32 s7, s2  }
0x1e: {  	s7 =	smul.u32 @!p0 $0xF7A, s2;
	p2 =	seq.s32 @!p0 s5, $0x0  }
0x1f: {  	s9 =	smul.u32 $0xF7A, s1;
	s8 =	simm.s32 @!p0 $0x1BF5;
	p2 =	por !p2, p0  }
0x20: {  	[sflag:s8] =	ssyncset.s32 @!p0 $0xFFFFF086;
	s6 =	sadd.s32 @!p0 s3, s7;
	s7 =	simm.s32 @!p0 $0x108  }
0x21: {  	s3 =	sadd.s32 s3, s9;
	s6 =	sadd.s32 @!p0 $0x88, s6;
	s7 =	simm.s32 @p2 $0x1082  }
0x22: {  	[simem:s7], [sflag:s8] =	dma.local @!p0 [hbm:s6], $0xF7A  }
0x23: {  	s9 =	sor.u32 $0xD0000000, s2;
	s6 =	simm.s32 $0x108;
	_ =	swait.ge @!p0 [sflag:s8], $0x0  }
0x24: {  	s3 =	sadd.s32 $0x88, s3;
	s6 =	simm.s32 @!p1 $0x1082;
	[sflag:s4] =	ssyncset.s32 $0xFFFFF086  }
0x25: {  	[simem:s6], [sflag:s4] =	dma.local [hbm:s3], $0xF7A  }
0x26: {  	[smem:$0x3F9E] =	sst s1;
	(tag) =	ssettag s2;
	_ =	strace s9  }
0x27: {  	s1 =	sld [smem:$0x3FAE]  }
0x28: {  	s2 =	sld [smem:$0x3FAF]  }
0x29: {  	s4 =	sld [smem:$0x3FB1]  }
0x2a: {  	p0 =	seq.s32 s5, $0x0;
	s5 =	sld [smem:$0x3FB2]  }
0x2b: {  	s6 =	sld [smem:$0x3FB3]  }
0x2c: {  	s7 =	sld [smem:$0x3FB4]  }
0x2d: {  	s3 =	simm.s32 $0x108;
	s8 =	sld [smem:$0x3FB5]  }
0x2e: {  	s3 =	simm.s32 @!p0 $0x1082;
	s9 =	sld [smem:$0x3FB6]  }
0x2f: {  	lr =	sadd.s32 s0, s3;
	s0 =	sld [smem:$0x3FAD]  }
0x30: {  	s3 =	sld [smem:$0x3FB0]  }
0x31: {  	[smem:$0x3FB9] =	sst s10  }
0x32: {  	s10 =	sld [smem:$0x3FB7];
	_ =	sdelay $0x3  }
0x33: {  	p0 =	seq.s32 s10, $0x1;
	s10 =	sld [smem:$0x3FB9];
	_ =	sdelay $0x3  }
0x34: {  	[smem:$0x3FB9] =	sst s10  }
0x35: {  	s10 =	sld [smem:$0x3FB8];
	_ =	sdelay $0x3  }
0x36: {  	p1 =	seq.s32 s10, $0x1;
	s10 =	sld [smem:$0x3FB9];
	_ =	sdelay $0x3  }
0x37: {  	[smem:$0x3FB9] =	sst s10  }
0x38: {  	s10 =	sld [smem:$0x3FBA]  }
0x39: {  	_ = 	snop;
	(pc) =	sbr.ind lr, $3  }
0x3a: {  	_ = 	snop  }
0x3b: {  	_ = 	snop  }
0x3c: {  	p2 =	seq.s32 s10, $0x1;
	s10 =	sld [smem:$0x3FB9]  }
0x3d: {  	_ =	shalt  }
0x3e: {  	_ =	shalt  }
0x3f: {  	_ =	shalt  }
0x40: {  	_ =	shalt  }
0x41: {  	_ =	shalt  }
0x42: {  	_ =	shalt  }
0x43: {  	_ =	shalt  }
0x44: {  	_ =	shalt  }
0x45: {  	_ =	shalt  }
0x46: {  	_ =	shalt  }
0x47: {  	_ =	shalt  }
0x48: {  	_ =	shalt  }
0x49: {  	_ =	shalt  }
0x4a: {  	_ =	shalt  }
0x4b: {  	_ =	shalt  }
0x4c: {  	_ =	shalt  }
0x4d: {  	_ =	shalt  }
0x4e: {  	_ =	shalt  }
0x4f: {  	_ =	shalt  }
0x50: {  	_ =	shalt  }
0x51: {  	_ =	shalt  }
0x52: {  	_ =	shalt  }
0x53: {  	_ =	shalt  }
0x54: {  	_ =	shalt  }
0x55: {  	_ =	shalt  }
0x56: {  	_ =	shalt  }
0x57: {  	_ =	shalt  }
0x58: {  	_ =	shalt  }
0x59: {  	_ =	shalt  }
0x5a: {  	_ =	shalt  }
0x5b: {  	_ =	shalt  }
0x5c: {  	_ =	shalt  }
0x5d: {  	_ =	shalt  }
0x5e: {  	_ =	shalt  }
0x5f: {  	_ =	shalt  }
0x60: {  	_ =	shalt  }
0x61: {  	_ =	shalt  }
0x62: {  	_ =	shalt  }
0x63: {  	_ =	shalt  }
0x64: {  	_ =	shalt  }
0x65: {  	_ =	shalt  }
0x66: {  	_ =	shalt  }
0x67: {  	_ =	shalt  }
0x68: {  	_ =	shalt  }
0x69: {  	_ =	shalt  }
0x6a: {  	_ =	shalt  }
0x6b: {  	_ =	shalt  }
0x6c: {  	_ =	shalt  }
0x6d: {  	_ =	shalt  }
0x6e: {  	_ =	shalt  }
0x6f: {  	_ =	shalt  }
0x70: {  	_ =	shalt  }
0x71: {  	_ =	shalt  }
0x72: {  	_ =	shalt  }
0x73: {  	_ =	shalt  }
0x74: {  	_ =	shalt  }
0x75: {  	_ =	shalt  }
0x76: {  	_ =	shalt  }
0x77: {  	_ =	shalt  }
0x78: {  	_ =	shalt  }
0x79: {  	_ =	shalt  }
0x7a: {  	_ =	shalt  }
0x7b: {  	_ =	shalt  }
0x7c: {  	_ =	shalt  }
0x7d: {  	_ =	shalt  }
0x7e: {  	_ =	shalt  }
0x7f: {  	_ =	shalt  }
0x80: {  	_ =	shalt  }
0x81: {  	_ =	shalt  }
0x82: {  	_ =	shalt  }
0x83: {  	_ =	shalt  }
0x84: {  	_ =	shalt  }
0x85: {  	_ =	shalt  }
0x86: {  	_ =	shalt  }
0x87: {  	_ =	shalt  }
.Lfunc_end0:
.L_simem_size_0:
called_computation_lowered:
.L_overlay_start_0:
0x88: {  	s2 =	sld [smem:$0x3FD9]  }
0x89: {  	s3 =	sld [smem:$0x3FFE];
	_ =	sdelay $0x1  }
0x8a: {  	s1 =	srdreg.scid  }
0x8b: {  	s0 =	sand.u32 $0x1, s1  }
0x8c: {  	s18 =	sshll.u32 s0, $0xA;
	s2 =	sadd.s32 s3, s2  }
0x8d: {  	s2 =	sadd.s32 s2, s18  }
0x8e: {  	[smem:$0x3FC5] =	sst s2  }
0x8f: {  	_ = 	snop  }
0x90: {  	s2 =	sld [smem:$0x3FC7]  }
0x91: {  	s19 =	sld [smem:$0x3FD0];
	(tm) =	ssettm $0x1  }
0x92: {  	s4 =	sld [smem:$0x3FFB];
	_ =	sdelay $0x3  }
0x93: {  	_ =	strace s4  }
0x94: {  	s4 =	sld [smem:$0x3FFC];
	_ =	sdelay $0x3  }
0x95: {  	_ =	strace s4  }
0x96: {  	s4 =	sld [smem:$0x3FFD];
	_ =	sdelay $0x3  }
0x97: {  	_ =	strace s4  }
0x98: {  	_ =	strace $0x8FFFFFFF  }
0x99: {  	s20 =	sld [smem:$0x3FDB];
	_ =	sdelay $0x1  }
0x9a: {  	s5 =	simm.s32 $_scs_section_size  }
0x9b: {  	s6 =	simm.s32 $_size__tile_overlayer_lowered;
	s7 =	simm.s32 $_tile_overlayer_lowered  }
0x9c: {  	s23 =	simm.s32 $0x1BFF;
	s22 =	sshll.u32 s7, $0x1;
	s4 =	sadd.s32 s5, s20  }
0x9d: {  	s8 =	simm.s32 $0x0;
	s21 =	sshll.u32 s6, $0x1;
	s6 =	sadd.s32 s22, s4  }
0x9e: {  	[timem:s8], [sflag:s23] =	dma.local [hbm:s6], s21  }
0x9f: {  	_ =	swait.ge [sflag:s23], s21  }
0xa0: {  	s5 =	ssub.s32 $0x0, s21;
	[sflag:s23] =	ssyncset.done $0x0  }
0xa1: {  	[sflag:s23] =	ssyncadd.s32 s5;
	_ =	sdelay $0x1  }
0xa2: {  	s24 =	simm.s32 $0x1B8B  }
0xa3: {  	_ =	swait.ge [sflag:s24], $0x1  }
0xa4: {  	[sflag:s24] =	ssyncset.done $0x0  }
0xa5: {  	s25 =	simm.s32 $0x1B8E;
	[sflag:s24] =	ssyncadd.s32 $0xFFFFFFFF  }
0xa6: {  	s26 =	simm.s32 $execute0_lowered;
	[smem:$0x3FD2] =	sst s25  }
0xa7: {  	s5 =	sshll.u32 s26, $0x1;
	_ =	strace $0x80000046;
	[dreg:$0x1] =	wrdreg $0xFFFFFFFF  }
0xa8: {  	s28 =	simm.s32 $_size_execute0_lowered;
	s4 =	sadd.s32 s4, s5;
	[dreg:$0x0] =	wrdreg $0x0  }
0xa9: {  	s5 =	sshll.u32 s28, $0x1;
	[dreg:$0x2] =	wrdreg s4  }
0xaa: {  	[dreg:$0x3] =	wrdreg s5  }
0xab: {  	[dreg:$0x4] =	wrdreg $0xC0  }
0xac: {  	_ =	task [dreg:s8], $0x5FFFF  }
0xad: {  	[dreg:$0x1] =	wrdreg $0xFFFFFFFF  }
0xae: {  	[dreg:$0x0] =	wrdreg $0x60  }
0xaf: {  	[dreg:$0x2] =	wrdreg s2  }
0xb0: {  	[dreg:$0x3] =	wrdreg s19  }
0xb1: {  	[dreg:$0x4] =	wrdreg $0x9  }
0xb2: {  	_ =	task.clear_ibuf [dreg:s8], $0x5FFFF;
	_ =	strace $0x90000046  }
0xb3: {  	s29 =	simm.s32 $0x9;
	_ =	strace $0x80000048  }
0xb4: {  	_ =	swait.ge [sflag:s29], $0x1  }
0xb5: {  	[sflag:s29] =	ssyncadd.s32 $0xFFFFFFFF  }
0xb6: {  	_ =	strace $0x90000048  }
0xb7: {  	_ =	sfence  }
0xb8: {  	s30 =	sld [smem:$0x0];
	_ =	sdelay $0x2  }
0xb9: {  	s31 =	sshll.u32 s1, $0xD;
	s1 =	sshrl.u32 s1, $0x2  }
0xba: {  	s3 =	sand.u32 $0x4000, s31;
	s1 =	sadd.s32 s1, s30  }
0xbb: {  	s0 =	sor.u32 s3, s0;
	s1 =	sshll.u32 s1, $0x11  }
0xbc: {  	s0 =	sor.u32 s1, s0  }
0xbd: {  	s0 =	sadd.s32 $0x8F2B, s0  }
0xbe: {  	[sflag:s0] =	ssyncadd.remote.s32 $0x1  }
0xbf: {  	_ =	sfence.sel $0xFFFF  }
0xc0: {  	[dreg:$0x0] =	wrdreg $0xFFFFFFFF;
	(pc) =	sbr.abs _section_cstart, $3  }
0xc1: {  	[dreg:$0x1] =	wrdreg $0xFFFFFFFF  }
0xc2: {  	_ =	task.clear_ibuf [dreg:s8], $0x2FFFF;
	_ =	strace $0x9FFFFFFF  }
0xc3: {  	(tm) =	ssettm $0x7FFFFFFF  }
tec
execute0_lowered:
.L_overlay_start_1:
0x0: {  	(tag) =	ssettag $0x1  }
0x1: {  	s4 =	rddreg [dreg:$0x0]  }
0x2: {  	s1 =	rddreg [dreg:$0x1]  }
0x3: {  	s0 =	rddreg [dreg:$0x2];
	s3 =	simm.s32 $0x0;
	s5 =	srdreg.scid  }
0x4: {  	s2 =	stileid.u32;
	s13 =	simm.s32 $0x1;
	s14 =	simm.s32 $0x40  }
0x5: {  	s15 =	simm.s32 $0xC180;
	[smem:$0x7FF] =	sst s3;
	s7 =	sand.u32 $0x1, s5  }
0x6: {  	s26 =	sshll.u32 s2, $0x1;
	s8 =	sshrl.u32 s2, $0x2;
	s12 =	sand.u32 $0x3, s2  }
0x7: {  	_ =	strace $0x80000047;
	s6 =	ssub.s32 $0x2, s7;
	s5 =	sand.u32 $0x6, s26  }
0x8: {  	s10 =	sshll.u32 s8, $0x4;
	s29 =	sshll.u32 s8, $0xF;
	s8 =	sshll.u32 s8, $0xE  }
0x9: {  	s30 =	sshll.u32 s12, $0xD;
	s31 =	sshll.u32 s7, $0xC;
	s12 =	simm.s32 $0x2000  }
.Ltmp0:
0xa: {  	s9 =	sshrl.u32 s6, $0x1;
	s5 =	sor.u32 s7, s5;
	(pc) =	sbr.rel .LBB2_1-.Ltmp0, $4  }
0xb: {  	s4 =	sadd.s32 s4, s10;
	[dreg:$0x3] =	wrdreg s29;
	v2 =	vmov s8;
	s8 =	sor.u32 s31, s30  }
0xc: {  	v3 =	vimm.s32 $0x0;
	v4 =	vlaneseq.u32;
	v5 =	vimm.f32 $0.0e+00;
	s10 =	simm.s32 $0x200;
	s9 =	ssub.s32 s6, s9;
	s11 =	sshll.u32 s5, $0xC  }
0xd: {  	v6 =	vadd.s32 $0x1, v4;
	v7 =	vadd.s32 $0x2001, v4;
	s5 =	sadd.s32 $0x1000, s4;
	s6 =	sadd.s32 $0x200000, s1;
	v2 =	vadd.s32 $0xFFFFFFFF, v2;
	s28 =	sadd.s32 $0x1000, s11  }
0xe: {  	v0 =	vmov s11;
	s7 =	smax.u32 s9, $0x1;
	s9 =	simm.s32 $0x80;
	v2 =	vbroadcast v2, $0x0;
	s11 =	simm.s32 $0x2;
	v1 =	vmov s28  }
.LBB2_36:
0xf: {  	[sflag:s13] =	ssyncadd.s32 $0xFFFFE000  }
.LBB2_37:
0x10: {  	s3 =	sadd.s32 $0x1, s3  }
0x11: {  	p0 =	sne.s32 s3, s7  }
.Ltmp1:
0x12: {  	_ = 	snop;
	(pc) =	sbr.rel @!p0 .LBB2_38-.Ltmp1, $1  }
0x13: {  	_ =	sdelay $0x3  }
.LBB2_1:
0x14: {  	s16 =	simm.s32 $0x0;
	s17 =	simm.s32 $0x200  }
.LBB2_2:
0x15: {  	p0 =	sne.s32 s17, $0x3E00;
	[tilespmem:s16+$0x2070] =	vst v3  }
0x16: {  	[tilespmem:s16+$0x2000] =	vst v3  }
0x17: {  	[tilespmem:s16+$0x2010] =	vst v3  }
.Ltmp2:
0x18: {  	[tilespmem:s16+$0x2020] =	vst v3;
	(pc) =	sbr.rel @p0 .LBB2_2-.Ltmp2, $4  }
0x19: {  	[tilespmem:s16+$0x2030] =	vst v3  }
0x1a: {  	[tilespmem:s16+$0x2040] =	vst v3  }
0x1b: {  	[tilespmem:s16+$0x2050] =	vst v3  }
0x1c: {  	[tilespmem:s16+$0x2060] =	vst v3;
	s16 =	sshra.s32 s17, $0x2;
	s17 =	sadd.s32 $0x200, s17  }
0x1d: {  	[tilespmem:s16+$0x2070] =	vst v3  }
0x1e: {  	[tilespmem:s16+$0x2000] =	vst v3  }
0x1f: {  	[tilespmem:s16+$0x2010] =	vst v3  }
0x20: {  	[tilespmem:s16+$0x2020] =	vst v3  }
0x21: {  	[tilespmem:s16+$0x2030] =	vst v3  }
0x22: {  	[tilespmem:s16+$0x2040] =	vst v3  }
0x23: {  	[tilespmem:s16+$0x2050] =	vst v3  }
0x24: {  	[tilespmem:s16+$0x2060] =	vst v3;
	s16 =	simm.s32 $0x0;
	s17 =	simm.s32 $0x1000  }
.LBB2_4:
0x25: {  	p0 =	sne.s32 s17, $0x7000;
	[tilespmem:s16+$0xC570] =	vst v5  }
0x26: {  	[tilespmem:s16+$0xC180] =	vst v5  }
0x27: {  	[tilespmem:s16+$0xC190] =	vst v5  }
0x28: {  	[tilespmem:s16+$0xC1A0] =	vst v5  }
0x29: {  	[tilespmem:s16+$0xC1B0] =	vst v5  }
0x2a: {  	[tilespmem:s16+$0xC1C0] =	vst v5  }
0x2b: {  	[tilespmem:s16+$0xC1D0] =	vst v5  }
0x2c: {  	[tilespmem:s16+$0xC1E0] =	vst v5  }
0x2d: {  	[tilespmem:s16+$0xC1F0] =	vst v5  }
0x2e: {  	[tilespmem:s16+$0xC200] =	vst v5  }
0x2f: {  	[tilespmem:s16+$0xC210] =	vst v5  }
0x30: {  	[tilespmem:s16+$0xC220] =	vst v5  }
0x31: {  	[tilespmem:s16+$0xC230] =	vst v5  }
0x32: {  	[tilespmem:s16+$0xC240] =	vst v5  }
0x33: {  	[tilespmem:s16+$0xC250] =	vst v5  }
0x34: {  	[tilespmem:s16+$0xC260] =	vst v5  }
0x35: {  	[tilespmem:s16+$0xC270] =	vst v5  }
0x36: {  	[tilespmem:s16+$0xC280] =	vst v5  }
0x37: {  	[tilespmem:s16+$0xC290] =	vst v5  }
0x38: {  	[tilespmem:s16+$0xC2A0] =	vst v5  }
0x39: {  	[tilespmem:s16+$0xC2B0] =	vst v5  }
0x3a: {  	[tilespmem:s16+$0xC2C0] =	vst v5  }
0x3b: {  	[tilespmem:s16+$0xC2D0] =	vst v5  }
0x3c: {  	[tilespmem:s16+$0xC2E0] =	vst v5  }
0x3d: {  	[tilespmem:s16+$0xC2F0] =	vst v5  }
0x3e: {  	[tilespmem:s16+$0xC300] =	vst v5  }
0x3f: {  	[tilespmem:s16+$0xC310] =	vst v5  }
0x40: {  	[tilespmem:s16+$0xC320] =	vst v5  }
0x41: {  	[tilespmem:s16+$0xC330] =	vst v5  }
0x42: {  	[tilespmem:s16+$0xC340] =	vst v5  }
0x43: {  	[tilespmem:s16+$0xC350] =	vst v5  }
0x44: {  	[tilespmem:s16+$0xC360] =	vst v5  }
0x45: {  	[tilespmem:s16+$0xC370] =	vst v5  }
0x46: {  	[tilespmem:s16+$0xC380] =	vst v5  }
0x47: {  	[tilespmem:s16+$0xC390] =	vst v5  }
0x48: {  	[tilespmem:s16+$0xC3A0] =	vst v5  }
0x49: {  	[tilespmem:s16+$0xC3B0] =	vst v5  }
0x4a: {  	[tilespmem:s16+$0xC3C0] =	vst v5  }
0x4b: {  	[tilespmem:s16+$0xC3D0] =	vst v5  }
0x4c: {  	[tilespmem:s16+$0xC3E0] =	vst v5  }
0x4d: {  	[tilespmem:s16+$0xC3F0] =	vst v5  }
0x4e: {  	[tilespmem:s16+$0xC400] =	vst v5  }
0x4f: {  	[tilespmem:s16+$0xC410] =	vst v5  }
0x50: {  	[tilespmem:s16+$0xC420] =	vst v5  }
0x51: {  	[tilespmem:s16+$0xC430] =	vst v5  }
0x52: {  	[tilespmem:s16+$0xC440] =	vst v5  }
0x53: {  	[tilespmem:s16+$0xC450] =	vst v5  }
0x54: {  	[tilespmem:s16+$0xC460] =	vst v5  }
0x55: {  	[tilespmem:s16+$0xC470] =	vst v5  }
0x56: {  	[tilespmem:s16+$0xC480] =	vst v5  }
0x57: {  	[tilespmem:s16+$0xC490] =	vst v5  }
0x58: {  	[tilespmem:s16+$0xC4A0] =	vst v5  }
0x59: {  	[tilespmem:s16+$0xC4B0] =	vst v5  }
0x5a: {  	[tilespmem:s16+$0xC4C0] =	vst v5  }
0x5b: {  	[tilespmem:s16+$0xC4D0] =	vst v5  }
0x5c: {  	[tilespmem:s16+$0xC4E0] =	vst v5  }
0x5d: {  	[tilespmem:s16+$0xC4F0] =	vst v5  }
0x5e: {  	[tilespmem:s16+$0xC500] =	vst v5  }
0x5f: {  	[tilespmem:s16+$0xC510] =	vst v5  }
.Ltmp3:
0x60: {  	[tilespmem:s16+$0xC520] =	vst v5;
	(pc) =	sbr.rel @p0 .LBB2_4-.Ltmp3, $4  }
0x61: {  	[tilespmem:s16+$0xC530] =	vst v5  }
0x62: {  	[tilespmem:s16+$0xC540] =	vst v5  }
0x63: {  	[tilespmem:s16+$0xC550] =	vst v5  }
0x64: {  	[tilespmem:s16+$0xC560] =	vst v5;
	s16 =	sshra.s32 s17, $0x2;
	s17 =	sadd.s32 $0x1000, s17  }
0x65: {  	[tilespmem:s16+$0xC570] =	vst v5  }
0x66: {  	[tilespmem:s16+$0xC180] =	vst v5  }
0x67: {  	[tilespmem:s16+$0xC190] =	vst v5  }
0x68: {  	[tilespmem:s16+$0xC1A0] =	vst v5  }
0x69: {  	[tilespmem:s16+$0xC1B0] =	vst v5  }
0x6a: {  	[tilespmem:s16+$0xC1C0] =	vst v5  }
0x6b: {  	[tilespmem:s16+$0xC1D0] =	vst v5  }
0x6c: {  	[tilespmem:s16+$0xC1E0] =	vst v5  }
0x6d: {  	[tilespmem:s16+$0xC1F0] =	vst v5  }
0x6e: {  	[tilespmem:s16+$0xC200] =	vst v5  }
0x6f: {  	[tilespmem:s16+$0xC210] =	vst v5  }
0x70: {  	[tilespmem:s16+$0xC220] =	vst v5  }
0x71: {  	[tilespmem:s16+$0xC230] =	vst v5  }
0x72: {  	[tilespmem:s16+$0xC240] =	vst v5  }
0x73: {  	[tilespmem:s16+$0xC250] =	vst v5  }
0x74: {  	[tilespmem:s16+$0xC260] =	vst v5  }
0x75: {  	[tilespmem:s16+$0xC270] =	vst v5  }
0x76: {  	[tilespmem:s16+$0xC280] =	vst v5  }
0x77: {  	[tilespmem:s16+$0xC290] =	vst v5  }
0x78: {  	[tilespmem:s16+$0xC2A0] =	vst v5  }
0x79: {  	[tilespmem:s16+$0xC2B0] =	vst v5  }
0x7a: {  	[tilespmem:s16+$0xC2C0] =	vst v5  }
0x7b: {  	[tilespmem:s16+$0xC2D0] =	vst v5  }
0x7c: {  	[tilespmem:s16+$0xC2E0] =	vst v5  }
0x7d: {  	[tilespmem:s16+$0xC2F0] =	vst v5  }
0x7e: {  	[tilespmem:s16+$0xC300] =	vst v5  }
0x7f: {  	[tilespmem:s16+$0xC310] =	vst v5  }
0x80: {  	[tilespmem:s16+$0xC320] =	vst v5  }
0x81: {  	[tilespmem:s16+$0xC330] =	vst v5  }
0x82: {  	[tilespmem:s16+$0xC340] =	vst v5  }
0x83: {  	[tilespmem:s16+$0xC350] =	vst v5  }
0x84: {  	[tilespmem:s16+$0xC360] =	vst v5  }
0x85: {  	[tilespmem:s16+$0xC370] =	vst v5  }
0x86: {  	[tilespmem:s16+$0xC380] =	vst v5  }
0x87: {  	[tilespmem:s16+$0xC390] =	vst v5  }
0x88: {  	[tilespmem:s16+$0xC3A0] =	vst v5  }
0x89: {  	[tilespmem:s16+$0xC3B0] =	vst v5  }
0x8a: {  	[tilespmem:s16+$0xC3C0] =	vst v5  }
0x8b: {  	[tilespmem:s16+$0xC3D0] =	vst v5  }
0x8c: {  	[tilespmem:s16+$0xC3E0] =	vst v5  }
0x8d: {  	[tilespmem:s16+$0xC3F0] =	vst v5  }
0x8e: {  	[tilespmem:s16+$0xC400] =	vst v5  }
0x8f: {  	[tilespmem:s16+$0xC410] =	vst v5  }
0x90: {  	[tilespmem:s16+$0xC420] =	vst v5  }
0x91: {  	[tilespmem:s16+$0xC430] =	vst v5  }
0x92: {  	[tilespmem:s16+$0xC440] =	vst v5  }
0x93: {  	[tilespmem:s16+$0xC450] =	vst v5  }
0x94: {  	[tilespmem:s16+$0xC460] =	vst v5  }
0x95: {  	[tilespmem:s16+$0xC470] =	vst v5  }
0x96: {  	[tilespmem:s16+$0xC480] =	vst v5  }
0x97: {  	[tilespmem:s16+$0xC490] =	vst v5  }
0x98: {  	[tilespmem:s16+$0xC4A0] =	vst v5  }
0x99: {  	[tilespmem:s16+$0xC4B0] =	vst v5  }
0x9a: {  	[tilespmem:s16+$0xC4C0] =	vst v5  }
0x9b: {  	[tilespmem:s16+$0xC4D0] =	vst v5  }
0x9c: {  	[tilespmem:s16+$0xC4E0] =	vst v5  }
0x9d: {  	[tilespmem:s16+$0xC4F0] =	vst v5  }
0x9e: {  	[tilespmem:s16+$0xC500] =	vst v5  }
0x9f: {  	[tilespmem:s16+$0xC510] =	vst v5  }
0xa0: {  	[tilespmem:s16+$0xC520] =	vst v5  }
0xa1: {  	[tilespmem:s16+$0xC530] =	vst v5  }
0xa2: {  	[tilespmem:s16+$0xC540] =	vst v5  }
0xa3: {  	[tilespmem:s16+$0xC550] =	vst v5  }
0xa4: {  	[tilespmem:s16+$0xC560] =	vst v5;
	s16 =	simm.s32 $0x0  }
0xa5: {  	[tilespmem:s16], [sflag:$0x2] =	stream.strided.gather [hbm4b:s4+s9], $0x2000, s10, s9, $0x38;
	[tilespmem:$0xE180] =	vst v63  }
0xa6: {  	_ =	swait.ge [sflag:s11], $0x2000  }
0xa7: {  	[sflag:s11] =	ssyncset.done $0x0  }
0xa8: {  	s17 =	simm.s32 $0x20;
	[sflag:s11] =	ssyncadd.s32 $0xFFFFE000  }
.LBB2_6:
0xa9: {  	v8 =	vld [tilespmem:s17+$0xFFFFFFE0];
	_ =	sdelay $0x4  }
0xaa: {  	vm0 =	vge.s32 v8, v0;
	vm1 =	vlt.s32 v8, v1;
	v9 =	vsub.s32 v8, v0  }
0xab: {  	v8 =	vand.u32 $0x7F, v8;
	vm0 =	vmand vm0, vm1;
	v9 =	vand.u32 $0xFFFFFF80, v9  }
0xac: {  	v8 =	vor.u32 v8, v9;
	_ =	sdelay $0x3  }
0xad: {  	v57 =	vor.u32 s16, v6  }
0xae: {  	[tilespmem:v8+s12+$0x0] =	vst.idx.msk vm0, v57  }
0xaf: {  	v8 =	vld [tilespmem:s17+$0xFFFFFFF0];
	_ =	sdelay $0x4  }
0xb0: {  	vm10 =	vge.s32 v8, v0;
	vm11 =	vlt.s32 v8, v1;
	v58 =	vsub.s32 v8, v0  }
0xb1: {  	v8 =	vand.u32 $0x7F, v8;
	vm0 =	vmand vm10, vm11;
	v9 =	vand.u32 $0xFFFFFF80, v58  }
0xb2: {  	v8 =	vor.u32 v8, v9;
	_ =	sdelay $0x2  }
0xb3: {  	s18 =	sadd.s32 $0x10, s16  }
0xb4: {  	v59 =	vadd.s32 s18, v6  }
0xb5: {  	[tilespmem:v8+s12+$0x0] =	vst.idx.msk vm0, v59  }
0xb6: {  	v8 =	vld [tilespmem:s17+$0x0];
	_ =	sdelay $0x4  }
0xb7: {  	vm12 =	vge.s32 v8, v0;
	vm13 =	vlt.s32 v8, v1;
	v60 =	vsub.s32 v8, v0  }
0xb8: {  	v8 =	vand.u32 $0x7F, v8;
	vm0 =	vmand vm12, vm13;
	v9 =	vand.u32 $0xFFFFFF80, v60  }
0xb9: {  	v8 =	vor.u32 v8, v9;
	_ =	sdelay $0x2  }
0xba: {  	s30 =	sadd.s32 $0x20, s16  }
0xbb: {  	v61 =	vor.u32 s30, v6  }
0xbc: {  	[tilespmem:v8+s12+$0x0] =	vst.idx.msk vm0, v61  }
0xbd: {  	v8 =	vld [tilespmem:s17+$0x10];
	_ =	sdelay $0x4  }
0xbe: {  	vm14 =	vge.s32 v8, v0;
	vm15 =	vlt.s32 v8, v1;
	v62 =	vsub.s32 v8, v0  }
0xbf: {  	v8 =	vand.u32 $0x7F, v8;
	vm0 =	vmand vm14, vm15;
	v9 =	vand.u32 $0xFFFFFF80, v62  }
0xc0: {  	p0 =	sne.s32 s16, $0x1FC0;
	v8 =	vor.u32 v8, v9  }
.Ltmp4:
0xc1: {  	_ = 	snop;
	(pc) =	sbr.rel @p0 .LBB2_6-.Ltmp4, $4  }
0xc2: {  	_ = 	snop  }
0xc3: {  	s31 =	sadd.s32 $0x30, s16  }
0xc4: {  	v63 =	vadd.s32 s31, v6  }
0xc5: {  	s16 =	sadd.s32 $0x40, s16;
	s17 =	sadd.s32 $0x40, s17;
	[tilespmem:v8+s12+$0x0] =	vst.idx.msk vm0, v63  }
0xc6: {  	s16 =	simm.s32 $0x0  }
0xc7: {  	[tilespmem:s16], [sflag:$0x2] =	stream.strided.gather [hbm4b:s5+s9], $0x2000, s10, s9, $0x38;
	[tilespmem:$0xE180] =	vst v63  }
0xc8: {  	_ =	swait.ge [sflag:s11], $0x2000  }
0xc9: {  	[sflag:s11] =	ssyncset.done $0x0  }
0xca: {  	s17 =	simm.s32 $0x20;
	s18 =	simm.s32 $0x0;
	[sflag:s11] =	ssyncadd.s32 $0xFFFFE000  }
.LBB2_8:
0xcb: {  	v8 =	vld [tilespmem:s17+$0xFFFFFFE0];
	_ =	sdelay $0x4  }
0xcc: {  	vm0 =	vge.s32 v8, v0;
	vm1 =	vlt.s32 v8, v1;
	v9 =	vsub.s32 v8, v0  }
0xcd: {  	v8 =	vand.u32 $0x7F, v8;
	vm0 =	vmand vm0, vm1;
	v9 =	vand.u32 $0xFFFFFF80, v9  }
0xce: {  	v8 =	vor.u32 v8, v9;
	_ =	sdelay $0x3  }
0xcf: {  	v57 =	vor.u32 s18, v7  }
0xd0: {  	[tilespmem:v8+s12+$0x0] =	vst.idx.msk vm0, v57  }
0xd1: {  	v8 =	vld [tilespmem:s17+$0xFFFFFFF0];
	_ =	sdelay $0x4  }
0xd2: {  	vm10 =	vge.s32 v8, v0;
	vm11 =	vlt.s32 v8, v1;
	v58 =	vsub.s32 v8, v0  }
0xd3: {  	v8 =	vand.u32 $0x7F, v8;
	vm0 =	vmand vm10, vm11;
	v9 =	vand.u32 $0xFFFFFF80, v58  }
0xd4: {  	v8 =	vor.u32 v8, v9;
	_ =	sdelay $0x2  }
0xd5: {  	s19 =	sadd.s32 $0x10, s18  }
0xd6: {  	v59 =	vadd.s32 s19, v7  }
0xd7: {  	[tilespmem:v8+s12+$0x0] =	vst.idx.msk vm0, v59  }
0xd8: {  	v8 =	vld [tilespmem:s17+$0x0];
	_ =	sdelay $0x4  }
0xd9: {  	vm12 =	vge.s32 v8, v0;
	vm13 =	vlt.s32 v8, v1;
	v60 =	vsub.s32 v8, v0  }
0xda: {  	v8 =	vand.u32 $0x7F, v8;
	vm0 =	vmand vm12, vm13;
	v9 =	vand.u32 $0xFFFFFF80, v60  }
0xdb: {  	v8 =	vor.u32 v8, v9;
	_ =	sdelay $0x2  }
0xdc: {  	s30 =	sadd.s32 $0x20, s18  }
0xdd: {  	v61 =	vor.u32 s30, v7  }
0xde: {  	[tilespmem:v8+s12+$0x0] =	vst.idx.msk vm0, v61  }
0xdf: {  	v8 =	vld [tilespmem:s17+$0x10];
	_ =	sdelay $0x4  }
0xe0: {  	vm14 =	vge.s32 v8, v0;
	vm15 =	vlt.s32 v8, v1;
	v62 =	vsub.s32 v8, v0  }
0xe1: {  	v8 =	vand.u32 $0x7F, v8;
	vm0 =	vmand vm14, vm15;
	v9 =	vand.u32 $0xFFFFFF80, v62  }
0xe2: {  	p0 =	sne.s32 s18, $0x1FC0;
	v8 =	vor.u32 v8, v9  }
.Ltmp5:
0xe3: {  	_ = 	snop;
	(pc) =	sbr.rel @p0 .LBB2_8-.Ltmp5, $4  }
0xe4: {  	_ = 	snop  }
0xe5: {  	s31 =	sadd.s32 $0x30, s18  }
0xe6: {  	v63 =	vadd.s32 s31, v7  }
0xe7: {  	s18 =	sadd.s32 $0x40, s18;
	s17 =	sadd.s32 $0x40, s17;
	[tilespmem:v8+s12+$0x0] =	vst.idx.msk vm0, v63  }
0xe8: {  	s17 =	simm.s32 $0x0  }
0xe9: {  	v8 =	vld [tilespmem:s17+$0x2000];
	_ =	sdelay $0x4  }
0xea: {  	vm0 =	vne.s32 v8, $0x0  }
0xeb: {  	v9 =	vsel vm0, $0x1, v3  }
0xec: {  	(xrf0) =	vadd.scan.msk.s32 $0xffff, v9;
	_ =	sdelay $0x5  }
0xed: {  	v9, _, _ =	vpop (xrf0)  }
0xee: {  	(v2sf) =	vpush v9, $0xF;
	_ =	sdelay $0xe  }
0xef: {  	s18 =	spop (v2sf)  }
0xf0: {  	s19 =	sand.u32 $0x3F, s16;
	p0 =	por $0x1, $0x1;
	s29 =	ssub.s32 $0x0, s18  }
0xf1: {  	s20 =	rddreg [dreg:$0x3];
	s21 =	simm.s32 $0x1;
	s17 =	sadd.s32 $0x10, s29  }
0xf2: {  	s22 =	simm.s32 $0x1;
	p1 =	sne.s32 s19, $0x0;
	s30 =	sand.u32 $0x3F, s17  }
0xf3: {  	p6 =	slt.s32 s17, $0x1;
	s31 =	sshra.s32 s17, $0x1F;
	p2 =	sne.s32 s30, $0x0  }
0xf4: {  	p0 =	por !p0, !p1;
	s23 =	sshrl.u32 s31, $0x1A;
	p1 =	por !p6, !p2  }
0xf5: {  	p2 =	por !p0, !p0;
	s19 =	sadd.s32 s23, s17;
	p0 =	por !p1, !p1  }
0xf6: {  	s21 =	simm.s32 @!p2 $0x0;
	s19 =	sshra.s32 s19, $0x6;
	s22 =	simm.s32 @!p0 $0x0  }
0xf7: {  	s20 =	sor.u32 s20, s8;
	v9 =	vadd.s32 v2, v8;
	s21 =	ssub.s32 $0x0, s21;
	s19 =	ssub.s32 s19, s22  }
0xf8: {  	v10 =	vor.u32 s20, v4;
	[tilespmem:s16+$0x3000] =	vst.msk vm0, v9;
	p2 =	sle.s32 s19, s21  }
0xf9: {  	vm1 =	veq.s32 v8, $0x0;
	[tilespmem:s16+$0x4080] =	vst.msk vm0, v10;
	s19 =	sshll.u32 @!p2 s21, $0x8  }
0xfa: {  	[tilespmem:s16+$0x5100] =	vst.msk vm1, v10;
	s19 =	sshra.s32 @!p2 s19, $0x2  }
0xfb: {  	v8 =	vld @!p2 [tilespmem:s19+$0x5100];
	_ =	sdelay $0x2  }
0xfc: {  	s16 =	sshll.u32 @!p2 s21, $0x9  }
0xfd: {  	s25 =	sshra.s32 @!p2 s16, $0x2  }
0xfe: {  	[tilespmem:s25+$0xA180] =	vst @!p2 v8  }
0xff: {  	v8 =	vld @!p2 [tilespmem:s19+$0x5110];
	_ =	sdelay $0x4  }
0x100: {  	[tilespmem:s25+$0xA190] =	vst @!p2 v8  }
0x101: {  	v8 =	vld @!p2 [tilespmem:s19+$0x5120];
	_ =	sdelay $0x4  }
0x102: {  	s22 =	simm.s32 $0x80;
	s21 =	simm.s32 $0x40;
	s16 =	sadd.s32 $0x0, s18;
	[tilespmem:s25+$0xA1A0] =	vst @!p2 v8  }
0x103: {  	s18 =	smov.u32 s8;
	s20 =	smov.u32 s16;
	v8 =	vld @!p2 [tilespmem:s19+$0x5130];
	s19 =	smov.u32 s17  }
.LBB2_10:
0x104: {  	_ =	sdelay $0x3  }
0x105: {  	s26 =	sadd.s32 @!p2 $0xA180, s25;
	s28 =	simm.s32 @!p2 $0xC180;
	[tilespmem:s25+$0xA1B0] =	vst @!p2 v8;
	s25 =	simm.s32 @!p2 $0x40  }
0x106: {  	[hbm4b:s1+s25] =	stream.indirect.scatter @!p2 [tilespmem:s28], [sflag:$0x1], $0x80, s26, s25, $0xb8;
	[tilespmem:$0xE180] =	vst v63  }
0x107: {  	s29 =	sshra.s32 s21, $0x2  }
0x108: {  	[hbm4b:s6+s25] =	stream.indirect.scatter @!p2 [tilespmem:s28], [sflag:$0x1], $0x80, s26, s25, $0xb8;
	[tilespmem:$0xE180] =	vst v63  }
0x109: {  	v8 =	vld [tilespmem:s29+$0x2000];
	_ =	sdelay $0x4  }
0x10a: {  	vm0 =	vne.s32 v8, $0x0  }
0x10b: {  	v9 =	vsel vm0, $0x1, v3  }
0x10c: {  	(xrf0) =	vadd.scan.msk.s32 $0xffff, v9;
	_ =	sdelay $0x5  }
0x10d: {  	v9, _, _ =	vpop (xrf0)  }
0x10e: {  	(v2sf) =	vpush v9, $0xF;
	_ =	sdelay $0xd  }
0x10f: {  	s18 =	sadd.s32 $0x10, s18  }
0x110: {  	s24 =	smov.u32 s22;
	s23 =	sadd.s32 s23, s17;
	s28 =	spop (v2sf)  }
0x111: {  	s21 =	smov.u32 s24;
	s23 =	sshra.s32 s23, $0x6;
	s29 =	ssub.s32 s17, s28  }
0x112: {  	s26 =	rddreg [dreg:$0x3];
	s25 =	simm.s32 $0x1;
	s17 =	sadd.s32 $0x10, s29  }
0x113: {  	s25 =	simm.s32 @!p0 $0x0;
	s24 =	sor.u32 s26, s18;
	v9 =	vadd.s32 v2, v8;
	s30 =	sand.u32 $0x3F, s17  }
0x114: {  	v10 =	vor.u32 s24, v4;
	[tilespmem:s20+$0x3000] =	vst.msk vm0, v9;
	p5 =	slt.s32 s17, $0x1;
	s31 =	sshra.s32 s17, $0x1F;
	p6 =	sne.s32 s30, $0x0  }
0x115: {  	s25 =	ssub.s32 s23, s25;
	vm1 =	veq.s32 v8, $0x0;
	[tilespmem:s20+$0x4080] =	vst.msk vm0, v10;
	s23 =	sshrl.u32 s31, $0x1A;
	p0 =	por !p5, !p6  }
0x116: {  	s20 =	simm.s32 $0x1;
	[tilespmem:s19+$0x5100] =	vst.msk vm1, v10;
	s19 =	sadd.s32 s23, s17;
	p0 =	por !p0, !p0  }
0x117: {  	s19 =	sshra.s32 s19, $0x6;
	s20 =	simm.s32 @!p0 $0x0  }
0x118: {  	s24 =	ssub.s32 s19, s20  }
0x119: {  	p2 =	sle.s32 s24, s25  }
0x11a: {  	s26 =	sshll.u32 @!p2 s25, $0x8  }
0x11b: {  	s26 =	sshra.s32 @!p2 s26, $0x2  }
0x11c: {  	v8 =	vld @!p2 [tilespmem:s26+$0x5100];
	_ =	sdelay $0x2  }
0x11d: {  	s25 =	sshll.u32 @!p2 s25, $0x9  }
0x11e: {  	s25 =	sshra.s32 @!p2 s25, $0x2  }
0x11f: {  	[tilespmem:s25+$0xA180] =	vst @!p2 v8  }
0x120: {  	v8 =	vld @!p2 [tilespmem:s26+$0x5110];
	_ =	sdelay $0x4  }
0x121: {  	[tilespmem:s25+$0xA190] =	vst @!p2 v8  }
0x122: {  	s22 =	sadd.s32 $0x40, s22;
	v8 =	vld @!p2 [tilespmem:s26+$0x5120]  }
0x123: {  	p1 =	sne.s32 s22, $0x4000  }
.Ltmp6:
0x124: {  	_ = 	snop;
	(pc) =	sbr.rel @p1 .LBB2_10-.Ltmp6, $3  }
0x125: {  	_ =	sdelay $0x1  }
0x126: {  	s16 =	sadd.s32 s16, s28;
	[tilespmem:s25+$0xA1A0] =	vst @!p2 v8  }
0x127: {  	s20 =	smov.u32 s16;
	s19 =	smov.u32 s17;
	v8 =	vld @!p2 [tilespmem:s26+$0x5130]  }
0x128: {  	_ =	sdelay $0x3  }
0x129: {  	s22 =	sadd.s32 @!p2 $0xA180, s25;
	s23 =	simm.s32 @!p2 $0x40;
	[tilespmem:s25+$0xA1B0] =	vst @!p2 v8;
	s25 =	simm.s32 @!p2 $0xC180  }
0x12a: {  	[hbm4b:s1+s23] =	stream.indirect.scatter @!p2 [tilespmem:s25], [sflag:$0x1], $0x80, s22, s23, $0xb8;
	[tilespmem:$0xE180] =	vst v63  }
0x12b: {  	s21 =	sshra.s32 s21, $0x2  }
0x12c: {  	[hbm4b:s6+s23] =	stream.indirect.scatter @!p2 [tilespmem:s25], [sflag:$0x1], $0x80, s22, s23, $0xb8;
	[tilespmem:$0xE180] =	vst v63  }
0x12d: {  	v8 =	vld [tilespmem:s21+$0x2000];
	_ =	sdelay $0x4  }
0x12e: {  	vm0 =	vne.s32 v8, $0x0  }
0x12f: {  	v9 =	vsel vm0, $0x1, v3  }
0x130: {  	(xrf0) =	vadd.scan.msk.s32 $0xffff, v9;
	_ =	sdelay $0x5  }
0x131: {  	v9, _, _ =	vpop (xrf0)  }
0x132: {  	(v2sf) =	vpush v9, $0xF;
	_ =	sdelay $0xe  }
0x133: {  	s23 =	spop (v2sf)  }
0x134: {  	s22 =	ssub.s32 s17, s23  }
0x135: {  	s17 =	sadd.s32 $0x10, s22  }
0x136: {  	s21 =	sand.u32 $0x3F, s17  }
0x137: {  	p0 =	slt.s32 s17, $0x1;
	s29 =	sshra.s32 s17, $0x1F;
	p1 =	sne.s32 s21, $0x0  }
0x138: {  	s26 =	rddreg [dreg:$0x3];
	s25 =	sshrl.u32 s29, $0x1A;
	p1 =	por !p0, !p1  }
0x139: {  	s28 =	simm.s32 $0x1;
	s25 =	sadd.s32 s25, s17;
	p1 =	por !p1, !p1  }
0x13a: {  	s29 =	sadd.s32 $0x10, s18;
	s18 =	sshra.s32 s25, $0x6;
	s28 =	simm.s32 @!p1 $0x0  }
0x13b: {  	v63 =	vadd.s32 v2, v8;
	s30 =	sor.u32 s26, s29;
	s31 =	ssub.s32 s18, s28  }
0x13c: {  	[tilespmem:s20+$0x3000] =	vst.msk vm0, v63;
	v10 =	vor.u32 s30, v4;
	p1 =	sle.s32 s31, s24  }
0x13d: {  	vm1 =	veq.s32 v8, $0x0;
	[tilespmem:s20+$0x4080] =	vst.msk vm0, v10;
	s20 =	sshll.u32 @!p1 s24, $0x8  }
0x13e: {  	[tilespmem:s19+$0x5100] =	vst.msk vm1, v10;
	s19 =	sshra.s32 @!p1 s20, $0x2  }
0x13f: {  	v8 =	vld @!p1 [tilespmem:s19+$0x5100];
	_ =	sdelay $0x2  }
0x140: {  	s20 =	sshll.u32 @!p1 s24, $0x9  }
0x141: {  	s20 =	sshra.s32 @!p1 s20, $0x2  }
0x142: {  	[tilespmem:s20+$0xA180] =	vst @!p1 v8  }
0x143: {  	v8 =	vld @!p1 [tilespmem:s19+$0x5110];
	_ =	sdelay $0x4  }
0x144: {  	[tilespmem:s20+$0xA190] =	vst @!p1 v8  }
0x145: {  	v8 =	vld @!p1 [tilespmem:s19+$0x5120];
	_ =	sdelay $0x4  }
0x146: {  	[tilespmem:s20+$0xA1A0] =	vst @!p1 v8  }
0x147: {  	v8 =	vld @!p1 [tilespmem:s19+$0x5130];
	_ =	sdelay $0x4  }
0x148: {  	s24 =	simm.s32 @!p1 $0xC180;
	s19 =	sadd.s32 @!p1 $0xA180, s20;
	[tilespmem:s20+$0xA1B0] =	vst @!p1 v8;
	s20 =	simm.s32 @!p1 $0x40  }
0x149: {  	[hbm4b:s1+s20] =	stream.indirect.scatter @!p1 [tilespmem:s24], [sflag:$0x1], $0x80, s19, s20, $0xb8;
	[tilespmem:$0xE180] =	vst v63  }
0x14a: {  	s16 =	sadd.s32 s16, s23  }
0x14b: {  	[hbm4b:s6+s20] =	stream.indirect.scatter @!p1 [tilespmem:s24], [sflag:$0x1], $0x80, s19, s20, $0xb8;
	[tilespmem:$0xE180] =	vst v63  }
0x14c: {  	s24 =	sadd.s32 $0x3F, s16  }
0x14d: {  	s25 =	sand.u32 $0x3F, s24  }
0x14e: {  	s26 =	sshra.s32 s24, $0x1F;
	p3 =	slt.s32 s24, $0x1;
	p4 =	sne.s32 s25, $0x0  }
0x14f: {  	s28 =	sshrl.u32 s26, $0x1A;
	p1 =	por !p3, !p4  }
0x150: {  	s20 =	simm.s32 $0x1;
	s19 =	sadd.s32 s28, s24;
	p1 =	por !p1, !p1  }
0x151: {  	s19 =	sshra.s32 s19, $0x6;
	s20 =	simm.s32 @!p1 $0x0  }
0x152: {  	s19 =	ssub.s32 s19, s20  }
0x153: {  	s20 =	sshll.u32 s19, $0x6  }
0x154: {  	s20 =	ssub.s32 s20, s16  }
0x155: {  	s20 =	sadd.s32 $0xF, s20  }
0x156: {  	s29 =	sand.u32 $0xF, s20  }
0x157: {  	s30 =	sshra.s32 s20, $0x1F;
	p5 =	slt.s32 s20, $0x1;
	p6 =	sne.s32 s29, $0x0  }
0x158: {  	s31 =	sshrl.u32 s30, $0x1C;
	p1 =	por !p5, !p6  }
0x159: {  	s23 =	simm.s32 $0x1;
	s20 =	sadd.s32 s31, s20;
	p1 =	por !p1, !p1  }
0x15a: {  	s20 =	sshra.s32 s20, $0x4;
	s23 =	simm.s32 @!p1 $0x0  }
0x15b: {  	s20 =	ssub.s32 s20, s23  }
0x15c: {  	p1 =	slt.s32 s20, $0x1  }
.Ltmp7:
0x15d: {  	_ = 	snop;
	(pc) =	sbr.rel @p1 .LBB2_16-.Ltmp7, $1  }
0x15e: {  	_ =	sdelay $0x3  }
0x15f: {  	v8 =	vld [tilespmem:$0x3000];
	_ =	sdelay $0x1  }
0x160: {  	p1 =	seq.s32 s20, $0x1  }
.Ltmp8:
0x161: {  	_ = 	snop;
	(pc) =	sbr.rel @p1 .LBB2_14-.Ltmp8, $4  }
0x162: {  	_ = 	snop  }
0x163: {  	v8 =	vperm.xlane v8, v3  }
0x164: {  	s23 =	sadd.s32 $0x3000, s16  }
0x165: {  	s24 =	sadd.s32 $0xFFFFFFFF, s20;
	[tilespmem:s23+$0x0] =	vst v8  }
.LBB2_13:
0x166: {  	p1 =	seq.s32 s24, $0x1  }
.Ltmp9:
0x167: {  	_ = 	snop;
	(pc) =	sbr.rel @!p1 .LBB2_13-.Ltmp9, $3  }
0x168: {  	_ =	sdelay $0x1  }
0x169: {  	s24 =	sadd.s32 $0xFFFFFFFF, s24;
	s23 =	sadd.s32 $0x10, s23  }
0x16a: {  	[tilespmem:s23+$0x0] =	vst v8  }
.LBB2_14:
0x16b: {  	v8 =	vld [tilespmem:$0x4080];
	_ =	sdelay $0x1  }
0x16c: {  	p1 =	sne.s32 s20, $0x1  }
.Ltmp10:
0x16d: {  	_ = 	snop;
	(pc) =	sbr.rel @!p1 .LBB2_16-.Ltmp10, $4  }
0x16e: {  	_ = 	snop  }
0x16f: {  	v8 =	vperm.xlane v8, v3  }
0x170: {  	s16 =	sadd.s32 $0x4080, s16  }
0x171: {  	s20 =	sadd.s32 $0xFFFFFFFF, s20;
	[tilespmem:s16+$0x0] =	vst v8  }
.LBB2_15:
0x172: {  	p1 =	sne.s32 s20, $0x1  }
.Ltmp11:
0x173: {  	_ = 	snop;
	(pc) =	sbr.rel @p1 .LBB2_15-.Ltmp11, $3  }
0x174: {  	_ =	sdelay $0x1  }
0x175: {  	s20 =	sadd.s32 $0xFFFFFFFF, s20;
	s16 =	sadd.s32 $0x10, s16  }
0x176: {  	[tilespmem:s16+$0x0] =	vst v8  }
.LBB2_16:
0x177: {  	s16 =	sadd.s32 $0x4F, s22  }
0x178: {  	s20 =	sand.u32 $0x3F, s16  }
0x179: {  	s22 =	sshra.s32 s16, $0x1F;
	p1 =	slt.s32 s16, $0x1;
	p2 =	sne.s32 s20, $0x0  }
0x17a: {  	s31 =	sshrl.u32 s22, $0x1A;
	p1 =	por !p1, !p2  }
0x17b: {  	s20 =	simm.s32 $0x1;
	s16 =	sadd.s32 s31, s16;
	p1 =	por !p1, !p1  }
0x17c: {  	s16 =	sshra.s32 s16, $0x6;
	s20 =	simm.s32 @!p1 $0x0  }
0x17d: {  	s16 =	ssub.s32 s16, s20  }
0x17e: {  	s22 =	sand.u32 $0xFFFFFFC0, s17;
	p1 =	seq.s32 s21, $0x0;
	s20 =	sshll.u32 s16, $0x6  }
0x17f: {  	p2 =	sle.s32 @!p1 s20, s22  }
0x180: {  	p1 =	por p1, p2  }
.Ltmp12:
0x181: {  	_ = 	snop;
	(pc) =	sbr.rel @p1 .LBB2_21-.Ltmp12, $1  }
0x182: {  	_ =	sdelay $0x3  }
0x183: {  	s20 =	ssub.s32 s20, s17  }
0x184: {  	s20 =	sadd.s32 $0xF, s20  }
0x185: {  	s21 =	sand.u32 $0xF, s20  }
0x186: {  	s22 =	sshra.s32 s20, $0x1F;
	p1 =	slt.s32 s20, $0x1;
	p2 =	sne.s32 s21, $0x0  }
0x187: {  	s31 =	sshrl.u32 s22, $0x1C;
	p1 =	por !p1, !p2  }
0x188: {  	s21 =	simm.s32 $0x1;
	s20 =	sadd.s32 s31, s20;
	p1 =	por !p1, !p1  }
0x189: {  	s20 =	sshra.s32 s20, $0x4;
	s21 =	simm.s32 @!p1 $0x0  }
0x18a: {  	s21 =	ssub.s32 s20, s21  }
0x18b: {  	p1 =	slt.s32 s21, $0x1  }
.Ltmp13:
0x18c: {  	_ = 	snop;
	(pc) =	sbr.rel @p1 .LBB2_20-.Ltmp13, $1  }
0x18d: {  	_ =	sdelay $0x3  }
0x18e: {  	v8 =	vld [tilespmem:$0x5100];
	_ =	sdelay $0x1  }
0x18f: {  	p1 =	sne.s32 s21, $0x1  }
.Ltmp14:
0x190: {  	_ = 	snop;
	(pc) =	sbr.rel @!p1 .LBB2_20-.Ltmp14, $4  }
0x191: {  	_ = 	snop  }
0x192: {  	v8 =	vperm.xlane v8, v3  }
0x193: {  	s20 =	sadd.s32 $0x5100, s17  }
0x194: {  	s21 =	sadd.s32 $0xFFFFFFFF, s21;
	[tilespmem:s20+$0x0] =	vst v8  }
.LBB2_19:
0x195: {  	p1 =	sne.s32 s21, $0x1  }
.Ltmp15:
0x196: {  	_ = 	snop;
	(pc) =	sbr.rel @p1 .LBB2_19-.Ltmp15, $3  }
0x197: {  	_ =	sdelay $0x1  }
0x198: {  	s21 =	sadd.s32 $0xFFFFFFFF, s21;
	s20 =	sadd.s32 $0x10, s20  }
0x199: {  	[tilespmem:s20+$0x0] =	vst v8  }
.LBB2_20:
0x19a: {  	s20 =	sshll.u32 s18, $0x6  }
0x19b: {  	p1 =	sne.s32 s17, s20  }
0x19c: {  	p0 =	por !p0, !p1  }
0x19d: {  	s17 =	simm.s32 $0x1;
	p0 =	por !p0, !p0  }
0x19e: {  	s17 =	simm.s32 @!p0 $0x0  }
0x19f: {  	s17 =	ssub.s32 s18, s17  }
0x1a0: {  	s18 =	sshll.u32 s17, $0x8  }
0x1a1: {  	s18 =	sshra.s32 s18, $0x2  }
0x1a2: {  	v8 =	vld [tilespmem:s18+$0x5100];
	_ =	sdelay $0x2  }
0x1a3: {  	s17 =	sshll.u32 s17, $0x9  }
0x1a4: {  	s17 =	sshra.s32 s17, $0x2  }
0x1a5: {  	[tilespmem:s17+$0xA180] =	vst v8  }
0x1a6: {  	v8 =	vld [tilespmem:s18+$0x5110];
	_ =	sdelay $0x4  }
0x1a7: {  	[tilespmem:s17+$0xA190] =	vst v8  }
0x1a8: {  	v8 =	vld [tilespmem:s18+$0x5120];
	_ =	sdelay $0x4  }
0x1a9: {  	[tilespmem:s17+$0xA1A0] =	vst v8  }
0x1aa: {  	v8 =	vld [tilespmem:s18+$0x5130];
	_ =	sdelay $0x4  }
0x1ab: {  	s31 =	sadd.s32 $0xA180, s17;
	[tilespmem:s17+$0xA1B0] =	vst v8  }
0x1ac: {  	[hbm4b:s1+s14] =	stream.indirect.scatter [tilespmem:s15], [sflag:$0x1], $0x80, s31, s14, $0xb8;
	[tilespmem:$0xE180] =	vst v63  }
0x1ad: {  	_ = 	snop  }
0x1ae: {  	[hbm4b:s6+s14] =	stream.indirect.scatter [tilespmem:s15], [sflag:$0x1], $0x80, s31, s14, $0xb8;
	[tilespmem:$0xE180] =	vst v63  }
.LBB2_21:
0x1af: {  	p0 =	slt.s32 s19, $0x1  }
.Ltmp16:
0x1b0: {  	_ = 	snop;
	(pc) =	sbr.rel @p0 .LBB2_33-.Ltmp16, $1  }
0x1b1: {  	_ =	sdelay $0x3  }
0x1b2: {  	p0 =	seq.s32 s19, $0x1  }
.Ltmp17:
0x1b3: {  	_ = 	snop;
	(pc) =	sbr.rel @p0 .LBB2_23-.Ltmp17, $3  }
0x1b4: {  	_ =	sdelay $0x1  }
0x1b5: {  	s20 =	simm.s32 $0x3020  }
0x1b6: {  	s18 =	simm.s32 $0x61A0;
	s17 =	sadd.s32 $0xFFFFFFFF, s19;
	p1 =	por $0x0, $0x0;
	v8 =	vld [tilespmem:s20+$0xFFFFFFE0]  }
0x1b7: {  	_ =	sdelay $0x3  }
0x1b8: {  	[tilespmem:s18+$0xFFFFFFE0] =	vst v8  }
0x1b9: {  	v8 =	vld [tilespmem:s20+$0xFFFFFFF0];
	_ =	sdelay $0x4  }
0x1ba: {  	[tilespmem:s18+$0xFFFFFFF0] =	vst v8  }
0x1bb: {  	v8 =	vld [tilespmem:s20+$0x0];
	_ =	sdelay $0x4  }
0x1bc: {  	[tilespmem:s18+$0x0] =	vst v8  }
0x1bd: {  	v8 =	vld [tilespmem:s20+$0x10]  }
0x1be: {  	p2 =	seq.s32 s17, $0x1  }
.Ltmp18:
0x1bf: {  	_ = 	snop;
	(pc) =	sbr.rel @p2 .LBB2_25-.Ltmp18, $3  }
0x1c0: {  	_ =	sdelay $0x1  }
0x1c1: {  	s20 =	simm.s32 $0x3060;
	[tilespmem:s18+$0x10] =	vst v8  }
0x1c2: {  	s21 =	sadd.s32 $0xFFFFFFFF, s17;
	p1 =	por $0x1, $0x1;
	s19 =	simm.s32 $0x61A0;
	v8 =	vld [tilespmem:s20+$0xFFFFFFE0]  }
.LBB2_26:
0x1c3: {  	p2 =	seq.s32 s21, $0x1;
	_ =	sdelay $0x2  }
0x1c4: {  	s19 =	sadd.s32 $0x80, s19  }
0x1c5: {  	[tilespmem:s19+$0xFFFFFFE0] =	vst v8  }
0x1c6: {  	v8 =	vld [tilespmem:s20+$0xFFFFFFF0];
	_ =	sdelay $0x4  }
0x1c7: {  	[tilespmem:s19+$0xFFFFFFF0] =	vst v8  }
0x1c8: {  	v8 =	vld [tilespmem:s20+$0x0];
	_ =	sdelay $0x4  }
0x1c9: {  	[tilespmem:s19+$0x0] =	vst v8  }
0x1ca: {  	v8 =	vld [tilespmem:s20+$0x10];
	_ =	sdelay $0x1  }
.Ltmp19:
0x1cb: {  	(pc) =	sbr.rel @!p2 .LBB2_26-.Ltmp19, $3  }
0x1cc: {  	_ =	sdelay $0x1  }
0x1cd: {  	s20 =	sadd.s32 $0x40, s20;
	[tilespmem:s19+$0x10] =	vst v8  }
0x1ce: {  	s21 =	sadd.s32 $0xFFFFFFFF, s21;
	v8 =	vld [tilespmem:s20+$0xFFFFFFE0]  }
.LBB2_27:
0x1cf: {  	_ =	sdelay $0x1  }
0x1d0: {  	s19 =	sadd.s32 @p1 $0x80, s19  }
0x1d1: {  	s18 =	smov.u32 @p1 s19  }
0x1d2: {  	[tilespmem:s18+$0xFFFFFFE0] =	vst v8  }
0x1d3: {  	v8 =	vld [tilespmem:s20+$0xFFFFFFF0];
	_ =	sdelay $0x4  }
0x1d4: {  	[tilespmem:s18+$0xFFFFFFF0] =	vst v8  }
0x1d5: {  	v8 =	vld [tilespmem:s20+$0x0];
	_ =	sdelay $0x4  }
0x1d6: {  	[tilespmem:s18+$0x0] =	vst v8  }
0x1d7: {  	v8 =	vld [tilespmem:s20+$0x10];
	_ =	sdelay $0x1  }
.Ltmp20:
0x1d8: {  	_ = 	snop;
	(pc) =	sbr.rel @p0 .LBB2_28-.Ltmp20, $3  }
0x1d9: {  	_ =	sdelay $0x1  }
0x1da: {  	s19 =	simm.s32 $0x40A0;
	[tilespmem:s18+$0x10] =	vst v8  }
0x1db: {  	p1 =	por $0x0, $0x0;
	s18 =	simm.s32 $0x81A0;
	v8 =	vld [tilespmem:s19+$0xFFFFFFE0]  }
0x1dc: {  	_ =	sdelay $0x3  }
0x1dd: {  	[tilespmem:s18+$0xFFFFFFE0] =	vst v8  }
0x1de: {  	v8 =	vld [tilespmem:s19+$0xFFFFFFF0];
	_ =	sdelay $0x4  }
0x1df: {  	[tilespmem:s18+$0xFFFFFFF0] =	vst v8  }
0x1e0: {  	v8 =	vld [tilespmem:s19+$0x0];
	_ =	sdelay $0x4  }
0x1e1: {  	[tilespmem:s18+$0x0] =	vst v8  }
0x1e2: {  	v8 =	vld [tilespmem:s19+$0x10]  }
0x1e3: {  	p0 =	seq.s32 s17, $0x1  }
.Ltmp21:
0x1e4: {  	_ = 	snop;
	(pc) =	sbr.rel @p0 .LBB2_30-.Ltmp21, $3  }
0x1e5: {  	_ =	sdelay $0x1  }
0x1e6: {  	s19 =	simm.s32 $0x40E0;
	[tilespmem:s18+$0x10] =	vst v8  }
0x1e7: {  	s20 =	sadd.s32 $0xFFFFFFFF, s17;
	p1 =	por $0x1, $0x1;
	s17 =	simm.s32 $0x81A0;
	v8 =	vld [tilespmem:s19+$0xFFFFFFE0]  }
.LBB2_31:
0x1e8: {  	p0 =	seq.s32 s20, $0x1;
	_ =	sdelay $0x2  }
0x1e9: {  	s17 =	sadd.s32 $0x80, s17  }
0x1ea: {  	[tilespmem:s17+$0xFFFFFFE0] =	vst v8  }
0x1eb: {  	v8 =	vld [tilespmem:s19+$0xFFFFFFF0];
	_ =	sdelay $0x4  }
0x1ec: {  	[tilespmem:s17+$0xFFFFFFF0] =	vst v8  }
0x1ed: {  	v8 =	vld [tilespmem:s19+$0x0];
	_ =	sdelay $0x4  }
0x1ee: {  	[tilespmem:s17+$0x0] =	vst v8  }
0x1ef: {  	v8 =	vld [tilespmem:s19+$0x10];
	_ =	sdelay $0x1  }
.Ltmp22:
0x1f0: {  	(pc) =	sbr.rel @!p0 .LBB2_31-.Ltmp22, $3  }
0x1f1: {  	_ =	sdelay $0x1  }
0x1f2: {  	s19 =	sadd.s32 $0x40, s19;
	[tilespmem:s17+$0x10] =	vst v8  }
0x1f3: {  	s20 =	sadd.s32 $0xFFFFFFFF, s20;
	v8 =	vld [tilespmem:s19+$0xFFFFFFE0]  }
.LBB2_32:
0x1f4: {  	_ =	sdelay $0x1  }
0x1f5: {  	s17 =	sadd.s32 @p1 $0x80, s17  }
0x1f6: {  	s18 =	smov.u32 @p1 s17  }
0x1f7: {  	[tilespmem:s18+$0xFFFFFFE0] =	vst v8  }
0x1f8: {  	v8 =	vld [tilespmem:s19+$0xFFFFFFF0];
	_ =	sdelay $0x4  }
0x1f9: {  	[tilespmem:s18+$0xFFFFFFF0] =	vst v8  }
0x1fa: {  	v8 =	vld [tilespmem:s19+$0x0];
	_ =	sdelay $0x4  }
0x1fb: {  	[tilespmem:s18+$0x0] =	vst v8  }
0x1fc: {  	v8 =	vld [tilespmem:s19+$0x10];
	_ =	sdelay $0x4  }
0x1fd: {  	[tilespmem:s18+$0x10] =	vst v8  }
.LBB2_33:
0x1fe: {  	p0 =	sgt.s32 s16, $0x0  }
.Ltmp23:
0x1ff: {  	_ = 	snop;
	(pc) =	sbr.rel @!p0 .LBB2_37-.Ltmp23, $1  }
0x200: {  	_ =	sdelay $0x3  }
0x201: {  	p0 =	sne.s32 s16, $0x1  }
.Ltmp24:
0x202: {  	_ =	swait.ge [sflag:s13], $0x2000;
	(pc) =	sbr.rel @!p0 .LBB2_36-.Ltmp24, $4  }
0x203: {  	[sflag:s13] =	ssyncset.done $0x0  }
0x204: {  	[sflag:s13] =	ssyncadd.s32 $0xFFFFE000  }
0x205: {  	_ =	swait.ge [sflag:s13], $0x2000  }
0x206: {  	s16 =	sadd.s32 $0xFFFFFFFF, s16;
	[sflag:s13] =	ssyncset.done $0x0  }
.LBB2_35:
0x207: {  	p0 =	sne.s32 s16, $0x1;
	s16 =	sadd.s32 $0xFFFFFFFF, s16;
	[sflag:s13] =	ssyncadd.s32 $0xFFFFE000  }
.Ltmp25:
0x208: {  	_ =	swait.ge [sflag:s13], $0x2000;
	(pc) =	sbr.rel @p0 .LBB2_35-.Ltmp25, $4  }
0x209: {  	[sflag:s13] =	ssyncset.done $0x0  }
0x20a: {  	[sflag:s13] =	ssyncadd.s32 $0xFFFFE000  }
0x20b: {  	_ =	swait.ge [sflag:s13], $0x2000  }
0x20c: {  	[sflag:s13] =	ssyncset.done $0x0  }
.Ltmp26:
0x20d: {  	_ = 	snop;
	(pc) =	sbr.rel .LBB2_36-.Ltmp26, $1  }
0x20e: {  	_ =	sdelay $0x3  }
.LBB2_23:
.Ltmp27:
0x20f: {  	(pc) =	sbr.rel .LBB2_27-.Ltmp27, $2  }
0x210: {  	_ =	sdelay $0x2  }
0x211: {  	s19 =	simm.s32 $0x61A0  }
.LBB2_28:
.Ltmp28:
0x212: {  	(pc) =	sbr.rel .LBB2_32-.Ltmp28, $2  }
0x213: {  	_ =	sdelay $0x2  }
0x214: {  	s17 =	simm.s32 $0x81A0  }
.LBB2_25:
.Ltmp29:
0x215: {  	(pc) =	sbr.rel .LBB2_27-.Ltmp29, $2  }
0x216: {  	_ =	sdelay $0x2  }
0x217: {  	s19 =	simm.s32 $0x61A0  }
.LBB2_30:
.Ltmp30:
0x218: {  	(pc) =	sbr.rel .LBB2_32-.Ltmp30, $2  }
0x219: {  	_ =	sdelay $0x2  }
0x21a: {  	s17 =	simm.s32 $0x81A0  }
.LBB2_38:
0x21b: {  	_ =	sfence.sel $0x180000  }
0x21c: {  	[bflag:$0x0] =	sbarrier.arrive $0xFFFF  }
0x21d: {  	p0 =	sne.s32 s2, $0x0;
	_ =	strace $0x90000047  }
0x21e: {  	s0 =	sadd.s32 @!p0 $0x100000, s0;
	[bflag:$0x2] =	sbarrier.arrive $0xFFFF  }
0x21f: {  	[sflag:s0] =	ssyncadd.tile.s32 @!p0 $0x1;
	_ =	shalt  }
.Lfunc_end2:
_tile_overlayer_lowered:
.L_overlay_start_2:
0x220: {  	(tag) =	ssettag $0x2  }
0x221: {  	s0 =	rddreg [dreg:$0x0];
	s2 =	stileid.u32  }
0x222: {  	s1 =	rddreg [dreg:$0x1];
	p0 =	sne.s32 s2, $0x0  }
0x223: {  	s3 =	rddreg [dreg:$0x2];
	[bflag:$0x3] =	sbarrier.arrive $0xFFFF;
	s2 =	simm.s32 @!p0 $0x1C02  }
0x224: {  	[timem:s3], [sflag:s2] =	dma.local @!p0 [hbm:s0], s1  }
0x225: {  	s0 =	simm.s32 @!p0 $0x2  }
0x226: {  	_ =	swait.ge @!p0 [sflag:s0], s1  }
0x227: {  	s1 =	ssub.s32 @!p0 $0x0, s1;
	[sflag:s0] =	ssyncset.done @!p0 $0x0  }
0x228: {  	[sflag:s0] =	ssyncadd.s32 @!p0 s1  }
0x229: {  	[bflag:$0x3] =	sbarrier.arrive $0xFFFF  }
0x22a: {  	_ =	shalt  }

</sc_bundles>
